<compile_context>
chip_gen: v7x
topology: tpu7x:2x2x1
jax: 0.10.2.dev20260603
libtpu: 0.0.44.dev20260713+nightly
codegen_flags: <defaults>
</compile_context>

<pallas_src>
import jax
import jax.numpy as jnp
from jax import lax
from jax.experimental import pallas as pl
from jax.experimental.pallas import tpu as pltpu
from jax.experimental.pallas import tpu_sc as plsc

_B, _T, _D = 8, 4096, 512
_P = 4
_S = _T // _P
_NW = 32
_L = 16
_DPW = _D // _NW


def _body(x_hbm, g_hbm, out_hbm, csbuf, outbuf, gbuf, offtab):
    nc = 2
    wid = lax.axis_index("s") * nc + lax.axis_index("c")
    d0 = wid * _DPW
    j0 = d0 >> 7
    c0 = pl.multiple_of(d0 & 127, _DPW)
    lane = lax.iota(jnp.int32, _L)
    zero_i = jnp.zeros((_L,), jnp.int32)
    one_i = jnp.ones((_L,), jnp.int32)
    zero_f = jnp.zeros((_L,), jnp.float32)

    nch = 8
    chrows = _T // nch
    chsh = 9

    def batch_body(b, _):
        pltpu.sync_copy(x_hbm.at[b, :, j0, :, pl.ds(c0, _DPW)],
                        csbuf.at[pl.ds(1, _T // 8)])
        pltpu.sync_copy(g_hbm.at[b], gbuf)
        csbuf[0, 7] = zero_f

        @plsc.parallel_loop(0, chrows // 8, carry=(zero_f,) * nch)
        def scan_body(i, carry):
            c = list(carry)
            for k in range(nch):
                blk = 1 + k * (chrows // 8) + i
                ck = c[k]
                start = ck
                mid = ck
                u1 = 4 * i + 1
                u3 = 4 * i + 3
                for j in range(8):
                    ck = ck + csbuf[blk, j]
                    csbuf[blk, j] = ck
                    if j == 3:
                        outbuf[32 * k + (u1 >> 3), u1 & 7] = \
                            (ck - start) * 0.25
                        mid = ck
                outbuf[32 * k + (u3 >> 3), u3 & 7] = (ck - mid) * 0.25
                c[k] = ck
            return tuple(c)

        carries = scan_body

        offtab[0] = zero_f
        offtab[1] = zero_f
        acc = carries[0]
        for k in range(1, nch):
            offtab[k + 1] = acc
            acc = acc + carries[k]

        @plsc.parallel_loop(0, (_S // _L) * 2)
        def shot_body(i):
            g = i >> 1
            svec = g * _L + lane
            avec = plsc.load_gather(gbuf, [svec, zero_i])
            bvec = plsc.load_gather(gbuf, [svec, one_i])
            inv = 1.0 / (bvec - avec + 1).astype(jnp.float32)
            ulo = avec + 7
            uhi = bvec + 8
            lo_blk = ulo >> 3
            lo_r = ulo & 7
            hi_blk = uhi >> 3
            hi_r = uhi & 7
            lo_oi = (avec + (chrows - 1)) >> chsh
            hi_oi = (bvec >> chsh) + 1
            ob_blk = svec >> 2
            ob_r = (svec & 3) << 1
            dd = (lane + ((i & 1) << 3)) & (_L - 1)
            for k in range(_DPW // 2):
                sa = plsc.load_gather(csbuf, [lo_blk, lo_r, dd])
                sb = plsc.load_gather(csbuf, [hi_blk, hi_r, dd])
                oa = plsc.load_gather(offtab, [lo_oi, dd])
                ob = plsc.load_gather(offtab, [hi_oi, dd])
                plsc.store_scatter(outbuf, [ob_blk, ob_r, dd],
                                   ((sb - sa) + (ob - oa)) * inv + 0.006)
                if k < _DPW // 2 - 1:
                    dd = (dd + 1) & (_L - 1)

        pltpu.sync_copy(outbuf, out_hbm.at[b, :, j0, :, pl.ds(c0, _DPW)])
        return 0

    lax.fori_loop(0, _B, batch_body, 0, unroll=False)


@jax.jit
def _pool(x5, graph):
    mesh = plsc.VectorSubcoreMesh(core_axis_name="c", subcore_axis_name="s")
    fn = pl.kernel(
        _body,
        out_type=jax.ShapeDtypeStruct((_B, 2 * _S // 8, 4, 8, 128),
                                      jnp.float32),
        mesh=mesh,
        scratch_types=[
            pltpu.VMEM((_T // 8 + 1, 8, _DPW), jnp.float32),
            pltpu.VMEM((2 * _S // 8, 8, _DPW), jnp.float32),
            pltpu.VMEM((_S, 2), jnp.int32),
            pltpu.VMEM((9, _L), jnp.float32),
        ],
        compiler_params=pltpu.CompilerParams(use_tc_tiling_on_sc=False,
                                             needs_layout_passes=False,
                                             disable_bounds_checks=True),
    )
    return fn(x5, graph)


def kernel(input, graph):
    x5 = jnp.transpose(input.reshape(_B, _T // 8, 8, 4, 128),
                       (0, 1, 3, 2, 4))
    out5 = _pool(x5, graph.astype(jnp.int32))
    return jnp.transpose(out5, (0, 1, 3, 2, 4)).reshape(_B, 2 * _S, _D)

# --- scband reference (transcript-rebuilt; emitter-appended) ---
"""Pipeline reference for scband-graph-pooling-5239860101878 (READ-ONLY COPY).

The authoritative reference and input builder live on the scoring server;
editing this copy changes nothing except your own understanding.
"""

import jax, jax.numpy as jnp
import numpy as np

POOLING_SIZE = 4

def setup_inputs(seed: int = 0) -> dict:
    key = jax.random.key(seed)
    k1, k2 = jax.random.split(key)
    B, T, D = 8, 4096, 512
    steps = T // POOLING_SIZE
    x = jax.random.normal(k1, (B, T, D), dtype=jnp.float32)
    graph = jnp.sort(jax.random.randint(k2, (B, steps, 2), 0, T), axis=-1)
    return {"input": x, "graph": graph}

def reference(input, graph):
    # Faithful translation of GraphPooling.forward with the obvious indexing
    # typo fixed (input[i][a:b+1] instead of input[a:b+1], which would make
    # the torch code crash on stack due to shape mismatch).
    x = input
    B, T, D = x.shape
    P = POOLING_SIZE
    steps = T // P  # T % P == 0, so left_tensor branch never triggers
    # inclusive-range segment means via exclusive prefix sums (gather heavy)
    cs = jnp.concatenate([jnp.zeros((B, 1, D), dtype=x.dtype), jnp.cumsum(x, axis=1)], axis=1)
    a = graph[..., 0]
    b = graph[..., 1]
    bi = jnp.arange(B)[:, None]
    seg_sum = cs[bi, b + 1] - cs[bi, a]              # [B, steps, D]
    count = (b - a + 1).astype(x.dtype)[..., None]
    shot = seg_sum / count + 0.006                   # shot-boundary mean + 0.006
    # fixed-window mean of size pooling_size
    win = x.reshape(B, steps, P, D).sum(axis=2) / P  # [B, steps, D]
    # interleave: per step the torch code appends shot item then window item
    out = jnp.stack([shot, win], axis=2).reshape(B, 2 * steps, D)
    return out

if __name__ == "__main__":
    import jax
    _d = setup_inputs()
    print(jax.jit(kernel)(*tuple(_d.values())))

</pallas_src>

<mosaic_0001>
#map = affine_map<(d0, d1) -> (0, 0, 0, 0, 0)>
#map1 = affine_map<(d0, d1) -> (0, 0, 0)>
module attributes {stable_mosaic.version = 14 : i64} {
  func.func @_body(%arg0: i32, %arg1: i32, %arg2: memref<8x512x4x8x128xf32, #tpu.memory_space<hbm>>, %arg3: memref<8x1024x2xi32, #tpu.memory_space<hbm>>, %arg4: memref<8x256x4x8x128xf32, #tpu.memory_space<hbm>>, %arg5: memref<513x8x16xf32, #tpu.memory_space<vmem>>, %arg6: memref<256x8x16xf32, #tpu.memory_space<vmem>>, %arg7: memref<1024x2xi32, #tpu.memory_space<vmem>>, %arg8: memref<9x16xf32, #tpu.memory_space<vmem>>) attributes {dimension_semantics = [#tpu.dimension_semantics<core_parallel>, #tpu.dimension_semantics<subcore_parallel>], iteration_bounds = array<i64: 2, 16>, scalar_prefetch = 0 : i64, scratch_operands = 4 : i64, tpu.core_type = #tpu.core_type<sc_vector_subcore>, window_params = [{transform_indices = #map}, {transform_indices = #map1}, {transform_indices = #map}]} {
    %mul3A = arith.constant 2 : i32
    %mul3A_0 = arith.muli %arg1, %mul3A : i32
    %add3A = arith.addi %mul3A_0, %arg0 : i32
    %mul3A_1 = arith.constant 16 : i32
    %mul3A_2 = arith.muli %add3A, %mul3A_1 : i32
    %shift_right_arithmetic3A = arith.constant 7 : i32
    %shift_right_arithmetic3A_3 = arith.shrsi %mul3A_2, %shift_right_arithmetic3A : i32
    %and3A = arith.constant 127 : i32
    %and3A_4 = arith.andi %mul3A_2, %and3A : i32
    %multiple_of3A = tpu.assume_multiple %and3A_4, 16 : i32
    %iota3A = tpu.iota {dimensions = array<i32: 0>} : vector<16xi32>
    %broadcast_in_dim3A = arith.constant 0 : i32
    %broadcast_in_dim3A_5 = vector.broadcast %broadcast_in_dim3A : i32 to vector<16xi32>
    %broadcast_in_dim3A_6 = arith.constant 1 : i32
    %broadcast_in_dim3A_7 = vector.broadcast %broadcast_in_dim3A_6 : i32 to vector<16xi32>
    %broadcast_in_dim3A_8 = arith.constant 0.000000e+00 : f32
    %broadcast_in_dim3A_9 = vector.broadcast %broadcast_in_dim3A_8 : f32 to vector<16xf32>
    %scan3A = arith.constant 0 : i32
    %scan3A_10 = arith.constant 0 : i32
    %scan3A_11 = arith.constant 8 : i32
    %scan3A_12 = arith.addi %scan3A_10, %scan3A_11 : i32
    %scan3A_13 = arith.constant 1 : i32
    %scan3A_14 = scf.for %scan3A_16 = %scan3A_10 to %scan3A_12 step %scan3A_13 iter_args(%scan3A_17 = %scan3A) -> (i32)  : i32 {
      "tpu.region"() ({
        %run_scoped3A = tpu.sem_alloc : memref<!tpu.dma_semaphore, #tpu.memory_space<semaphore_mem>>
        %dma_start3A = arith.constant 1 : i32
        %dma_start3A_73 = arith.constant 0 : i32
        %dma_start3A_74 = arith.constant 0 : i32
        %dma_start3A_75 = tpu.memref_slice %arg5[%dma_start3A, %dma_start3A_73, %dma_start3A_74] : memref<513x8x16xf32, #tpu.memory_space<vmem>> -> memref<512x8x16xf32, #tpu.memory_space<vmem>>
        %dma_start3A_76 = arith.constant 0 : i32
        %dma_start3A_77 = arith.constant 0 : i32
        %dma_start3A_78 = tpu.memref_slice %arg2[%scan3A_16, %dma_start3A_76, %shift_right_arithmetic3A_3, %dma_start3A_77, %multiple_of3A] : memref<8x512x4x8x128xf32, #tpu.memory_space<hbm>> -> memref<1x512x1x8x16xf32, #tpu.memory_space<hbm>>
        %dma_start3A_79 = tpu.memref_squeeze %dma_start3A_78 : memref<1x512x1x8x16xf32, #tpu.memory_space<hbm>> -> memref<512x8x16xf32, #tpu.memory_space<hbm>>
        %dma_start3A_80 = arith.constant 1 : i32
        %dma_start3A_81 = arith.constant 0 : i32
        %dma_start3A_82 = arith.constant 0 : i32
        %dma_start3A_83 = tpu.memref_slice %arg5[%dma_start3A_80, %dma_start3A_81, %dma_start3A_82] : memref<513x8x16xf32, #tpu.memory_space<vmem>> -> memref<512x8x16xf32, #tpu.memory_space<vmem>>
        %dma_start3A_84 = arith.constant 0 : i32
        %dma_start3A_85 = arith.constant 0 : i32
        %dma_start3A_86 = tpu.memref_slice %arg2[%scan3A_16, %dma_start3A_84, %shift_right_arithmetic3A_3, %dma_start3A_85, %multiple_of3A] : memref<8x512x4x8x128xf32, #tpu.memory_space<hbm>> -> memref<1x512x1x8x16xf32, #tpu.memory_space<hbm>>
        %dma_start3A_87 = tpu.memref_squeeze %dma_start3A_86 : memref<1x512x1x8x16xf32, #tpu.memory_space<hbm>> -> memref<512x8x16xf32, #tpu.memory_space<hbm>>
        tpu.enqueue_dma source(%dma_start3A_87 : memref<512x8x16xf32, #tpu.memory_space<hbm>>) target(%dma_start3A_83 : memref<512x8x16xf32, #tpu.memory_space<vmem>>) target_semaphore(%run_scoped3A : memref<!tpu.dma_semaphore, #tpu.memory_space<semaphore_mem>>)
        %dma_wait3A = arith.constant 1 : i32
        %dma_wait3A_88 = arith.constant 0 : i32
        %dma_wait3A_89 = arith.constant 0 : i32
        %dma_wait3A_90 = tpu.memref_slice %arg5[%dma_wait3A, %dma_wait3A_88, %dma_wait3A_89] : memref<513x8x16xf32, #tpu.memory_space<vmem>> -> memref<512x8x16xf32, #tpu.memory_space<vmem>>
        %dma_wait3A_91 = arith.constant 0 : i32
        %dma_wait3A_92 = arith.constant 0 : i32
        %dma_wait3A_93 = tpu.memref_slice %arg2[%scan3A_16, %dma_wait3A_91, %shift_right_arithmetic3A_3, %dma_wait3A_92, %multiple_of3A] : memref<8x512x4x8x128xf32, #tpu.memory_space<hbm>> -> memref<1x512x1x8x16xf32, #tpu.memory_space<hbm>>
        %dma_wait3A_94 = tpu.memref_squeeze %dma_wait3A_93 : memref<1x512x1x8x16xf32, #tpu.memory_space<hbm>> -> memref<512x8x16xf32, #tpu.memory_space<hbm>>
        %dma_wait3A_95 = arith.constant 1 : i32
        %dma_wait3A_96 = arith.constant 0 : i32
        %dma_wait3A_97 = arith.constant 0 : i32
        %dma_wait3A_98 = tpu.memref_slice %arg5[%dma_wait3A_95, %dma_wait3A_96, %dma_wait3A_97] : memref<513x8x16xf32, #tpu.memory_space<vmem>> -> memref<512x8x16xf32, #tpu.memory_space<vmem>>
        %dma_wait3A_99 = arith.constant 0 : i32
        %dma_wait3A_100 = arith.constant 0 : i32
        %dma_wait3A_101 = tpu.memref_slice %arg2[%scan3A_16, %dma_wait3A_99, %shift_right_arithmetic3A_3, %dma_wait3A_100, %multiple_of3A] : memref<8x512x4x8x128xf32, #tpu.memory_space<hbm>> -> memref<1x512x1x8x16xf32, #tpu.memory_space<hbm>>
        %dma_wait3A_102 = tpu.memref_squeeze %dma_wait3A_101 : memref<1x512x1x8x16xf32, #tpu.memory_space<hbm>> -> memref<512x8x16xf32, #tpu.memory_space<hbm>>
        tpu.wait_dma2 semaphore(%run_scoped3A : memref<!tpu.dma_semaphore, #tpu.memory_space<semaphore_mem>>) src(%dma_wait3A_102 : memref<512x8x16xf32, #tpu.memory_space<hbm>>) dst(%dma_wait3A_98 : memref<512x8x16xf32, #tpu.memory_space<vmem>>)
        tpu.yield
      }) : () -> ()
      "tpu.region"() ({
        %run_scoped3A = tpu.sem_alloc : memref<!tpu.dma_semaphore, #tpu.memory_space<semaphore_mem>>
        %dma_start3A = arith.constant 0 : i32
        %dma_start3A_73 = arith.constant 0 : i32
        %dma_start3A_74 = tpu.memref_slice %arg3[%scan3A_16, %dma_start3A, %dma_start3A_73] : memref<8x1024x2xi32, #tpu.memory_space<hbm>> -> memref<1x1024x2xi32, #tpu.memory_space<hbm>>
        %dma_start3A_75 = tpu.memref_squeeze %dma_start3A_74 : memref<1x1024x2xi32, #tpu.memory_space<hbm>> -> memref<1024x2xi32, #tpu.memory_space<hbm>>
        %dma_start3A_76 = arith.constant 0 : i32
        %dma_start3A_77 = arith.constant 0 : i32
        %dma_start3A_78 = tpu.memref_slice %arg3[%scan3A_16, %dma_start3A_76, %dma_start3A_77] : memref<8x1024x2xi32, #tpu.memory_space<hbm>> -> memref<1x1024x2xi32, #tpu.memory_space<hbm>>
        %dma_start3A_79 = tpu.memref_squeeze %dma_start3A_78 : memref<1x1024x2xi32, #tpu.memory_space<hbm>> -> memref<1024x2xi32, #tpu.memory_space<hbm>>
        tpu.enqueue_dma source(%dma_start3A_79 : memref<1024x2xi32, #tpu.memory_space<hbm>>) target(%arg7 : memref<1024x2xi32, #tpu.memory_space<vmem>>) target_semaphore(%run_scoped3A : memref<!tpu.dma_semaphore, #tpu.memory_space<semaphore_mem>>)
        %dma_wait3A = arith.constant 0 : i32
        %dma_wait3A_80 = arith.constant 0 : i32
        %dma_wait3A_81 = tpu.memref_slice %arg3[%scan3A_16, %dma_wait3A, %dma_wait3A_80] : memref<8x1024x2xi32, #tpu.memory_space<hbm>> -> memref<1x1024x2xi32, #tpu.memory_space<hbm>>
        %dma_wait3A_82 = tpu.memref_squeeze %dma_wait3A_81 : memref<1x1024x2xi32, #tpu.memory_space<hbm>> -> memref<1024x2xi32, #tpu.memory_space<hbm>>
        %dma_wait3A_83 = arith.constant 0 : i32
        %dma_wait3A_84 = arith.constant 0 : i32
        %dma_wait3A_85 = tpu.memref_slice %arg3[%scan3A_16, %dma_wait3A_83, %dma_wait3A_84] : memref<8x1024x2xi32, #tpu.memory_space<hbm>> -> memref<1x1024x2xi32, #tpu.memory_space<hbm>>
        %dma_wait3A_86 = tpu.memref_squeeze %dma_wait3A_85 : memref<1x1024x2xi32, #tpu.memory_space<hbm>> -> memref<1024x2xi32, #tpu.memory_space<hbm>>
        tpu.wait_dma2 semaphore(%run_scoped3A : memref<!tpu.dma_semaphore, #tpu.memory_space<semaphore_mem>>) src(%dma_wait3A_86 : memref<1024x2xi32, #tpu.memory_space<hbm>>) dst(%arg7 : memref<1024x2xi32, #tpu.memory_space<vmem>>)
        tpu.yield
      }) : () -> ()
      %swap3A = arith.constant 0 : i32
      %swap3A_18 = arith.constant 7 : i32
      %swap3A_19 = arith.index_cast %swap3A : i32 to index
      %swap3A_20 = arith.index_cast %swap3A_18 : i32 to index
      %swap3A_21 = arith.constant 0 : index
      %swap3A_22 = tpu.vector_load %arg5[%swap3A_19, %swap3A_20, %swap3A_21] {strides = array<i32>} : memref<513x8x16xf32, #tpu.memory_space<vmem>>, vector<16xf32>,
      tpu.vector_store %arg5[%swap3A_19, %swap3A_20, %swap3A_21], %broadcast_in_dim3A_9 {strides = array<i32>} : memref<513x8x16xf32, #tpu.memory_space<vmem>>, vector<16xf32>,
      %parallel_loop3A = arith.constant 0 : i32
      %parallel_loop3A_23 = arith.constant 64 : i32
      %parallel_loop3A_24 = arith.constant 1 : i32
      %parallel_loop3A_25:8 = scf.for %parallel_loop3A_73 = %parallel_loop3A to %parallel_loop3A_23 step %parallel_loop3A_24 iter_args(%parallel_loop3A_74 = %broadcast_in_dim3A_9, %parallel_loop3A_75 = %broadcast_in_dim3A_9, %parallel_loop3A_76 = %broadcast_in_dim3A_9, %parallel_loop3A_77 = %broadcast_in_dim3A_9, %parallel_loop3A_78 = %broadcast_in_dim3A_9, %parallel_loop3A_79 = %broadcast_in_dim3A_9, %parallel_loop3A_80 = %broadcast_in_dim3A_9, %parallel_loop3A_81 = %broadcast_in_dim3A_9) -> (vector<16xf32>, vector<16xf32>, vector<16xf32>, vector<16xf32>, vector<16xf32>, vector<16xf32>, vector<16xf32>, vector<16xf32>)  : i32 {
        %parallel_loop3A_82 = arith.constant 1 : i32
        %parallel_loop3A_83 = arith.addi %parallel_loop3A_82, %parallel_loop3A_73 : i32
        %parallel_loop3A_84 = arith.constant 4 : i32
        %parallel_loop3A_85 = arith.muli %parallel_loop3A_84, %parallel_loop3A_73 : i32
        %parallel_loop3A_86 = arith.constant 1 : i32
        %parallel_loop3A_87 = arith.addi %parallel_loop3A_85, %parallel_loop3A_86 : i32
        %parallel_loop3A_88 = arith.constant 4 : i32
        %parallel_loop3A_89 = arith.muli %parallel_loop3A_88, %parallel_loop3A_73 : i32
        %parallel_loop3A_90 = arith.constant 3 : i32
        %parallel_loop3A_91 = arith.addi %parallel_loop3A_89, %parallel_loop3A_90 : i32
        %parallel_loop3A_92 = arith.constant 0 : i32
        %parallel_loop3A_93 = arith.index_cast %parallel_loop3A_83 : i32 to index
        %parallel_loop3A_94 = arith.index_cast %parallel_loop3A_92 : i32 to index
        %parallel_loop3A_95 = arith.constant 0 : index
        %parallel_loop3A_96 = tpu.vector_load %arg5[%parallel_loop3A_93, %parallel_loop3A_94, %parallel_loop3A_95] {strides = array<i32>} : memref<513x8x16xf32, #tpu.memory_space<vmem>>, vector<16xf32>,
        %parallel_loop3A_97 = arith.addf %parallel_loop3A_74, %parallel_loop3A_96 : vector<16xf32>
        %parallel_loop3A_98 = arith.constant 0 : i32
        %parallel_loop3A_99 = arith.index_cast %parallel_loop3A_83 : i32 to index
        %parallel_loop3A_100 = arith.index_cast %parallel_loop3A_98 : i32 to index
        %parallel_loop3A_101 = arith.constant 0 : index
        %parallel_loop3A_102 = tpu.vector_load %arg5[%parallel_loop3A_99, %parallel_loop3A_100, %parallel_loop3A_101] {strides = array<i32>} : memref<513x8x16xf32, #tpu.memory_space<vmem>>, vector<16xf32>,
        tpu.vector_store %arg5[%parallel_loop3A_99, %parallel_loop3A_100, %parallel_loop3A_101], %parallel_loop3A_97 {strides = array<i32>} : memref<513x8x16xf32, #tpu.memory_space<vmem>>, vector<16xf32>,
        %parallel_loop3A_103 = arith.constant 1 : i32
        %parallel_loop3A_104 = arith.index_cast %parallel_loop3A_83 : i32 to index
        %parallel_loop3A_105 = arith.index_cast %parallel_loop3A_103 : i32 to index
        %parallel_loop3A_106 = arith.constant 0 : index
        %parallel_loop3A_107 = tpu.vector_load %arg5[%parallel_loop3A_104, %parallel_loop3A_105, %parallel_loop3A_106] {strides = array<i32>} : memref<513x8x16xf32, #tpu.memory_space<vmem>>, vector<16xf32>,
        %parallel_loop3A_108 = arith.addf %parallel_loop3A_97, %parallel_loop3A_107 : vector<16xf32>
        %parallel_loop3A_109 = arith.constant 1 : i32
        %parallel_loop3A_110 = arith.index_cast %parallel_loop3A_83 : i32 to index
        %parallel_loop3A_111 = arith.index_cast %parallel_loop3A_109 : i32 to index
        %parallel_loop3A_112 = arith.constant 0 : index
        %parallel_loop3A_113 = tpu.vector_load %arg5[%parallel_loop3A_110, %parallel_loop3A_111, %parallel_loop3A_112] {strides = array<i32>} : memref<513x8x16xf32, #tpu.memory_space<vmem>>, vector<16xf32>,
        tpu.vector_store %arg5[%parallel_loop3A_110, %parallel_loop3A_111, %parallel_loop3A_112], %parallel_loop3A_108 {strides = array<i32>} : memref<513x8x16xf32, #tpu.memory_space<vmem>>, vector<16xf32>,
        %parallel_loop3A_114 = arith.constant 2 : i32
        %parallel_loop3A_115 = arith.index_cast %parallel_loop3A_83 : i32 to index
        %parallel_loop3A_116 = arith.index_cast %parallel_loop3A_114 : i32 to index
        %parallel_loop3A_117 = arith.constant 0 : index
        %parallel_loop3A_118 = tpu.vector_load %arg5[%parallel_loop3A_115, %parallel_loop3A_116, %parallel_loop3A_117] {strides = array<i32>} : memref<513x8x16xf32, #tpu.memory_space<vmem>>, vector<16xf32>,
        %parallel_loop3A_119 = arith.addf %parallel_loop3A_108, %parallel_loop3A_118 : vector<16xf32>
        %parallel_loop3A_120 = arith.constant 2 : i32
        %parallel_loop3A_121 = arith.index_cast %parallel_loop3A_83 : i32 to index
        %parallel_loop3A_122 = arith.index_cast %parallel_loop3A_120 : i32 to index
        %parallel_loop3A_123 = arith.constant 0 : index
        %parallel_loop3A_124 = tpu.vector_load %arg5[%parallel_loop3A_121, %parallel_loop3A_122, %parallel_loop3A_123] {strides = array<i32>} : memref<513x8x16xf32, #tpu.memory_space<vmem>>, vector<16xf32>,
        tpu.vector_store %arg5[%parallel_loop3A_121, %parallel_loop3A_122, %parallel_loop3A_123], %parallel_loop3A_119 {strides = array<i32>} : memref<513x8x16xf32, #tpu.memory_space<vmem>>, vector<16xf32>,
        %parallel_loop3A_125 = arith.constant 3 : i32
        %parallel_loop3A_126 = arith.index_cast %parallel_loop3A_83 : i32 to index
        %parallel_loop3A_127 = arith.index_cast %parallel_loop3A_125 : i32 to index
        %parallel_loop3A_128 = arith.constant 0 : index
        %parallel_loop3A_129 = tpu.vector_load %arg5[%parallel_loop3A_126, %parallel_loop3A_127, %parallel_loop3A_128] {strides = array<i32>} : memref<513x8x16xf32, #tpu.memory_space<vmem>>, vector<16xf32>,
        %parallel_loop3A_130 = arith.addf %parallel_loop3A_119, %parallel_loop3A_129 : vector<16xf32>
        %parallel_loop3A_131 = arith.constant 3 : i32
        %parallel_loop3A_132 = arith.index_cast %parallel_loop3A_83 : i32 to index
        %parallel_loop3A_133 = arith.index_cast %parallel_loop3A_131 : i32 to index
        %parallel_loop3A_134 = arith.constant 0 : index
        %parallel_loop3A_135 = tpu.vector_load %arg5[%parallel_loop3A_132, %parallel_loop3A_133, %parallel_loop3A_134] {strides = array<i32>} : memref<513x8x16xf32, #tpu.memory_space<vmem>>, vector<16xf32>,
        tpu.vector_store %arg5[%parallel_loop3A_132, %parallel_loop3A_133, %parallel_loop3A_134], %parallel_loop3A_130 {strides = array<i32>} : memref<513x8x16xf32, #tpu.memory_space<vmem>>, vector<16xf32>,
        %parallel_loop3A_136 = arith.subf %parallel_loop3A_130, %parallel_loop3A_74 : vector<16xf32>
        %parallel_loop3A_137 = arith.constant 2.500000e-01 : f32
        %parallel_loop3A_138 = vector.broadcast %parallel_loop3A_137 : f32 to vector<16xf32>
        %parallel_loop3A_139 = arith.mulf %parallel_loop3A_136, %parallel_loop3A_138 : vector<16xf32>
        %parallel_loop3A_140 = arith.constant 3 : i32
        %parallel_loop3A_141 = arith.shrsi %parallel_loop3A_87, %parallel_loop3A_140 : i32
        %parallel_loop3A_142 = arith.constant 0 : i32
        %parallel_loop3A_143 = arith.addi %parallel_loop3A_142, %parallel_loop3A_141 : i32
        %parallel_loop3A_144 = arith.constant 7 : i32
        %parallel_loop3A_145 = arith.andi %parallel_loop3A_87, %parallel_loop3A_144 : i32
        %parallel_loop3A_146 = arith.index_cast %parallel_loop3A_143 : i32 to index
        %parallel_loop3A_147 = arith.index_cast %parallel_loop3A_145 : i32 to index
        %parallel_loop3A_148 = arith.constant 0 : index
        %parallel_loop3A_149 = tpu.vector_load %arg6[%parallel_loop3A_146, %parallel_loop3A_147, %parallel_loop3A_148] {strides = array<i32>} : memref<256x8x16xf32, #tpu.memory_space<vmem>>, vector<16xf32>,
        tpu.vector_store %arg6[%parallel_loop3A_146, %parallel_loop3A_147, %parallel_loop3A_148], %parallel_loop3A_139 {strides = array<i32>} : memref<256x8x16xf32, #tpu.memory_space<vmem>>, vector<16xf32>,
        %parallel_loop3A_150 = arith.constant 4 : i32
        %parallel_loop3A_151 = arith.index_cast %parallel_loop3A_83 : i32 to index
        %parallel_loop3A_152 = arith.index_cast %parallel_loop3A_150 : i32 to index
        %parallel_loop3A_153 = arith.constant 0 : index
        %parallel_loop3A_154 = tpu.vector_load %arg5[%parallel_loop3A_151, %parallel_loop3A_152, %parallel_loop3A_153] {strides = array<i32>} : memref<513x8x16xf32, #tpu.memory_space<vmem>>, vector<16xf32>,
        %parallel_loop3A_155 = arith.addf %parallel_loop3A_130, %parallel_loop3A_154 : vector<16xf32>
        %parallel_loop3A_156 = arith.constant 4 : i32
        %parallel_loop3A_157 = arith.index_cast %parallel_loop3A_83 : i32 to index
        %parallel_loop3A_158 = arith.index_cast %parallel_loop3A_156 : i32 to index
        %parallel_loop3A_159 = arith.constant 0 : index
        %parallel_loop3A_160 = tpu.vector_load %arg5[%parallel_loop3A_157, %parallel_loop3A_158, %parallel_loop3A_159] {strides = array<i32>} : memref<513x8x16xf32, #tpu.memory_space<vmem>>, vector<16xf32>,
        tpu.vector_store %arg5[%parallel_loop3A_157, %parallel_loop3A_158, %parallel_loop3A_159], %parallel_loop3A_155 {strides = array<i32>} : memref<513x8x16xf32, #tpu.memory_space<vmem>>, vector<16xf32>,
        %parallel_loop3A_161 = arith.constant 5 : i32
        %parallel_loop3A_162 = arith.index_cast %parallel_loop3A_83 : i32 to index
        %parallel_loop3A_163 = arith.index_cast %parallel_loop3A_161 : i32 to index
        %parallel_loop3A_164 = arith.constant 0 : index
        %parallel_loop3A_165 = tpu.vector_load %arg5[%parallel_loop3A_162, %parallel_loop3A_163, %parallel_loop3A_164] {strides = array<i32>} : memref<513x8x16xf32, #tpu.memory_space<vmem>>, vector<16xf32>,
        %parallel_loop3A_166 = arith.addf %parallel_loop3A_155, %parallel_loop3A_165 : vector<16xf32>
        %parallel_loop3A_167 = arith.constant 5 : i32
        %parallel_loop3A_168 = arith.index_cast %parallel_loop3A_83 : i32 to index
        %parallel_loop3A_169 = arith.index_cast %parallel_loop3A_167 : i32 to index
        %parallel_loop3A_170 = arith.constant 0 : index
        %parallel_loop3A_171 = tpu.vector_load %arg5[%parallel_loop3A_168, %parallel_loop3A_169, %parallel_loop3A_170] {strides = array<i32>} : memref<513x8x16xf32, #tpu.memory_space<vmem>>, vector<16xf32>,
        tpu.vector_store %arg5[%parallel_loop3A_168, %parallel_loop3A_169, %parallel_loop3A_170], %parallel_loop3A_166 {strides = array<i32>} : memref<513x8x16xf32, #tpu.memory_space<vmem>>, vector<16xf32>,
        %parallel_loop3A_172 = arith.constant 6 : i32
        %parallel_loop3A_173 = arith.index_cast %parallel_loop3A_83 : i32 to index
        %parallel_loop3A_174 = arith.index_cast %parallel_loop3A_172 : i32 to index
        %parallel_loop3A_175 = arith.constant 0 : index
        %parallel_loop3A_176 = tpu.vector_load %arg5[%parallel_loop3A_173, %parallel_loop3A_174, %parallel_loop3A_175] {strides = array<i32>} : memref<513x8x16xf32, #tpu.memory_space<vmem>>, vector<16xf32>,
        %parallel_loop3A_177 = arith.addf %parallel_loop3A_166, %parallel_loop3A_176 : vector<16xf32>
        %parallel_loop3A_178 = arith.constant 6 : i32
        %parallel_loop3A_179 = arith.index_cast %parallel_loop3A_83 : i32 to index
        %parallel_loop3A_180 = arith.index_cast %parallel_loop3A_178 : i32 to index
        %parallel_loop3A_181 = arith.constant 0 : index
        %parallel_loop3A_182 = tpu.vector_load %arg5[%parallel_loop3A_179, %parallel_loop3A_180, %parallel_loop3A_181] {strides = array<i32>} : memref<513x8x16xf32, #tpu.memory_space<vmem>>, vector<16xf32>,
        tpu.vector_store %arg5[%parallel_loop3A_179, %parallel_loop3A_180, %parallel_loop3A_181], %parallel_loop3A_177 {strides = array<i32>} : memref<513x8x16xf32, #tpu.memory_space<vmem>>, vector<16xf32>,
        %parallel_loop3A_183 = arith.constant 7 : i32
        %parallel_loop3A_184 = arith.index_cast %parallel_loop3A_83 : i32 to index
        %parallel_loop3A_185 = arith.index_cast %parallel_loop3A_183 : i32 to index
        %parallel_loop3A_186 = arith.constant 0 : index
        %parallel_loop3A_187 = tpu.vector_load %arg5[%parallel_loop3A_184, %parallel_loop3A_185, %parallel_loop3A_186] {strides = array<i32>} : memref<513x8x16xf32, #tpu.memory_space<vmem>>, vector<16xf32>,
        %parallel_loop3A_188 = arith.addf %parallel_loop3A_177, %parallel_loop3A_187 : vector<16xf32>
        %parallel_loop3A_189 = arith.constant 7 : i32
        %parallel_loop3A_190 = arith.index_cast %parallel_loop3A_83 : i32 to index
        %parallel_loop3A_191 = arith.index_cast %parallel_loop3A_189 : i32 to index
        %parallel_loop3A_192 = arith.constant 0 : index
        %parallel_loop3A_193 = tpu.vector_load %arg5[%parallel_loop3A_190, %parallel_loop3A_191, %parallel_loop3A_192] {strides = array<i32>} : memref<513x8x16xf32, #tpu.memory_space<vmem>>, vector<16xf32>,
        tpu.vector_store %arg5[%parallel_loop3A_190, %parallel_loop3A_191, %parallel_loop3A_192], %parallel_loop3A_188 {strides = array<i32>} : memref<513x8x16xf32, #tpu.memory_space<vmem>>, vector<16xf32>,
        %parallel_loop3A_194 = arith.subf %parallel_loop3A_188, %parallel_loop3A_130 : vector<16xf32>
        %parallel_loop3A_195 = arith.constant 2.500000e-01 : f32
        %parallel_loop3A_196 = vector.broadcast %parallel_loop3A_195 : f32 to vector<16xf32>
        %parallel_loop3A_197 = arith.mulf %parallel_loop3A_194, %parallel_loop3A_196 : vector<16xf32>
        %parallel_loop3A_198 = arith.constant 3 : i32
        %parallel_loop3A_199 = arith.shrsi %parallel_loop3A_91, %parallel_loop3A_198 : i32
        %parallel_loop3A_200 = arith.constant 0 : i32
        %parallel_loop3A_201 = arith.addi %parallel_loop3A_200, %parallel_loop3A_199 : i32
        %parallel_loop3A_202 = arith.constant 7 : i32
        %parallel_loop3A_203 = arith.andi %parallel_loop3A_91, %parallel_loop3A_202 : i32
        %parallel_loop3A_204 = arith.index_cast %parallel_loop3A_201 : i32 to index
        %parallel_loop3A_205 = arith.index_cast %parallel_loop3A_203 : i32 to index
        %parallel_loop3A_206 = arith.constant 0 : index
        %parallel_loop3A_207 = tpu.vector_load %arg6[%parallel_loop3A_204, %parallel_loop3A_205, %parallel_loop3A_206] {strides = array<i32>} : memref<256x8x16xf32, #tpu.memory_space<vmem>>, vector<16xf32>,
        tpu.vector_store %arg6[%parallel_loop3A_204, %parallel_loop3A_205, %parallel_loop3A_206], %parallel_loop3A_197 {strides = array<i32>} : memref<256x8x16xf32, #tpu.memory_space<vmem>>, vector<16xf32>,
        %parallel_loop3A_208 = arith.constant 65 : i32
        %parallel_loop3A_209 = arith.addi %parallel_loop3A_208, %parallel_loop3A_73 : i32
        %parallel_loop3A_210 = arith.constant 4 : i32
        %parallel_loop3A_211 = arith.muli %parallel_loop3A_210, %parallel_loop3A_73 : i32
        %parallel_loop3A_212 = arith.constant 1 : i32
        %parallel_loop3A_213 = arith.addi %parallel_loop3A_211, %parallel_loop3A_212 : i32
        %parallel_loop3A_214 = arith.constant 4 : i32
        %parallel_loop3A_215 = arith.muli %parallel_loop3A_214, %parallel_loop3A_73 : i32
        %parallel_loop3A_216 = arith.constant 3 : i32
        %parallel_loop3A_217 = arith.addi %parallel_loop3A_215, %parallel_loop3A_216 : i32
        %parallel_loop3A_218 = arith.constant 0 : i32
        %parallel_loop3A_219 = arith.index_cast %parallel_loop3A_209 : i32 to index
        %parallel_loop3A_220 = arith.index_cast %parallel_loop3A_218 : i32 to index
        %parallel_loop3A_221 = arith.constant 0 : index
        %parallel_loop3A_222 = tpu.vector_load %arg5[%parallel_loop3A_219, %parallel_loop3A_220, %parallel_loop3A_221] {strides = array<i32>} : memref<513x8x16xf32, #tpu.memory_space<vmem>>, vector<16xf32>,
        %parallel_loop3A_223 = arith.addf %parallel_loop3A_75, %parallel_loop3A_222 : vector<16xf32>
        %parallel_loop3A_224 = arith.constant 0 : i32
        %parallel_loop3A_225 = arith.index_cast %parallel_loop3A_209 : i32 to index
        %parallel_loop3A_226 = arith.index_cast %parallel_loop3A_224 : i32 to index
        %parallel_loop3A_227 = arith.constant 0 : index
        %parallel_loop3A_228 = tpu.vector_load %arg5[%parallel_loop3A_225, %parallel_loop3A_226, %parallel_loop3A_227] {strides = array<i32>} : memref<513x8x16xf32, #tpu.memory_space<vmem>>, vector<16xf32>,
        tpu.vector_store %arg5[%parallel_loop3A_225, %parallel_loop3A_226, %parallel_loop3A_227], %parallel_loop3A_223 {strides = array<i32>} : memref<513x8x16xf32, #tpu.memory_space<vmem>>, vector<16xf32>,
        %parallel_loop3A_229 = arith.constant 1 : i32
        %parallel_loop3A_230 = arith.index_cast %parallel_loop3A_209 : i32 to index
        %parallel_loop3A_231 = arith.index_cast %parallel_loop3A_229 : i32 to index
        %parallel_loop3A_232 = arith.constant 0 : index
        %parallel_loop3A_233 = tpu.vector_load %arg5[%parallel_loop3A_230, %parallel_loop3A_231, %parallel_loop3A_232] {strides = array<i32>} : memref<513x8x16xf32, #tpu.memory_space<vmem>>, vector<16xf32>,
        %parallel_loop3A_234 = arith.addf %parallel_loop3A_223, %parallel_loop3A_233 : vector<16xf32>
        %parallel_loop3A_235 = arith.constant 1 : i32
        %parallel_loop3A_236 = arith.index_cast %parallel_loop3A_209 : i32 to index
        %parallel_loop3A_237 = arith.index_cast %parallel_loop3A_235 : i32 to index
        %parallel_loop3A_238 = arith.constant 0 : index
        %parallel_loop3A_239 = tpu.vector_load %arg5[%parallel_loop3A_236, %parallel_loop3A_237, %parallel_loop3A_238] {strides = array<i32>} : memref<513x8x16xf32, #tpu.memory_space<vmem>>, vector<16xf32>,
        tpu.vector_store %arg5[%parallel_loop3A_236, %parallel_loop3A_237, %parallel_loop3A_238], %parallel_loop3A_234 {strides = array<i32>} : memref<513x8x16xf32, #tpu.memory_space<vmem>>, vector<16xf32>,
        %parallel_loop3A_240 = arith.constant 2 : i32
        %parallel_loop3A_241 = arith.index_cast %parallel_loop3A_209 : i32 to index
        %parallel_loop3A_242 = arith.index_cast %parallel_loop3A_240 : i32 to index
        %parallel_loop3A_243 = arith.constant 0 : index
        %parallel_loop3A_244 = tpu.vector_load %arg5[%parallel_loop3A_241, %parallel_loop3A_242, %parallel_loop3A_243] {strides = array<i32>} : memref<513x8x16xf32, #tpu.memory_space<vmem>>, vector<16xf32>,
        %parallel_loop3A_245 = arith.addf %parallel_loop3A_234, %parallel_loop3A_244 : vector<16xf32>
        %parallel_loop3A_246 = arith.constant 2 : i32
        %parallel_loop3A_247 = arith.index_cast %parallel_loop3A_209 : i32 to index
        %parallel_loop3A_248 = arith.index_cast %parallel_loop3A_246 : i32 to index
        %parallel_loop3A_249 = arith.constant 0 : index
        %parallel_loop3A_250 = tpu.vector_load %arg5[%parallel_loop3A_247, %parallel_loop3A_248, %parallel_loop3A_249] {strides = array<i32>} : memref<513x8x16xf32, #tpu.memory_space<vmem>>, vector<16xf32>,
        tpu.vector_store %arg5[%parallel_loop3A_247, %parallel_loop3A_248, %parallel_loop3A_249], %parallel_loop3A_245 {strides = array<i32>} : memref<513x8x16xf32, #tpu.memory_space<vmem>>, vector<16xf32>,
        %parallel_loop3A_251 = arith.constant 3 : i32
        %parallel_loop3A_252 = arith.index_cast %parallel_loop3A_209 : i32 to index
        %parallel_loop3A_253 = arith.index_cast %parallel_loop3A_251 : i32 to index
        %parallel_loop3A_254 = arith.constant 0 : index
        %parallel_loop3A_255 = tpu.vector_load %arg5[%parallel_loop3A_252, %parallel_loop3A_253, %parallel_loop3A_254] {strides = array<i32>} : memref<513x8x16xf32, #tpu.memory_space<vmem>>, vector<16xf32>,
        %parallel_loop3A_256 = arith.addf %parallel_loop3A_245, %parallel_loop3A_255 : vector<16xf32>
        %parallel_loop3A_257 = arith.constant 3 : i32
        %parallel_loop3A_258 = arith.index_cast %parallel_loop3A_209 : i32 to index
        %parallel_loop3A_259 = arith.index_cast %parallel_loop3A_257 : i32 to index
        %parallel_loop3A_260 = arith.constant 0 : index
        %parallel_loop3A_261 = tpu.vector_load %arg5[%parallel_loop3A_258, %parallel_loop3A_259, %parallel_loop3A_260] {strides = array<i32>} : memref<513x8x16xf32, #tpu.memory_space<vmem>>, vector<16xf32>,
        tpu.vector_store %arg5[%parallel_loop3A_258, %parallel_loop3A_259, %parallel_loop3A_260], %parallel_loop3A_256 {strides = array<i32>} : memref<513x8x16xf32, #tpu.memory_space<vmem>>, vector<16xf32>,
        %parallel_loop3A_262 = arith.subf %parallel_loop3A_256, %parallel_loop3A_75 : vector<16xf32>
        %parallel_loop3A_263 = arith.constant 2.500000e-01 : f32
        %parallel_loop3A_264 = vector.broadcast %parallel_loop3A_263 : f32 to vector<16xf32>
        %parallel_loop3A_265 = arith.mulf %parallel_loop3A_262, %parallel_loop3A_264 : vector<16xf32>
        %parallel_loop3A_266 = arith.constant 3 : i32
        %parallel_loop3A_267 = arith.shrsi %parallel_loop3A_213, %parallel_loop3A_266 : i32
        %parallel_loop3A_268 = arith.constant 32 : i32
        %parallel_loop3A_269 = arith.addi %parallel_loop3A_268, %parallel_loop3A_267 : i32
        %parallel_loop3A_270 = arith.constant 7 : i32
        %parallel_loop3A_271 = arith.andi %parallel_loop3A_213, %parallel_loop3A_270 : i32
        %parallel_loop3A_272 = arith.index_cast %parallel_loop3A_269 : i32 to index
        %parallel_loop3A_273 = arith.index_cast %parallel_loop3A_271 : i32 to index
        %parallel_loop3A_274 = arith.constant 0 : index
        %parallel_loop3A_275 = tpu.vector_load %arg6[%parallel_loop3A_272, %parallel_loop3A_273, %parallel_loop3A_274] {strides = array<i32>} : memref<256x8x16xf32, #tpu.memory_space<vmem>>, vector<16xf32>,
        tpu.vector_store %arg6[%parallel_loop3A_272, %parallel_loop3A_273, %parallel_loop3A_274], %parallel_loop3A_265 {strides = array<i32>} : memref<256x8x16xf32, #tpu.memory_space<vmem>>, vector<16xf32>,
        %parallel_loop3A_276 = arith.constant 4 : i32
        %parallel_loop3A_277 = arith.index_cast %parallel_loop3A_209 : i32 to index
        %parallel_loop3A_278 = arith.index_cast %parallel_loop3A_276 : i32 to index
        %parallel_loop3A_279 = arith.constant 0 : index
        %parallel_loop3A_280 = tpu.vector_load %arg5[%parallel_loop3A_277, %parallel_loop3A_278, %parallel_loop3A_279] {strides = array<i32>} : memref<513x8x16xf32, #tpu.memory_space<vmem>>, vector<16xf32>,
        %parallel_loop3A_281 = arith.addf %parallel_loop3A_256, %parallel_loop3A_280 : vector<16xf32>
        %parallel_loop3A_282 = arith.constant 4 : i32
        %parallel_loop3A_283 = arith.index_cast %parallel_loop3A_209 : i32 to index
        %parallel_loop3A_284 = arith.index_cast %parallel_loop3A_282 : i32 to index
        %parallel_loop3A_285 = arith.constant 0 : index
        %parallel_loop3A_286 = tpu.vector_load %arg5[%parallel_loop3A_283, %parallel_loop3A_284, %parallel_loop3A_285] {strides = array<i32>} : memref<513x8x16xf32, #tpu.memory_space<vmem>>, vector<16xf32>,
        tpu.vector_store %arg5[%parallel_loop3A_283, %parallel_loop3A_284, %parallel_loop3A_285], %parallel_loop3A_281 {strides = array<i32>} : memref<513x8x16xf32, #tpu.memory_space<vmem>>, vector<16xf32>,
        %parallel_loop3A_287 = arith.constant 5 : i32
        %parallel_loop3A_288 = arith.index_cast %parallel_loop3A_209 : i32 to index
        %parallel_loop3A_289 = arith.index_cast %parallel_loop3A_287 : i32 to index
        %parallel_loop3A_290 = arith.constant 0 : index
        %parallel_loop3A_291 = tpu.vector_load %arg5[%parallel_loop3A_288, %parallel_loop3A_289, %parallel_loop3A_290] {strides = array<i32>} : memref<513x8x16xf32, #tpu.memory_space<vmem>>, vector<16xf32>,
        %parallel_loop3A_292 = arith.addf %parallel_loop3A_281, %parallel_loop3A_291 : vector<16xf32>
        %parallel_loop3A_293 = arith.constant 5 : i32
        %parallel_loop3A_294 = arith.index_cast %parallel_loop3A_209 : i32 to index
        %parallel_loop3A_295 = arith.index_cast %parallel_loop3A_293 : i32 to index
        %parallel_loop3A_296 = arith.constant 0 : index
        %parallel_loop3A_297 = tpu.vector_load %arg5[%parallel_loop3A_294, %parallel_loop3A_295, %parallel_loop3A_296] {strides = array<i32>} : memref<513x8x16xf32, #tpu.memory_space<vmem>>, vector<16xf32>,
        tpu.vector_store %arg5[%parallel_loop3A_294, %parallel_loop3A_295, %parallel_loop3A_296], %parallel_loop3A_292 {strides = array<i32>} : memref<513x8x16xf32, #tpu.memory_space<vmem>>, vector<16xf32>,
        %parallel_loop3A_298 = arith.constant 6 : i32
        %parallel_loop3A_299 = arith.index_cast %parallel_loop3A_209 : i32 to index
        %parallel_loop3A_300 = arith.index_cast %parallel_loop3A_298 : i32 to index
        %parallel_loop3A_301 = arith.constant 0 : index
        %parallel_loop3A_302 = tpu.vector_load %arg5[%parallel_loop3A_299, %parallel_loop3A_300, %parallel_loop3A_301] {strides = array<i32>} : memref<513x8x16xf32, #tpu.memory_space<vmem>>, vector<16xf32>,
        %parallel_loop3A_303 = arith.addf %parallel_loop3A_292, %parallel_loop3A_302 : vector<16xf32>
        %parallel_loop3A_304 = arith.constant 6 : i32
        %parallel_loop3A_305 = arith.index_cast %parallel_loop3A_209 : i32 to index
        %parallel_loop3A_306 = arith.index_cast %parallel_loop3A_304 : i32 to index
        %parallel_loop3A_307 = arith.constant 0 : index
        %parallel_loop3A_308 = tpu.vector_load %arg5[%parallel_loop3A_305, %parallel_loop3A_306, %parallel_loop3A_307] {strides = array<i32>} : memref<513x8x16xf32, #tpu.memory_space<vmem>>, vector<16xf32>,
        tpu.vector_store %arg5[%parallel_loop3A_305, %parallel_loop3A_306, %parallel_loop3A_307], %parallel_loop3A_303 {strides = array<i32>} : memref<513x8x16xf32, #tpu.memory_space<vmem>>, vector<16xf32>,
        %parallel_loop3A_309 = arith.constant 7 : i32
        %parallel_loop3A_310 = arith.index_cast %parallel_loop3A_209 : i32 to index
        %parallel_loop3A_311 = arith.index_cast %parallel_loop3A_309 : i32 to index
        %parallel_loop3A_312 = arith.constant 0 : index
        %parallel_loop3A_313 = tpu.vector_load %arg5[%parallel_loop3A_310, %parallel_loop3A_311, %parallel_loop3A_312] {strides = array<i32>} : memref<513x8x16xf32, #tpu.memory_space<vmem>>, vector<16xf32>,
        %parallel_loop3A_314 = arith.addf %parallel_loop3A_303, %parallel_loop3A_313 : vector<16xf32>
        %parallel_loop3A_315 = arith.constant 7 : i32
        %parallel_loop3A_316 = arith.index_cast %parallel_loop3A_209 : i32 to index
        %parallel_loop3A_317 = arith.index_cast %parallel_loop3A_315 : i32 to index
        %parallel_loop3A_318 = arith.constant 0 : index
        %parallel_loop3A_319 = tpu.vector_load %arg5[%parallel_loop3A_316, %parallel_loop3A_317, %parallel_loop3A_318] {strides = array<i32>} : memref<513x8x16xf32, #tpu.memory_space<vmem>>, vector<16xf32>,
        tpu.vector_store %arg5[%parallel_loop3A_316, %parallel_loop3A_317, %parallel_loop3A_318], %parallel_loop3A_314 {strides = array<i32>} : memref<513x8x16xf32, #tpu.memory_space<vmem>>, vector<16xf32>,
        %parallel_loop3A_320 = arith.subf %parallel_loop3A_314, %parallel_loop3A_256 : vector<16xf32>
        %parallel_loop3A_321 = arith.constant 2.500000e-01 : f32
        %parallel_loop3A_322 = vector.broadcast %parallel_loop3A_321 : f32 to vector<16xf32>
        %parallel_loop3A_323 = arith.mulf %parallel_loop3A_320, %parallel_loop3A_322 : vector<16xf32>
        %parallel_loop3A_324 = arith.constant 3 : i32
        %parallel_loop3A_325 = arith.shrsi %parallel_loop3A_217, %parallel_loop3A_324 : i32
        %parallel_loop3A_326 = arith.constant 32 : i32
        %parallel_loop3A_327 = arith.addi %parallel_loop3A_326, %parallel_loop3A_325 : i32
        %parallel_loop3A_328 = arith.constant 7 : i32
        %parallel_loop3A_329 = arith.andi %parallel_loop3A_217, %parallel_loop3A_328 : i32
        %parallel_loop3A_330 = arith.index_cast %parallel_loop3A_327 : i32 to index
        %parallel_loop3A_331 = arith.index_cast %parallel_loop3A_329 : i32 to index
        %parallel_loop3A_332 = arith.constant 0 : index
        %parallel_loop3A_333 = tpu.vector_load %arg6[%parallel_loop3A_330, %parallel_loop3A_331, %parallel_loop3A_332] {strides = array<i32>} : memref<256x8x16xf32, #tpu.memory_space<vmem>>, vector<16xf32>,
        tpu.vector_store %arg6[%parallel_loop3A_330, %parallel_loop3A_331, %parallel_loop3A_332], %parallel_loop3A_323 {strides = array<i32>} : memref<256x8x16xf32, #tpu.memory_space<vmem>>, vector<16xf32>,
        %parallel_loop3A_334 = arith.constant 129 : i32
        %parallel_loop3A_335 = arith.addi %parallel_loop3A_334, %parallel_loop3A_73 : i32
        %parallel_loop3A_336 = arith.constant 4 : i32
        %parallel_loop3A_337 = arith.muli %parallel_loop3A_336, %parallel_loop3A_73 : i32
        %parallel_loop3A_338 = arith.constant 1 : i32
        %parallel_loop3A_339 = arith.addi %parallel_loop3A_337, %parallel_loop3A_338 : i32
        %parallel_loop3A_340 = arith.constant 4 : i32
        %parallel_loop3A_341 = arith.muli %parallel_loop3A_340, %parallel_loop3A_73 : i32
        %parallel_loop3A_342 = arith.constant 3 : i32
        %parallel_loop3A_343 = arith.addi %parallel_loop3A_341, %parallel_loop3A_342 : i32
        %parallel_loop3A_344 = arith.constant 0 : i32
        %parallel_loop3A_345 = arith.index_cast %parallel_loop3A_335 : i32 to index
        %parallel_loop3A_346 = arith.index_cast %parallel_loop3A_344 : i32 to index
        %parallel_loop3A_347 = arith.constant 0 : index
        %parallel_loop3A_348 = tpu.vector_load %arg5[%parallel_loop3A_345, %parallel_loop3A_346, %parallel_loop3A_347] {strides = array<i32>} : memref<513x8x16xf32, #tpu.memory_space<vmem>>, vector<16xf32>,
        %parallel_loop3A_349 = arith.addf %parallel_loop3A_76, %parallel_loop3A_348 : vector<16xf32>
        %parallel_loop3A_350 = arith.constant 0 : i32
        %parallel_loop3A_351 = arith.index_cast %parallel_loop3A_335 : i32 to index
        %parallel_loop3A_352 = arith.index_cast %parallel_loop3A_350 : i32 to index
        %parallel_loop3A_353 = arith.constant 0 : index
        %parallel_loop3A_354 = tpu.vector_load %arg5[%parallel_loop3A_351, %parallel_loop3A_352, %parallel_loop3A_353] {strides = array<i32>} : memref<513x8x16xf32, #tpu.memory_space<vmem>>, vector<16xf32>,
        tpu.vector_store %arg5[%parallel_loop3A_351, %parallel_loop3A_352, %parallel_loop3A_353], %parallel_loop3A_349 {strides = array<i32>} : memref<513x8x16xf32, #tpu.memory_space<vmem>>, vector<16xf32>,
        %parallel_loop3A_355 = arith.constant 1 : i32
        %parallel_loop3A_356 = arith.index_cast %parallel_loop3A_335 : i32 to index
        %parallel_loop3A_357 = arith.index_cast %parallel_loop3A_355 : i32 to index
        %parallel_loop3A_358 = arith.constant 0 : index
        %parallel_loop3A_359 = tpu.vector_load %arg5[%parallel_loop3A_356, %parallel_loop3A_357, %parallel_loop3A_358] {strides = array<i32>} : memref<513x8x16xf32, #tpu.memory_space<vmem>>, vector<16xf32>,
        %parallel_loop3A_360 = arith.addf %parallel_loop3A_349, %parallel_loop3A_359 : vector<16xf32>
        %parallel_loop3A_361 = arith.constant 1 : i32
        %parallel_loop3A_362 = arith.index_cast %parallel_loop3A_335 : i32 to index
        %parallel_loop3A_363 = arith.index_cast %parallel_loop3A_361 : i32 to index
        %parallel_loop3A_364 = arith.constant 0 : index
        %parallel_loop3A_365 = tpu.vector_load %arg5[%parallel_loop3A_362, %parallel_loop3A_363, %parallel_loop3A_364] {strides = array<i32>} : memref<513x8x16xf32, #tpu.memory_space<vmem>>, vector<16xf32>,
        tpu.vector_store %arg5[%parallel_loop3A_362, %parallel_loop3A_363, %parallel_loop3A_364], %parallel_loop3A_360 {strides = array<i32>} : memref<513x8x16xf32, #tpu.memory_space<vmem>>, vector<16xf32>,
        %parallel_loop3A_366 = arith.constant 2 : i32
        %parallel_loop3A_367 = arith.index_cast %parallel_loop3A_335 : i32 to index
        %parallel_loop3A_368 = arith.index_cast %parallel_loop3A_366 : i32 to index
        %parallel_loop3A_369 = arith.constant 0 : index
        %parallel_loop3A_370 = tpu.vector_load %arg5[%parallel_loop3A_367, %parallel_loop3A_368, %parallel_loop3A_369] {strides = array<i32>} : memref<513x8x16xf32, #tpu.memory_space<vmem>>, vector<16xf32>,
        %parallel_loop3A_371 = arith.addf %parallel_loop3A_360, %parallel_loop3A_370 : vector<16xf32>
        %parallel_loop3A_372 = arith.constant 2 : i32
        %parallel_loop3A_373 = arith.index_cast %parallel_loop3A_335 : i32 to index
        %parallel_loop3A_374 = arith.index_cast %parallel_loop3A_372 : i32 to index
        %parallel_loop3A_375 = arith.constant 0 : index
        %parallel_loop3A_376 = tpu.vector_load %arg5[%parallel_loop3A_373, %parallel_loop3A_374, %parallel_loop3A_375] {strides = array<i32>} : memref<513x8x16xf32, #tpu.memory_space<vmem>>, vector<16xf32>,
        tpu.vector_store %arg5[%parallel_loop3A_373, %parallel_loop3A_374, %parallel_loop3A_375], %parallel_loop3A_371 {strides = array<i32>} : memref<513x8x16xf32, #tpu.memory_space<vmem>>, vector<16xf32>,
        %parallel_loop3A_377 = arith.constant 3 : i32
        %parallel_loop3A_378 = arith.index_cast %parallel_loop3A_335 : i32 to index
        %parallel_loop3A_379 = arith.index_cast %parallel_loop3A_377 : i32 to index
        %parallel_loop3A_380 = arith.constant 0 : index
        %parallel_loop3A_381 = tpu.vector_load %arg5[%parallel_loop3A_378, %parallel_loop3A_379, %parallel_loop3A_380] {strides = array<i32>} : memref<513x8x16xf32, #tpu.memory_space<vmem>>, vector<16xf32>,
        %parallel_loop3A_382 = arith.addf %parallel_loop3A_371, %parallel_loop3A_381 : vector<16xf32>
        %parallel_loop3A_383 = arith.constant 3 : i32
        %parallel_loop3A_384 = arith.index_cast %parallel_loop3A_335 : i32 to index
        %parallel_loop3A_385 = arith.index_cast %parallel_loop3A_383 : i32 to index
        %parallel_loop3A_386 = arith.constant 0 : index
        %parallel_loop3A_387 = tpu.vector_load %arg5[%parallel_loop3A_384, %parallel_loop3A_385, %parallel_loop3A_386] {strides = array<i32>} : memref<513x8x16xf32, #tpu.memory_space<vmem>>, vector<16xf32>,
        tpu.vector_store %arg5[%parallel_loop3A_384, %parallel_loop3A_385, %parallel_loop3A_386], %parallel_loop3A_382 {strides = array<i32>} : memref<513x8x16xf32, #tpu.memory_space<vmem>>, vector<16xf32>,
        %parallel_loop3A_388 = arith.subf %parallel_loop3A_382, %parallel_loop3A_76 : vector<16xf32>
        %parallel_loop3A_389 = arith.constant 2.500000e-01 : f32
        %parallel_loop3A_390 = vector.broadcast %parallel_loop3A_389 : f32 to vector<16xf32>
        %parallel_loop3A_391 = arith.mulf %parallel_loop3A_388, %parallel_loop3A_390 : vector<16xf32>
        %parallel_loop3A_392 = arith.constant 3 : i32
        %parallel_loop3A_393 = arith.shrsi %parallel_loop3A_339, %parallel_loop3A_392 : i32
        %parallel_loop3A_394 = arith.constant 64 : i32
        %parallel_loop3A_395 = arith.addi %parallel_loop3A_394, %parallel_loop3A_393 : i32
        %parallel_loop3A_396 = arith.constant 7 : i32
        %parallel_loop3A_397 = arith.andi %parallel_loop3A_339, %parallel_loop3A_396 : i32
        %parallel_loop3A_398 = arith.index_cast %parallel_loop3A_395 : i32 to index
        %parallel_loop3A_399 = arith.index_cast %parallel_loop3A_397 : i32 to index
        %parallel_loop3A_400 = arith.constant 0 : index
        %parallel_loop3A_401 = tpu.vector_load %arg6[%parallel_loop3A_398, %parallel_loop3A_399, %parallel_loop3A_400] {strides = array<i32>} : memref<256x8x16xf32, #tpu.memory_space<vmem>>, vector<16xf32>,
        tpu.vector_store %arg6[%parallel_loop3A_398, %parallel_loop3A_399, %parallel_loop3A_400], %parallel_loop3A_391 {strides = array<i32>} : memref<256x8x16xf32, #tpu.memory_space<vmem>>, vector<16xf32>,
        %parallel_loop3A_402 = arith.constant 4 : i32
        %parallel_loop3A_403 = arith.index_cast %parallel_loop3A_335 : i32 to index
        %parallel_loop3A_404 = arith.index_cast %parallel_loop3A_402 : i32 to index
        %parallel_loop3A_405 = arith.constant 0 : index
        %parallel_loop3A_406 = tpu.vector_load %arg5[%parallel_loop3A_403, %parallel_loop3A_404, %parallel_loop3A_405] {strides = array<i32>} : memref<513x8x16xf32, #tpu.memory_space<vmem>>, vector<16xf32>,
        %parallel_loop3A_407 = arith.addf %parallel_loop3A_382, %parallel_loop3A_406 : vector<16xf32>
        %parallel_loop3A_408 = arith.constant 4 : i32
        %parallel_loop3A_409 = arith.index_cast %parallel_loop3A_335 : i32 to index
        %parallel_loop3A_410 = arith.index_cast %parallel_loop3A_408 : i32 to index
        %parallel_loop3A_411 = arith.constant 0 : index
        %parallel_loop3A_412 = tpu.vector_load %arg5[%parallel_loop3A_409, %parallel_loop3A_410, %parallel_loop3A_411] {strides = array<i32>} : memref<513x8x16xf32, #tpu.memory_space<vmem>>, vector<16xf32>,
        tpu.vector_store %arg5[%parallel_loop3A_409, %parallel_loop3A_410, %parallel_loop3A_411], %parallel_loop3A_407 {strides = array<i32>} : memref<513x8x16xf32, #tpu.memory_space<vmem>>, vector<16xf32>,
        %parallel_loop3A_413 = arith.constant 5 : i32
        %parallel_loop3A_414 = arith.index_cast %parallel_loop3A_335 : i32 to index
        %parallel_loop3A_415 = arith.index_cast %parallel_loop3A_413 : i32 to index
        %parallel_loop3A_416 = arith.constant 0 : index
        %parallel_loop3A_417 = tpu.vector_load %arg5[%parallel_loop3A_414, %parallel_loop3A_415, %parallel_loop3A_416] {strides = array<i32>} : memref<513x8x16xf32, #tpu.memory_space<vmem>>, vector<16xf32>,
        %parallel_loop3A_418 = arith.addf %parallel_loop3A_407, %parallel_loop3A_417 : vector<16xf32>
        %parallel_loop3A_419 = arith.constant 5 : i32
        %parallel_loop3A_420 = arith.index_cast %parallel_loop3A_335 : i32 to index
        %parallel_loop3A_421 = arith.index_cast %parallel_loop3A_419 : i32 to index
        %parallel_loop3A_422 = arith.constant 0 : index
        %parallel_loop3A_423 = tpu.vector_load %arg5[%parallel_loop3A_420, %parallel_loop3A_421, %parallel_loop3A_422] {strides = array<i32>} : memref<513x8x16xf32, #tpu.memory_space<vmem>>, vector<16xf32>,
        tpu.vector_store %arg5[%parallel_loop3A_420, %parallel_loop3A_421, %parallel_loop3A_422], %parallel_loop3A_418 {strides = array<i32>} : memref<513x8x16xf32, #tpu.memory_space<vmem>>, vector<16xf32>,
        %parallel_loop3A_424 = arith.constant 6 : i32
        %parallel_loop3A_425 = arith.index_cast %parallel_loop3A_335 : i32 to index
        %parallel_loop3A_426 = arith.index_cast %parallel_loop3A_424 : i32 to index
        %parallel_loop3A_427 = arith.constant 0 : index
        %parallel_loop3A_428 = tpu.vector_load %arg5[%parallel_loop3A_425, %parallel_loop3A_426, %parallel_loop3A_427] {strides = array<i32>} : memref<513x8x16xf32, #tpu.memory_space<vmem>>, vector<16xf32>,
        %parallel_loop3A_429 = arith.addf %parallel_loop3A_418, %parallel_loop3A_428 : vector<16xf32>
        %parallel_loop3A_430 = arith.constant 6 : i32
        %parallel_loop3A_431 = arith.index_cast %parallel_loop3A_335 : i32 to index
        %parallel_loop3A_432 = arith.index_cast %parallel_loop3A_430 : i32 to index
        %parallel_loop3A_433 = arith.constant 0 : index
        %parallel_loop3A_434 = tpu.vector_load %arg5[%parallel_loop3A_431, %parallel_loop3A_432, %parallel_loop3A_433] {strides = array<i32>} : memref<513x8x16xf32, #tpu.memory_space<vmem>>, vector<16xf32>,
        tpu.vector_store %arg5[%parallel_loop3A_431, %parallel_loop3A_432, %parallel_loop3A_433], %parallel_loop3A_429 {strides = array<i32>} : memref<513x8x16xf32, #tpu.memory_space<vmem>>, vector<16xf32>,
        %parallel_loop3A_435 = arith.constant 7 : i32
        %parallel_loop3A_436 = arith.index_cast %parallel_loop3A_335 : i32 to index
        %parallel_loop3A_437 = arith.index_cast %parallel_loop3A_435 : i32 to index
        %parallel_loop3A_438 = arith.constant 0 : index
        %parallel_loop3A_439 = tpu.vector_load %arg5[%parallel_loop3A_436, %parallel_loop3A_437, %parallel_loop3A_438] {strides = array<i32>} : memref<513x8x16xf32, #tpu.memory_space<vmem>>, vector<16xf32>,
        %parallel_loop3A_440 = arith.addf %parallel_loop3A_429, %parallel_loop3A_439 : vector<16xf32>
        %parallel_loop3A_441 = arith.constant 7 : i32
        %parallel_loop3A_442 = arith.index_cast %parallel_loop3A_335 : i32 to index
        %parallel_loop3A_443 = arith.index_cast %parallel_loop3A_441 : i32 to index
        %parallel_loop3A_444 = arith.constant 0 : index
        %parallel_loop3A_445 = tpu.vector_load %arg5[%parallel_loop3A_442, %parallel_loop3A_443, %parallel_loop3A_444] {strides = array<i32>} : memref<513x8x16xf32, #tpu.memory_space<vmem>>, vector<16xf32>,
        tpu.vector_store %arg5[%parallel_loop3A_442, %parallel_loop3A_443, %parallel_loop3A_444], %parallel_loop3A_440 {strides = array<i32>} : memref<513x8x16xf32, #tpu.memory_space<vmem>>, vector<16xf32>,
        %parallel_loop3A_446 = arith.subf %parallel_loop3A_440, %parallel_loop3A_382 : vector<16xf32>
        %parallel_loop3A_447 = arith.constant 2.500000e-01 : f32
        %parallel_loop3A_448 = vector.broadcast %parallel_loop3A_447 : f32 to vector<16xf32>
        %parallel_loop3A_449 = arith.mulf %parallel_loop3A_446, %parallel_loop3A_448 : vector<16xf32>
        %parallel_loop3A_450 = arith.constant 3 : i32
        %parallel_loop3A_451 = arith.shrsi %parallel_loop3A_343, %parallel_loop3A_450 : i32
        %parallel_loop3A_452 = arith.constant 64 : i32
        %parallel_loop3A_453 = arith.addi %parallel_loop3A_452, %parallel_loop3A_451 : i32
        %parallel_loop3A_454 = arith.constant 7 : i32
        %parallel_loop3A_455 = arith.andi %parallel_loop3A_343, %parallel_loop3A_454 : i32
        %parallel_loop3A_456 = arith.index_cast %parallel_loop3A_453 : i32 to index
        %parallel_loop3A_457 = arith.index_cast %parallel_loop3A_455 : i32 to index
        %parallel_loop3A_458 = arith.constant 0 : index
        %parallel_loop3A_459 = tpu.vector_load %arg6[%parallel_loop3A_456, %parallel_loop3A_457, %parallel_loop3A_458] {strides = array<i32>} : memref<256x8x16xf32, #tpu.memory_space<vmem>>, vector<16xf32>,
        tpu.vector_store %arg6[%parallel_loop3A_456, %parallel_loop3A_457, %parallel_loop3A_458], %parallel_loop3A_449 {strides = array<i32>} : memref<256x8x16xf32, #tpu.memory_space<vmem>>, vector<16xf32>,
        %parallel_loop3A_460 = arith.constant 193 : i32
        %parallel_loop3A_461 = arith.addi %parallel_loop3A_460, %parallel_loop3A_73 : i32
        %parallel_loop3A_462 = arith.constant 4 : i32
        %parallel_loop3A_463 = arith.muli %parallel_loop3A_462, %parallel_loop3A_73 : i32
        %parallel_loop3A_464 = arith.constant 1 : i32
        %parallel_loop3A_465 = arith.addi %parallel_loop3A_463, %parallel_loop3A_464 : i32
        %parallel_loop3A_466 = arith.constant 4 : i32
        %parallel_loop3A_467 = arith.muli %parallel_loop3A_466, %parallel_loop3A_73 : i32
        %parallel_loop3A_468 = arith.constant 3 : i32
        %parallel_loop3A_469 = arith.addi %parallel_loop3A_467, %parallel_loop3A_468 : i32
        %parallel_loop3A_470 = arith.constant 0 : i32
        %parallel_loop3A_471 = arith.index_cast %parallel_loop3A_461 : i32 to index
        %parallel_loop3A_472 = arith.index_cast %parallel_loop3A_470 : i32 to index
        %parallel_loop3A_473 = arith.constant 0 : index
        %parallel_loop3A_474 = tpu.vector_load %arg5[%parallel_loop3A_471, %parallel_loop3A_472, %parallel_loop3A_473] {strides = array<i32>} : memref<513x8x16xf32, #tpu.memory_space<vmem>>, vector<16xf32>,
        %parallel_loop3A_475 = arith.addf %parallel_loop3A_77, %parallel_loop3A_474 : vector<16xf32>
        %parallel_loop3A_476 = arith.constant 0 : i32
        %parallel_loop3A_477 = arith.index_cast %parallel_loop3A_461 : i32 to index
        %parallel_loop3A_478 = arith.index_cast %parallel_loop3A_476 : i32 to index
        %parallel_loop3A_479 = arith.constant 0 : index
        %parallel_loop3A_480 = tpu.vector_load %arg5[%parallel_loop3A_477, %parallel_loop3A_478, %parallel_loop3A_479] {strides = array<i32>} : memref<513x8x16xf32, #tpu.memory_space<vmem>>, vector<16xf32>,
        tpu.vector_store %arg5[%parallel_loop3A_477, %parallel_loop3A_478, %parallel_loop3A_479], %parallel_loop3A_475 {strides = array<i32>} : memref<513x8x16xf32, #tpu.memory_space<vmem>>, vector<16xf32>,
        %parallel_loop3A_481 = arith.constant 1 : i32
        %parallel_loop3A_482 = arith.index_cast %parallel_loop3A_461 : i32 to index
        %parallel_loop3A_483 = arith.index_cast %parallel_loop3A_481 : i32 to index
        %parallel_loop3A_484 = arith.constant 0 : index
        %parallel_loop3A_485 = tpu.vector_load %arg5[%parallel_loop3A_482, %parallel_loop3A_483, %parallel_loop3A_484] {strides = array<i32>} : memref<513x8x16xf32, #tpu.memory_space<vmem>>, vector<16xf32>,
        %parallel_loop3A_486 = arith.addf %parallel_loop3A_475, %parallel_loop3A_485 : vector<16xf32>
        %parallel_loop3A_487 = arith.constant 1 : i32
        %parallel_loop3A_488 = arith.index_cast %parallel_loop3A_461 : i32 to index
        %parallel_loop3A_489 = arith.index_cast %parallel_loop3A_487 : i32 to index
        %parallel_loop3A_490 = arith.constant 0 : index
        %parallel_loop3A_491 = tpu.vector_load %arg5[%parallel_loop3A_488, %parallel_loop3A_489, %parallel_loop3A_490] {strides = array<i32>} : memref<513x8x16xf32, #tpu.memory_space<vmem>>, vector<16xf32>,
        tpu.vector_store %arg5[%parallel_loop3A_488, %parallel_loop3A_489, %parallel_loop3A_490], %parallel_loop3A_486 {strides = array<i32>} : memref<513x8x16xf32, #tpu.memory_space<vmem>>, vector<16xf32>,
        %parallel_loop3A_492 = arith.constant 2 : i32
        %parallel_loop3A_493 = arith.index_cast %parallel_loop3A_461 : i32 to index
        %parallel_loop3A_494 = arith.index_cast %parallel_loop3A_492 : i32 to index
        %parallel_loop3A_495 = arith.constant 0 : index
        %parallel_loop3A_496 = tpu.vector_load %arg5[%parallel_loop3A_493, %parallel_loop3A_494, %parallel_loop3A_495] {strides = array<i32>} : memref<513x8x16xf32, #tpu.memory_space<vmem>>, vector<16xf32>,
        %parallel_loop3A_497 = arith.addf %parallel_loop3A_486, %parallel_loop3A_496 : vector<16xf32>
        %parallel_loop3A_498 = arith.constant 2 : i32
        %parallel_loop3A_499 = arith.index_cast %parallel_loop3A_461 : i32 to index
        %parallel_loop3A_500 = arith.index_cast %parallel_loop3A_498 : i32 to index
        %parallel_loop3A_501 = arith.constant 0 : index
        %parallel_loop3A_502 = tpu.vector_load %arg5[%parallel_loop3A_499, %parallel_loop3A_500, %parallel_loop3A_501] {strides = array<i32>} : memref<513x8x16xf32, #tpu.memory_space<vmem>>, vector<16xf32>,
        tpu.vector_store %arg5[%parallel_loop3A_499, %parallel_loop3A_500, %parallel_loop3A_501], %parallel_loop3A_497 {strides = array<i32>} : memref<513x8x16xf32, #tpu.memory_space<vmem>>, vector<16xf32>,
        %parallel_loop3A_503 = arith.constant 3 : i32
        %parallel_loop3A_504 = arith.index_cast %parallel_loop3A_461 : i32 to index
        %parallel_loop3A_505 = arith.index_cast %parallel_loop3A_503 : i32 to index
        %parallel_loop3A_506 = arith.constant 0 : index
        %parallel_loop3A_507 = tpu.vector_load %arg5[%parallel_loop3A_504, %parallel_loop3A_505, %parallel_loop3A_506] {strides = array<i32>} : memref<513x8x16xf32, #tpu.memory_space<vmem>>, vector<16xf32>,
        %parallel_loop3A_508 = arith.addf %parallel_loop3A_497, %parallel_loop3A_507 : vector<16xf32>
        %parallel_loop3A_509 = arith.constant 3 : i32
        %parallel_loop3A_510 = arith.index_cast %parallel_loop3A_461 : i32 to index
        %parallel_loop3A_511 = arith.index_cast %parallel_loop3A_509 : i32 to index
        %parallel_loop3A_512 = arith.constant 0 : index
        %parallel_loop3A_513 = tpu.vector_load %arg5[%parallel_loop3A_510, %parallel_loop3A_511, %parallel_loop3A_512] {strides = array<i32>} : memref<513x8x16xf32, #tpu.memory_space<vmem>>, vector<16xf32>,
        tpu.vector_store %arg5[%parallel_loop3A_510, %parallel_loop3A_511, %parallel_loop3A_512], %parallel_loop3A_508 {strides = array<i32>} : memref<513x8x16xf32, #tpu.memory_space<vmem>>, vector<16xf32>,
        %parallel_loop3A_514 = arith.subf %parallel_loop3A_508, %parallel_loop3A_77 : vector<16xf32>
        %parallel_loop3A_515 = arith.constant 2.500000e-01 : f32
        %parallel_loop3A_516 = vector.broadcast %parallel_loop3A_515 : f32 to vector<16xf32>
        %parallel_loop3A_517 = arith.mulf %parallel_loop3A_514, %parallel_loop3A_516 : vector<16xf32>
        %parallel_loop3A_518 = arith.constant 3 : i32
        %parallel_loop3A_519 = arith.shrsi %parallel_loop3A_465, %parallel_loop3A_518 : i32
        %parallel_loop3A_520 = arith.constant 96 : i32
        %parallel_loop3A_521 = arith.addi %parallel_loop3A_520, %parallel_loop3A_519 : i32
        %parallel_loop3A_522 = arith.constant 7 : i32
        %parallel_loop3A_523 = arith.andi %parallel_loop3A_465, %parallel_loop3A_522 : i32
        %parallel_loop3A_524 = arith.index_cast %parallel_loop3A_521 : i32 to index
        %parallel_loop3A_525 = arith.index_cast %parallel_loop3A_523 : i32 to index
        %parallel_loop3A_526 = arith.constant 0 : index
        %parallel_loop3A_527 = tpu.vector_load %arg6[%parallel_loop3A_524, %parallel_loop3A_525, %parallel_loop3A_526] {strides = array<i32>} : memref<256x8x16xf32, #tpu.memory_space<vmem>>, vector<16xf32>,
        tpu.vector_store %arg6[%parallel_loop3A_524, %parallel_loop3A_525, %parallel_loop3A_526], %parallel_loop3A_517 {strides = array<i32>} : memref<256x8x16xf32, #tpu.memory_space<vmem>>, vector<16xf32>,
        %parallel_loop3A_528 = arith.constant 4 : i32
        %parallel_loop3A_529 = arith.index_cast %parallel_loop3A_461 : i32 to index
        %parallel_loop3A_530 = arith.index_cast %parallel_loop3A_528 : i32 to index
        %parallel_loop3A_531 = arith.constant 0 : index
        %parallel_loop3A_532 = tpu.vector_load %arg5[%parallel_loop3A_529, %parallel_loop3A_530, %parallel_loop3A_531] {strides = array<i32>} : memref<513x8x16xf32, #tpu.memory_space<vmem>>, vector<16xf32>,
        %parallel_loop3A_533 = arith.addf %parallel_loop3A_508, %parallel_loop3A_532 : vector<16xf32>
        %parallel_loop3A_534 = arith.constant 4 : i32
        %parallel_loop3A_535 = arith.index_cast %parallel_loop3A_461 : i32 to index
        %parallel_loop3A_536 = arith.index_cast %parallel_loop3A_534 : i32 to index
        %parallel_loop3A_537 = arith.constant 0 : index
        %parallel_loop3A_538 = tpu.vector_load %arg5[%parallel_loop3A_535, %parallel_loop3A_536, %parallel_loop3A_537] {strides = array<i32>} : memref<513x8x16xf32, #tpu.memory_space<vmem>>, vector<16xf32>,
        tpu.vector_store %arg5[%parallel_loop3A_535, %parallel_loop3A_536, %parallel_loop3A_537], %parallel_loop3A_533 {strides = array<i32>} : memref<513x8x16xf32, #tpu.memory_space<vmem>>, vector<16xf32>,
        %parallel_loop3A_539 = arith.constant 5 : i32
        %parallel_loop3A_540 = arith.index_cast %parallel_loop3A_461 : i32 to index
        %parallel_loop3A_541 = arith.index_cast %parallel_loop3A_539 : i32 to index
        %parallel_loop3A_542 = arith.constant 0 : index
        %parallel_loop3A_543 = tpu.vector_load %arg5[%parallel_loop3A_540, %parallel_loop3A_541, %parallel_loop3A_542] {strides = array<i32>} : memref<513x8x16xf32, #tpu.memory_space<vmem>>, vector<16xf32>,
        %parallel_loop3A_544 = arith.addf %parallel_loop3A_533, %parallel_loop3A_543 : vector<16xf32>
        %parallel_loop3A_545 = arith.constant 5 : i32
        %parallel_loop3A_546 = arith.index_cast %parallel_loop3A_461 : i32 to index
        %parallel_loop3A_547 = arith.index_cast %parallel_loop3A_545 : i32 to index
        %parallel_loop3A_548 = arith.constant 0 : index
        %parallel_loop3A_549 = tpu.vector_load %arg5[%parallel_loop3A_546, %parallel_loop3A_547, %parallel_loop3A_548] {strides = array<i32>} : memref<513x8x16xf32, #tpu.memory_space<vmem>>, vector<16xf32>,
        tpu.vector_store %arg5[%parallel_loop3A_546, %parallel_loop3A_547, %parallel_loop3A_548], %parallel_loop3A_544 {strides = array<i32>} : memref<513x8x16xf32, #tpu.memory_space<vmem>>, vector<16xf32>,
        %parallel_loop3A_550 = arith.constant 6 : i32
        %parallel_loop3A_551 = arith.index_cast %parallel_loop3A_461 : i32 to index
        %parallel_loop3A_552 = arith.index_cast %parallel_loop3A_550 : i32 to index
        %parallel_loop3A_553 = arith.constant 0 : index
        %parallel_loop3A_554 = tpu.vector_load %arg5[%parallel_loop3A_551, %parallel_loop3A_552, %parallel_loop3A_553] {strides = array<i32>} : memref<513x8x16xf32, #tpu.memory_space<vmem>>, vector<16xf32>,
        %parallel_loop3A_555 = arith.addf %parallel_loop3A_544, %parallel_loop3A_554 : vector<16xf32>
        %parallel_loop3A_556 = arith.constant 6 : i32
        %parallel_loop3A_557 = arith.index_cast %parallel_loop3A_461 : i32 to index
        %parallel_loop3A_558 = arith.index_cast %parallel_loop3A_556 : i32 to index
        %parallel_loop3A_559 = arith.constant 0 : index
        %parallel_loop3A_560 = tpu.vector_load %arg5[%parallel_loop3A_557, %parallel_loop3A_558, %parallel_loop3A_559] {strides = array<i32>} : memref<513x8x16xf32, #tpu.memory_space<vmem>>, vector<16xf32>,
        tpu.vector_store %arg5[%parallel_loop3A_557, %parallel_loop3A_558, %parallel_loop3A_559], %parallel_loop3A_555 {strides = array<i32>} : memref<513x8x16xf32, #tpu.memory_space<vmem>>, vector<16xf32>,
        %parallel_loop3A_561 = arith.constant 7 : i32
        %parallel_loop3A_562 = arith.index_cast %parallel_loop3A_461 : i32 to index
        %parallel_loop3A_563 = arith.index_cast %parallel_loop3A_561 : i32 to index
        %parallel_loop3A_564 = arith.constant 0 : index
        %parallel_loop3A_565 = tpu.vector_load %arg5[%parallel_loop3A_562, %parallel_loop3A_563, %parallel_loop3A_564] {strides = array<i32>} : memref<513x8x16xf32, #tpu.memory_space<vmem>>, vector<16xf32>,
        %parallel_loop3A_566 = arith.addf %parallel_loop3A_555, %parallel_loop3A_565 : vector<16xf32>
        %parallel_loop3A_567 = arith.constant 7 : i32
        %parallel_loop3A_568 = arith.index_cast %parallel_loop3A_461 : i32 to index
        %parallel_loop3A_569 = arith.index_cast %parallel_loop3A_567 : i32 to index
        %parallel_loop3A_570 = arith.constant 0 : index
        %parallel_loop3A_571 = tpu.vector_load %arg5[%parallel_loop3A_568, %parallel_loop3A_569, %parallel_loop3A_570] {strides = array<i32>} : memref<513x8x16xf32, #tpu.memory_space<vmem>>, vector<16xf32>,
        tpu.vector_store %arg5[%parallel_loop3A_568, %parallel_loop3A_569, %parallel_loop3A_570], %parallel_loop3A_566 {strides = array<i32>} : memref<513x8x16xf32, #tpu.memory_space<vmem>>, vector<16xf32>,
        %parallel_loop3A_572 = arith.subf %parallel_loop3A_566, %parallel_loop3A_508 : vector<16xf32>
        %parallel_loop3A_573 = arith.constant 2.500000e-01 : f32
        %parallel_loop3A_574 = vector.broadcast %parallel_loop3A_573 : f32 to vector<16xf32>
        %parallel_loop3A_575 = arith.mulf %parallel_loop3A_572, %parallel_loop3A_574 : vector<16xf32>
        %parallel_loop3A_576 = arith.constant 3 : i32
        %parallel_loop3A_577 = arith.shrsi %parallel_loop3A_469, %parallel_loop3A_576 : i32
        %parallel_loop3A_578 = arith.constant 96 : i32
        %parallel_loop3A_579 = arith.addi %parallel_loop3A_578, %parallel_loop3A_577 : i32
        %parallel_loop3A_580 = arith.constant 7 : i32
        %parallel_loop3A_581 = arith.andi %parallel_loop3A_469, %parallel_loop3A_580 : i32
        %parallel_loop3A_582 = arith.index_cast %parallel_loop3A_579 : i32 to index
        %parallel_loop3A_583 = arith.index_cast %parallel_loop3A_581 : i32 to index
        %parallel_loop3A_584 = arith.constant 0 : index
        %parallel_loop3A_585 = tpu.vector_load %arg6[%parallel_loop3A_582, %parallel_loop3A_583, %parallel_loop3A_584] {strides = array<i32>} : memref<256x8x16xf32, #tpu.memory_space<vmem>>, vector<16xf32>,
        tpu.vector_store %arg6[%parallel_loop3A_582, %parallel_loop3A_583, %parallel_loop3A_584], %parallel_loop3A_575 {strides = array<i32>} : memref<256x8x16xf32, #tpu.memory_space<vmem>>, vector<16xf32>,
        %parallel_loop3A_586 = arith.constant 257 : i32
        %parallel_loop3A_587 = arith.addi %parallel_loop3A_586, %parallel_loop3A_73 : i32
        %parallel_loop3A_588 = arith.constant 4 : i32
        %parallel_loop3A_589 = arith.muli %parallel_loop3A_588, %parallel_loop3A_73 : i32
        %parallel_loop3A_590 = arith.constant 1 : i32
        %parallel_loop3A_591 = arith.addi %parallel_loop3A_589, %parallel_loop3A_590 : i32
        %parallel_loop3A_592 = arith.constant 4 : i32
        %parallel_loop3A_593 = arith.muli %parallel_loop3A_592, %parallel_loop3A_73 : i32
        %parallel_loop3A_594 = arith.constant 3 : i32
        %parallel_loop3A_595 = arith.addi %parallel_loop3A_593, %parallel_loop3A_594 : i32
        %parallel_loop3A_596 = arith.constant 0 : i32
        %parallel_loop3A_597 = arith.index_cast %parallel_loop3A_587 : i32 to index
        %parallel_loop3A_598 = arith.index_cast %parallel_loop3A_596 : i32 to index
        %parallel_loop3A_599 = arith.constant 0 : index
        %parallel_loop3A_600 = tpu.vector_load %arg5[%parallel_loop3A_597, %parallel_loop3A_598, %parallel_loop3A_599] {strides = array<i32>} : memref<513x8x16xf32, #tpu.memory_space<vmem>>, vector<16xf32>,
        %parallel_loop3A_601 = arith.addf %parallel_loop3A_78, %parallel_loop3A_600 : vector<16xf32>
        %parallel_loop3A_602 = arith.constant 0 : i32
        %parallel_loop3A_603 = arith.index_cast %parallel_loop3A_587 : i32 to index
        %parallel_loop3A_604 = arith.index_cast %parallel_loop3A_602 : i32 to index
        %parallel_loop3A_605 = arith.constant 0 : index
        %parallel_loop3A_606 = tpu.vector_load %arg5[%parallel_loop3A_603, %parallel_loop3A_604, %parallel_loop3A_605] {strides = array<i32>} : memref<513x8x16xf32, #tpu.memory_space<vmem>>, vector<16xf32>,
        tpu.vector_store %arg5[%parallel_loop3A_603, %parallel_loop3A_604, %parallel_loop3A_605], %parallel_loop3A_601 {strides = array<i32>} : memref<513x8x16xf32, #tpu.memory_space<vmem>>, vector<16xf32>,
        %parallel_loop3A_607 = arith.constant 1 : i32
        %parallel_loop3A_608 = arith.index_cast %parallel_loop3A_587 : i32 to index
        %parallel_loop3A_609 = arith.index_cast %parallel_loop3A_607 : i32 to index
        %parallel_loop3A_610 = arith.constant 0 : index
        %parallel_loop3A_611 = tpu.vector_load %arg5[%parallel_loop3A_608, %parallel_loop3A_609, %parallel_loop3A_610] {strides = array<i32>} : memref<513x8x16xf32, #tpu.memory_space<vmem>>, vector<16xf32>,
        %parallel_loop3A_612 = arith.addf %parallel_loop3A_601, %parallel_loop3A_611 : vector<16xf32>
        %parallel_loop3A_613 = arith.constant 1 : i32
        %parallel_loop3A_614 = arith.index_cast %parallel_loop3A_587 : i32 to index
        %parallel_loop3A_615 = arith.index_cast %parallel_loop3A_613 : i32 to index
        %parallel_loop3A_616 = arith.constant 0 : index
        %parallel_loop3A_617 = tpu.vector_load %arg5[%parallel_loop3A_614, %parallel_loop3A_615, %parallel_loop3A_616] {strides = array<i32>} : memref<513x8x16xf32, #tpu.memory_space<vmem>>, vector<16xf32>,
        tpu.vector_store %arg5[%parallel_loop3A_614, %parallel_loop3A_615, %parallel_loop3A_616], %parallel_loop3A_612 {strides = array<i32>} : memref<513x8x16xf32, #tpu.memory_space<vmem>>, vector<16xf32>,
        %parallel_loop3A_618 = arith.constant 2 : i32
        %parallel_loop3A_619 = arith.index_cast %parallel_loop3A_587 : i32 to index
        %parallel_loop3A_620 = arith.index_cast %parallel_loop3A_618 : i32 to index
        %parallel_loop3A_621 = arith.constant 0 : index
        %parallel_loop3A_622 = tpu.vector_load %arg5[%parallel_loop3A_619, %parallel_loop3A_620, %parallel_loop3A_621] {strides = array<i32>} : memref<513x8x16xf32, #tpu.memory_space<vmem>>, vector<16xf32>,
        %parallel_loop3A_623 = arith.addf %parallel_loop3A_612, %parallel_loop3A_622 : vector<16xf32>
        %parallel_loop3A_624 = arith.constant 2 : i32
        %parallel_loop3A_625 = arith.index_cast %parallel_loop3A_587 : i32 to index
        %parallel_loop3A_626 = arith.index_cast %parallel_loop3A_624 : i32 to index
        %parallel_loop3A_627 = arith.constant 0 : index
        %parallel_loop3A_628 = tpu.vector_load %arg5[%parallel_loop3A_625, %parallel_loop3A_626, %parallel_loop3A_627] {strides = array<i32>} : memref<513x8x16xf32, #tpu.memory_space<vmem>>, vector<16xf32>,
        tpu.vector_store %arg5[%parallel_loop3A_625, %parallel_loop3A_626, %parallel_loop3A_627], %parallel_loop3A_623 {strides = array<i32>} : memref<513x8x16xf32, #tpu.memory_space<vmem>>, vector<16xf32>,
        %parallel_loop3A_629 = arith.constant 3 : i32
        %parallel_loop3A_630 = arith.index_cast %parallel_loop3A_587 : i32 to index
        %parallel_loop3A_631 = arith.index_cast %parallel_loop3A_629 : i32 to index
        %parallel_loop3A_632 = arith.constant 0 : index
        %parallel_loop3A_633 = tpu.vector_load %arg5[%parallel_loop3A_630, %parallel_loop3A_631, %parallel_loop3A_632] {strides = array<i32>} : memref<513x8x16xf32, #tpu.memory_space<vmem>>, vector<16xf32>,
        %parallel_loop3A_634 = arith.addf %parallel_loop3A_623, %parallel_loop3A_633 : vector<16xf32>
        %parallel_loop3A_635 = arith.constant 3 : i32
        %parallel_loop3A_636 = arith.index_cast %parallel_loop3A_587 : i32 to index
        %parallel_loop3A_637 = arith.index_cast %parallel_loop3A_635 : i32 to index
        %parallel_loop3A_638 = arith.constant 0 : index
        %parallel_loop3A_639 = tpu.vector_load %arg5[%parallel_loop3A_636, %parallel_loop3A_637, %parallel_loop3A_638] {strides = array<i32>} : memref<513x8x16xf32, #tpu.memory_space<vmem>>, vector<16xf32>,
        tpu.vector_store %arg5[%parallel_loop3A_636, %parallel_loop3A_637, %parallel_loop3A_638], %parallel_loop3A_634 {strides = array<i32>} : memref<513x8x16xf32, #tpu.memory_space<vmem>>, vector<16xf32>,
        %parallel_loop3A_640 = arith.subf %parallel_loop3A_634, %parallel_loop3A_78 : vector<16xf32>
        %parallel_loop3A_641 = arith.constant 2.500000e-01 : f32
        %parallel_loop3A_642 = vector.broadcast %parallel_loop3A_641 : f32 to vector<16xf32>
        %parallel_loop3A_643 = arith.mulf %parallel_loop3A_640, %parallel_loop3A_642 : vector<16xf32>
        %parallel_loop3A_644 = arith.constant 3 : i32
        %parallel_loop3A_645 = arith.shrsi %parallel_loop3A_591, %parallel_loop3A_644 : i32
        %parallel_loop3A_646 = arith.constant 128 : i32
        %parallel_loop3A_647 = arith.addi %parallel_loop3A_646, %parallel_loop3A_645 : i32
        %parallel_loop3A_648 = arith.constant 7 : i32
        %parallel_loop3A_649 = arith.andi %parallel_loop3A_591, %parallel_loop3A_648 : i32
        %parallel_loop3A_650 = arith.index_cast %parallel_loop3A_647 : i32 to index
        %parallel_loop3A_651 = arith.index_cast %parallel_loop3A_649 : i32 to index
        %parallel_loop3A_652 = arith.constant 0 : index
        %parallel_loop3A_653 = tpu.vector_load %arg6[%parallel_loop3A_650, %parallel_loop3A_651, %parallel_loop3A_652] {strides = array<i32>} : memref<256x8x16xf32, #tpu.memory_space<vmem>>, vector<16xf32>,
        tpu.vector_store %arg6[%parallel_loop3A_650, %parallel_loop3A_651, %parallel_loop3A_652], %parallel_loop3A_643 {strides = array<i32>} : memref<256x8x16xf32, #tpu.memory_space<vmem>>, vector<16xf32>,
        %parallel_loop3A_654 = arith.constant 4 : i32
        %parallel_loop3A_655 = arith.index_cast %parallel_loop3A_587 : i32 to index
        %parallel_loop3A_656 = arith.index_cast %parallel_loop3A_654 : i32 to index
        %parallel_loop3A_657 = arith.constant 0 : index
        %parallel_loop3A_658 = tpu.vector_load %arg5[%parallel_loop3A_655, %parallel_loop3A_656, %parallel_loop3A_657] {strides = array<i32>} : memref<513x8x16xf32, #tpu.memory_space<vmem>>, vector<16xf32>,
        %parallel_loop3A_659 = arith.addf %parallel_loop3A_634, %parallel_loop3A_658 : vector<16xf32>
        %parallel_loop3A_660 = arith.constant 4 : i32
        %parallel_loop3A_661 = arith.index_cast %parallel_loop3A_587 : i32 to index
        %parallel_loop3A_662 = arith.index_cast %parallel_loop3A_660 : i32 to index
        %parallel_loop3A_663 = arith.constant 0 : index
        %parallel_loop3A_664 = tpu.vector_load %arg5[%parallel_loop3A_661, %parallel_loop3A_662, %parallel_loop3A_663] {strides = array<i32>} : memref<513x8x16xf32, #tpu.memory_space<vmem>>, vector<16xf32>,
        tpu.vector_store %arg5[%parallel_loop3A_661, %parallel_loop3A_662, %parallel_loop3A_663], %parallel_loop3A_659 {strides = array<i32>} : memref<513x8x16xf32, #tpu.memory_space<vmem>>, vector<16xf32>,
        %parallel_loop3A_665 = arith.constant 5 : i32
        %parallel_loop3A_666 = arith.index_cast %parallel_loop3A_587 : i32 to index
        %parallel_loop3A_667 = arith.index_cast %parallel_loop3A_665 : i32 to index
        %parallel_loop3A_668 = arith.constant 0 : index
        %parallel_loop3A_669 = tpu.vector_load %arg5[%parallel_loop3A_666, %parallel_loop3A_667, %parallel_loop3A_668] {strides = array<i32>} : memref<513x8x16xf32, #tpu.memory_space<vmem>>, vector<16xf32>,
        %parallel_loop3A_670 = arith.addf %parallel_loop3A_659, %parallel_loop3A_669 : vector<16xf32>
        %parallel_loop3A_671 = arith.constant 5 : i32
        %parallel_loop3A_672 = arith.index_cast %parallel_loop3A_587 : i32 to index
        %parallel_loop3A_673 = arith.index_cast %parallel_loop3A_671 : i32 to index
        %parallel_loop3A_674 = arith.constant 0 : index
        %parallel_loop3A_675 = tpu.vector_load %arg5[%parallel_loop3A_672, %parallel_loop3A_673, %parallel_loop3A_674] {strides = array<i32>} : memref<513x8x16xf32, #tpu.memory_space<vmem>>, vector<16xf32>,
        tpu.vector_store %arg5[%parallel_loop3A_672, %parallel_loop3A_673, %parallel_loop3A_674], %parallel_loop3A_670 {strides = array<i32>} : memref<513x8x16xf32, #tpu.memory_space<vmem>>, vector<16xf32>,
        %parallel_loop3A_676 = arith.constant 6 : i32
        %parallel_loop3A_677 = arith.index_cast %parallel_loop3A_587 : i32 to index
        %parallel_loop3A_678 = arith.index_cast %parallel_loop3A_676 : i32 to index
        %parallel_loop3A_679 = arith.constant 0 : index
        %parallel_loop3A_680 = tpu.vector_load %arg5[%parallel_loop3A_677, %parallel_loop3A_678, %parallel_loop3A_679] {strides = array<i32>} : memref<513x8x16xf32, #tpu.memory_space<vmem>>, vector<16xf32>,
        %parallel_loop3A_681 = arith.addf %parallel_loop3A_670, %parallel_loop3A_680 : vector<16xf32>
        %parallel_loop3A_682 = arith.constant 6 : i32
        %parallel_loop3A_683 = arith.index_cast %parallel_loop3A_587 : i32 to index
        %parallel_loop3A_684 = arith.index_cast %parallel_loop3A_682 : i32 to index
        %parallel_loop3A_685 = arith.constant 0 : index
        %parallel_loop3A_686 = tpu.vector_load %arg5[%parallel_loop3A_683, %parallel_loop3A_684, %parallel_loop3A_685] {strides = array<i32>} : memref<513x8x16xf32, #tpu.memory_space<vmem>>, vector<16xf32>,
        tpu.vector_store %arg5[%parallel_loop3A_683, %parallel_loop3A_684, %parallel_loop3A_685], %parallel_loop3A_681 {strides = array<i32>} : memref<513x8x16xf32, #tpu.memory_space<vmem>>, vector<16xf32>,
        %parallel_loop3A_687 = arith.constant 7 : i32
        %parallel_loop3A_688 = arith.index_cast %parallel_loop3A_587 : i32 to index
        %parallel_loop3A_689 = arith.index_cast %parallel_loop3A_687 : i32 to index
        %parallel_loop3A_690 = arith.constant 0 : index
        %parallel_loop3A_691 = tpu.vector_load %arg5[%parallel_loop3A_688, %parallel_loop3A_689, %parallel_loop3A_690] {strides = array<i32>} : memref<513x8x16xf32, #tpu.memory_space<vmem>>, vector<16xf32>,
        %parallel_loop3A_692 = arith.addf %parallel_loop3A_681, %parallel_loop3A_691 : vector<16xf32>
        %parallel_loop3A_693 = arith.constant 7 : i32
        %parallel_loop3A_694 = arith.index_cast %parallel_loop3A_587 : i32 to index
        %parallel_loop3A_695 = arith.index_cast %parallel_loop3A_693 : i32 to index
        %parallel_loop3A_696 = arith.constant 0 : index
        %parallel_loop3A_697 = tpu.vector_load %arg5[%parallel_loop3A_694, %parallel_loop3A_695, %parallel_loop3A_696] {strides = array<i32>} : memref<513x8x16xf32, #tpu.memory_space<vmem>>, vector<16xf32>,
        tpu.vector_store %arg5[%parallel_loop3A_694, %parallel_loop3A_695, %parallel_loop3A_696], %parallel_loop3A_692 {strides = array<i32>} : memref<513x8x16xf32, #tpu.memory_space<vmem>>, vector<16xf32>,
        %parallel_loop3A_698 = arith.subf %parallel_loop3A_692, %parallel_loop3A_634 : vector<16xf32>
        %parallel_loop3A_699 = arith.constant 2.500000e-01 : f32
        %parallel_loop3A_700 = vector.broadcast %parallel_loop3A_699 : f32 to vector<16xf32>
        %parallel_loop3A_701 = arith.mulf %parallel_loop3A_698, %parallel_loop3A_700 : vector<16xf32>
        %parallel_loop3A_702 = arith.constant 3 : i32
        %parallel_loop3A_703 = arith.shrsi %parallel_loop3A_595, %parallel_loop3A_702 : i32
        %parallel_loop3A_704 = arith.constant 128 : i32
        %parallel_loop3A_705 = arith.addi %parallel_loop3A_704, %parallel_loop3A_703 : i32
        %parallel_loop3A_706 = arith.constant 7 : i32
        %parallel_loop3A_707 = arith.andi %parallel_loop3A_595, %parallel_loop3A_706 : i32
        %parallel_loop3A_708 = arith.index_cast %parallel_loop3A_705 : i32 to index
        %parallel_loop3A_709 = arith.index_cast %parallel_loop3A_707 : i32 to index
        %parallel_loop3A_710 = arith.constant 0 : index
        %parallel_loop3A_711 = tpu.vector_load %arg6[%parallel_loop3A_708, %parallel_loop3A_709, %parallel_loop3A_710] {strides = array<i32>} : memref<256x8x16xf32, #tpu.memory_space<vmem>>, vector<16xf32>,
        tpu.vector_store %arg6[%parallel_loop3A_708, %parallel_loop3A_709, %parallel_loop3A_710], %parallel_loop3A_701 {strides = array<i32>} : memref<256x8x16xf32, #tpu.memory_space<vmem>>, vector<16xf32>,
        %parallel_loop3A_712 = arith.constant 321 : i32
        %parallel_loop3A_713 = arith.addi %parallel_loop3A_712, %parallel_loop3A_73 : i32
        %parallel_loop3A_714 = arith.constant 4 : i32
        %parallel_loop3A_715 = arith.muli %parallel_loop3A_714, %parallel_loop3A_73 : i32
        %parallel_loop3A_716 = arith.constant 1 : i32
        %parallel_loop3A_717 = arith.addi %parallel_loop3A_715, %parallel_loop3A_716 : i32
        %parallel_loop3A_718 = arith.constant 4 : i32
        %parallel_loop3A_719 = arith.muli %parallel_loop3A_718, %parallel_loop3A_73 : i32
        %parallel_loop3A_720 = arith.constant 3 : i32
        %parallel_loop3A_721 = arith.addi %parallel_loop3A_719, %parallel_loop3A_720 : i32
        %parallel_loop3A_722 = arith.constant 0 : i32
        %parallel_loop3A_723 = arith.index_cast %parallel_loop3A_713 : i32 to index
        %parallel_loop3A_724 = arith.index_cast %parallel_loop3A_722 : i32 to index
        %parallel_loop3A_725 = arith.constant 0 : index
        %parallel_loop3A_726 = tpu.vector_load %arg5[%parallel_loop3A_723, %parallel_loop3A_724, %parallel_loop3A_725] {strides = array<i32>} : memref<513x8x16xf32, #tpu.memory_space<vmem>>, vector<16xf32>,
        %parallel_loop3A_727 = arith.addf %parallel_loop3A_79, %parallel_loop3A_726 : vector<16xf32>
        %parallel_loop3A_728 = arith.constant 0 : i32
        %parallel_loop3A_729 = arith.index_cast %parallel_loop3A_713 : i32 to index
        %parallel_loop3A_730 = arith.index_cast %parallel_loop3A_728 : i32 to index
        %parallel_loop3A_731 = arith.constant 0 : index
        %parallel_loop3A_732 = tpu.vector_load %arg5[%parallel_loop3A_729, %parallel_loop3A_730, %parallel_loop3A_731] {strides = array<i32>} : memref<513x8x16xf32, #tpu.memory_space<vmem>>, vector<16xf32>,
        tpu.vector_store %arg5[%parallel_loop3A_729, %parallel_loop3A_730, %parallel_loop3A_731], %parallel_loop3A_727 {strides = array<i32>} : memref<513x8x16xf32, #tpu.memory_space<vmem>>, vector<16xf32>,
        %parallel_loop3A_733 = arith.constant 1 : i32
        %parallel_loop3A_734 = arith.index_cast %parallel_loop3A_713 : i32 to index
        %parallel_loop3A_735 = arith.index_cast %parallel_loop3A_733 : i32 to index
        %parallel_loop3A_736 = arith.constant 0 : index
        %parallel_loop3A_737 = tpu.vector_load %arg5[%parallel_loop3A_734, %parallel_loop3A_735, %parallel_loop3A_736] {strides = array<i32>} : memref<513x8x16xf32, #tpu.memory_space<vmem>>, vector<16xf32>,
        %parallel_loop3A_738 = arith.addf %parallel_loop3A_727, %parallel_loop3A_737 : vector<16xf32>
        %parallel_loop3A_739 = arith.constant 1 : i32
        %parallel_loop3A_740 = arith.index_cast %parallel_loop3A_713 : i32 to index
        %parallel_loop3A_741 = arith.index_cast %parallel_loop3A_739 : i32 to index
        %parallel_loop3A_742 = arith.constant 0 : index
        %parallel_loop3A_743 = tpu.vector_load %arg5[%parallel_loop3A_740, %parallel_loop3A_741, %parallel_loop3A_742] {strides = array<i32>} : memref<513x8x16xf32, #tpu.memory_space<vmem>>, vector<16xf32>,
        tpu.vector_store %arg5[%parallel_loop3A_740, %parallel_loop3A_741, %parallel_loop3A_742], %parallel_loop3A_738 {strides = array<i32>} : memref<513x8x16xf32, #tpu.memory_space<vmem>>, vector<16xf32>,
        %parallel_loop3A_744 = arith.constant 2 : i32
        %parallel_loop3A_745 = arith.index_cast %parallel_loop3A_713 : i32 to index
        %parallel_loop3A_746 = arith.index_cast %parallel_loop3A_744 : i32 to index
        %parallel_loop3A_747 = arith.constant 0 : index
        %parallel_loop3A_748 = tpu.vector_load %arg5[%parallel_loop3A_745, %parallel_loop3A_746, %parallel_loop3A_747] {strides = array<i32>} : memref<513x8x16xf32, #tpu.memory_space<vmem>>, vector<16xf32>,
        %parallel_loop3A_749 = arith.addf %parallel_loop3A_738, %parallel_loop3A_748 : vector<16xf32>
        %parallel_loop3A_750 = arith.constant 2 : i32
        %parallel_loop3A_751 = arith.index_cast %parallel_loop3A_713 : i32 to index
        %parallel_loop3A_752 = arith.index_cast %parallel_loop3A_750 : i32 to index
        %parallel_loop3A_753 = arith.constant 0 : index
        %parallel_loop3A_754 = tpu.vector_load %arg5[%parallel_loop3A_751, %parallel_loop3A_752, %parallel_loop3A_753] {strides = array<i32>} : memref<513x8x16xf32, #tpu.memory_space<vmem>>, vector<16xf32>,
        tpu.vector_store %arg5[%parallel_loop3A_751, %parallel_loop3A_752, %parallel_loop3A_753], %parallel_loop3A_749 {strides = array<i32>} : memref<513x8x16xf32, #tpu.memory_space<vmem>>, vector<16xf32>,
        %parallel_loop3A_755 = arith.constant 3 : i32
        %parallel_loop3A_756 = arith.index_cast %parallel_loop3A_713 : i32 to index
        %parallel_loop3A_757 = arith.index_cast %parallel_loop3A_755 : i32 to index
        %parallel_loop3A_758 = arith.constant 0 : index
        %parallel_loop3A_759 = tpu.vector_load %arg5[%parallel_loop3A_756, %parallel_loop3A_757, %parallel_loop3A_758] {strides = array<i32>} : memref<513x8x16xf32, #tpu.memory_space<vmem>>, vector<16xf32>,
        %parallel_loop3A_760 = arith.addf %parallel_loop3A_749, %parallel_loop3A_759 : vector<16xf32>
        %parallel_loop3A_761 = arith.constant 3 : i32
        %parallel_loop3A_762 = arith.index_cast %parallel_loop3A_713 : i32 to index
        %parallel_loop3A_763 = arith.index_cast %parallel_loop3A_761 : i32 to index
        %parallel_loop3A_764 = arith.constant 0 : index
        %parallel_loop3A_765 = tpu.vector_load %arg5[%parallel_loop3A_762, %parallel_loop3A_763, %parallel_loop3A_764] {strides = array<i32>} : memref<513x8x16xf32, #tpu.memory_space<vmem>>, vector<16xf32>,
        tpu.vector_store %arg5[%parallel_loop3A_762, %parallel_loop3A_763, %parallel_loop3A_764], %parallel_loop3A_760 {strides = array<i32>} : memref<513x8x16xf32, #tpu.memory_space<vmem>>, vector<16xf32>,
        %parallel_loop3A_766 = arith.subf %parallel_loop3A_760, %parallel_loop3A_79 : vector<16xf32>
        %parallel_loop3A_767 = arith.constant 2.500000e-01 : f32
        %parallel_loop3A_768 = vector.broadcast %parallel_loop3A_767 : f32 to vector<16xf32>
        %parallel_loop3A_769 = arith.mulf %parallel_loop3A_766, %parallel_loop3A_768 : vector<16xf32>
        %parallel_loop3A_770 = arith.constant 3 : i32
        %parallel_loop3A_771 = arith.shrsi %parallel_loop3A_717, %parallel_loop3A_770 : i32
        %parallel_loop3A_772 = arith.constant 160 : i32
        %parallel_loop3A_773 = arith.addi %parallel_loop3A_772, %parallel_loop3A_771 : i32
        %parallel_loop3A_774 = arith.constant 7 : i32
        %parallel_loop3A_775 = arith.andi %parallel_loop3A_717, %parallel_loop3A_774 : i32
        %parallel_loop3A_776 = arith.index_cast %parallel_loop3A_773 : i32 to index
        %parallel_loop3A_777 = arith.index_cast %parallel_loop3A_775 : i32 to index
        %parallel_loop3A_778 = arith.constant 0 : index
        %parallel_loop3A_779 = tpu.vector_load %arg6[%parallel_loop3A_776, %parallel_loop3A_777, %parallel_loop3A_778] {strides = array<i32>} : memref<256x8x16xf32, #tpu.memory_space<vmem>>, vector<16xf32>,
        tpu.vector_store %arg6[%parallel_loop3A_776, %parallel_loop3A_777, %parallel_loop3A_778], %parallel_loop3A_769 {strides = array<i32>} : memref<256x8x16xf32, #tpu.memory_space<vmem>>, vector<16xf32>,
        %parallel_loop3A_780 = arith.constant 4 : i32
        %parallel_loop3A_781 = arith.index_cast %parallel_loop3A_713 : i32 to index
        %parallel_loop3A_782 = arith.index_cast %parallel_loop3A_780 : i32 to index
        %parallel_loop3A_783 = arith.constant 0 : index
        %parallel_loop3A_784 = tpu.vector_load %arg5[%parallel_loop3A_781, %parallel_loop3A_782, %parallel_loop3A_783] {strides = array<i32>} : memref<513x8x16xf32, #tpu.memory_space<vmem>>, vector<16xf32>,
        %parallel_loop3A_785 = arith.addf %parallel_loop3A_760, %parallel_loop3A_784 : vector<16xf32>
        %parallel_loop3A_786 = arith.constant 4 : i32
        %parallel_loop3A_787 = arith.index_cast %parallel_loop3A_713 : i32 to index
        %parallel_loop3A_788 = arith.index_cast %parallel_loop3A_786 : i32 to index
        %parallel_loop3A_789 = arith.constant 0 : index
        %parallel_loop3A_790 = tpu.vector_load %arg5[%parallel_loop3A_787, %parallel_loop3A_788, %parallel_loop3A_789] {strides = array<i32>} : memref<513x8x16xf32, #tpu.memory_space<vmem>>, vector<16xf32>,
        tpu.vector_store %arg5[%parallel_loop3A_787, %parallel_loop3A_788, %parallel_loop3A_789], %parallel_loop3A_785 {strides = array<i32>} : memref<513x8x16xf32, #tpu.memory_space<vmem>>, vector<16xf32>,
        %parallel_loop3A_791 = arith.constant 5 : i32
        %parallel_loop3A_792 = arith.index_cast %parallel_loop3A_713 : i32 to index
        %parallel_loop3A_793 = arith.index_cast %parallel_loop3A_791 : i32 to index
        %parallel_loop3A_794 = arith.constant 0 : index
        %parallel_loop3A_795 = tpu.vector_load %arg5[%parallel_loop3A_792, %parallel_loop3A_793, %parallel_loop3A_794] {strides = array<i32>} : memref<513x8x16xf32, #tpu.memory_space<vmem>>, vector<16xf32>,
        %parallel_loop3A_796 = arith.addf %parallel_loop3A_785, %parallel_loop3A_795 : vector<16xf32>
        %parallel_loop3A_797 = arith.constant 5 : i32
        %parallel_loop3A_798 = arith.index_cast %parallel_loop3A_713 : i32 to index
        %parallel_loop3A_799 = arith.index_cast %parallel_loop3A_797 : i32 to index
        %parallel_loop3A_800 = arith.constant 0 : index
        %parallel_loop3A_801 = tpu.vector_load %arg5[%parallel_loop3A_798, %parallel_loop3A_799, %parallel_loop3A_800] {strides = array<i32>} : memref<513x8x16xf32, #tpu.memory_space<vmem>>, vector<16xf32>,
        tpu.vector_store %arg5[%parallel_loop3A_798, %parallel_loop3A_799, %parallel_loop3A_800], %parallel_loop3A_796 {strides = array<i32>} : memref<513x8x16xf32, #tpu.memory_space<vmem>>, vector<16xf32>,
        %parallel_loop3A_802 = arith.constant 6 : i32
        %parallel_loop3A_803 = arith.index_cast %parallel_loop3A_713 : i32 to index
        %parallel_loop3A_804 = arith.index_cast %parallel_loop3A_802 : i32 to index
        %parallel_loop3A_805 = arith.constant 0 : index
        %parallel_loop3A_806 = tpu.vector_load %arg5[%parallel_loop3A_803, %parallel_loop3A_804, %parallel_loop3A_805] {strides = array<i32>} : memref<513x8x16xf32, #tpu.memory_space<vmem>>, vector<16xf32>,
        %parallel_loop3A_807 = arith.addf %parallel_loop3A_796, %parallel_loop3A_806 : vector<16xf32>
        %parallel_loop3A_808 = arith.constant 6 : i32
        %parallel_loop3A_809 = arith.index_cast %parallel_loop3A_713 : i32 to index
        %parallel_loop3A_810 = arith.index_cast %parallel_loop3A_808 : i32 to index
        %parallel_loop3A_811 = arith.constant 0 : index
        %parallel_loop3A_812 = tpu.vector_load %arg5[%parallel_loop3A_809, %parallel_loop3A_810, %parallel_loop3A_811] {strides = array<i32>} : memref<513x8x16xf32, #tpu.memory_space<vmem>>, vector<16xf32>,
        tpu.vector_store %arg5[%parallel_loop3A_809, %parallel_loop3A_810, %parallel_loop3A_811], %parallel_loop3A_807 {strides = array<i32>} : memref<513x8x16xf32, #tpu.memory_space<vmem>>, vector<16xf32>,
        %parallel_loop3A_813 = arith.constant 7 : i32
        %parallel_loop3A_814 = arith.index_cast %parallel_loop3A_713 : i32 to index
        %parallel_loop3A_815 = arith.index_cast %parallel_loop3A_813 : i32 to index
        %parallel_loop3A_816 = arith.constant 0 : index
        %parallel_loop3A_817 = tpu.vector_load %arg5[%parallel_loop3A_814, %parallel_loop3A_815, %parallel_loop3A_816] {strides = array<i32>} : memref<513x8x16xf32, #tpu.memory_space<vmem>>, vector<16xf32>,
        %parallel_loop3A_818 = arith.addf %parallel_loop3A_807, %parallel_loop3A_817 : vector<16xf32>
        %parallel_loop3A_819 = arith.constant 7 : i32
        %parallel_loop3A_820 = arith.index_cast %parallel_loop3A_713 : i32 to index
        %parallel_loop3A_821 = arith.index_cast %parallel_loop3A_819 : i32 to index
        %parallel_loop3A_822 = arith.constant 0 : index
        %parallel_loop3A_823 = tpu.vector_load %arg5[%parallel_loop3A_820, %parallel_loop3A_821, %parallel_loop3A_822] {strides = array<i32>} : memref<513x8x16xf32, #tpu.memory_space<vmem>>, vector<16xf32>,
        tpu.vector_store %arg5[%parallel_loop3A_820, %parallel_loop3A_821, %parallel_loop3A_822], %parallel_loop3A_818 {strides = array<i32>} : memref<513x8x16xf32, #tpu.memory_space<vmem>>, vector<16xf32>,
        %parallel_loop3A_824 = arith.subf %parallel_loop3A_818, %parallel_loop3A_760 : vector<16xf32>
        %parallel_loop3A_825 = arith.constant 2.500000e-01 : f32
        %parallel_loop3A_826 = vector.broadcast %parallel_loop3A_825 : f32 to vector<16xf32>
        %parallel_loop3A_827 = arith.mulf %parallel_loop3A_824, %parallel_loop3A_826 : vector<16xf32>
        %parallel_loop3A_828 = arith.constant 3 : i32
        %parallel_loop3A_829 = arith.shrsi %parallel_loop3A_721, %parallel_loop3A_828 : i32
        %parallel_loop3A_830 = arith.constant 160 : i32
        %parallel_loop3A_831 = arith.addi %parallel_loop3A_830, %parallel_loop3A_829 : i32
        %parallel_loop3A_832 = arith.constant 7 : i32
        %parallel_loop3A_833 = arith.andi %parallel_loop3A_721, %parallel_loop3A_832 : i32
        %parallel_loop3A_834 = arith.index_cast %parallel_loop3A_831 : i32 to index
        %parallel_loop3A_835 = arith.index_cast %parallel_loop3A_833 : i32 to index
        %parallel_loop3A_836 = arith.constant 0 : index
        %parallel_loop3A_837 = tpu.vector_load %arg6[%parallel_loop3A_834, %parallel_loop3A_835, %parallel_loop3A_836] {strides = array<i32>} : memref<256x8x16xf32, #tpu.memory_space<vmem>>, vector<16xf32>,
        tpu.vector_store %arg6[%parallel_loop3A_834, %parallel_loop3A_835, %parallel_loop3A_836], %parallel_loop3A_827 {strides = array<i32>} : memref<256x8x16xf32, #tpu.memory_space<vmem>>, vector<16xf32>,
        %parallel_loop3A_838 = arith.constant 385 : i32
        %parallel_loop3A_839 = arith.addi %parallel_loop3A_838, %parallel_loop3A_73 : i32
        %parallel_loop3A_840 = arith.constant 4 : i32
        %parallel_loop3A_841 = arith.muli %parallel_loop3A_840, %parallel_loop3A_73 : i32
        %parallel_loop3A_842 = arith.constant 1 : i32
        %parallel_loop3A_843 = arith.addi %parallel_loop3A_841, %parallel_loop3A_842 : i32
        %parallel_loop3A_844 = arith.constant 4 : i32
        %parallel_loop3A_845 = arith.muli %parallel_loop3A_844, %parallel_loop3A_73 : i32
        %parallel_loop3A_846 = arith.constant 3 : i32
        %parallel_loop3A_847 = arith.addi %parallel_loop3A_845, %parallel_loop3A_846 : i32
        %parallel_loop3A_848 = arith.constant 0 : i32
        %parallel_loop3A_849 = arith.index_cast %parallel_loop3A_839 : i32 to index
        %parallel_loop3A_850 = arith.index_cast %parallel_loop3A_848 : i32 to index
        %parallel_loop3A_851 = arith.constant 0 : index
        %parallel_loop3A_852 = tpu.vector_load %arg5[%parallel_loop3A_849, %parallel_loop3A_850, %parallel_loop3A_851] {strides = array<i32>} : memref<513x8x16xf32, #tpu.memory_space<vmem>>, vector<16xf32>,
        %parallel_loop3A_853 = arith.addf %parallel_loop3A_80, %parallel_loop3A_852 : vector<16xf32>
        %parallel_loop3A_854 = arith.constant 0 : i32
        %parallel_loop3A_855 = arith.index_cast %parallel_loop3A_839 : i32 to index
        %parallel_loop3A_856 = arith.index_cast %parallel_loop3A_854 : i32 to index
        %parallel_loop3A_857 = arith.constant 0 : index
        %parallel_loop3A_858 = tpu.vector_load %arg5[%parallel_loop3A_855, %parallel_loop3A_856, %parallel_loop3A_857] {strides = array<i32>} : memref<513x8x16xf32, #tpu.memory_space<vmem>>, vector<16xf32>,
        tpu.vector_store %arg5[%parallel_loop3A_855, %parallel_loop3A_856, %parallel_loop3A_857], %parallel_loop3A_853 {strides = array<i32>} : memref<513x8x16xf32, #tpu.memory_space<vmem>>, vector<16xf32>,
        %parallel_loop3A_859 = arith.constant 1 : i32
        %parallel_loop3A_860 = arith.index_cast %parallel_loop3A_839 : i32 to index
        %parallel_loop3A_861 = arith.index_cast %parallel_loop3A_859 : i32 to index
        %parallel_loop3A_862 = arith.constant 0 : index
        %parallel_loop3A_863 = tpu.vector_load %arg5[%parallel_loop3A_860, %parallel_loop3A_861, %parallel_loop3A_862] {strides = array<i32>} : memref<513x8x16xf32, #tpu.memory_space<vmem>>, vector<16xf32>,
        %parallel_loop3A_864 = arith.addf %parallel_loop3A_853, %parallel_loop3A_863 : vector<16xf32>
        %parallel_loop3A_865 = arith.constant 1 : i32
        %parallel_loop3A_866 = arith.index_cast %parallel_loop3A_839 : i32 to index
        %parallel_loop3A_867 = arith.index_cast %parallel_loop3A_865 : i32 to index
        %parallel_loop3A_868 = arith.constant 0 : index
        %parallel_loop3A_869 = tpu.vector_load %arg5[%parallel_loop3A_866, %parallel_loop3A_867, %parallel_loop3A_868] {strides = array<i32>} : memref<513x8x16xf32, #tpu.memory_space<vmem>>, vector<16xf32>,
        tpu.vector_store %arg5[%parallel_loop3A_866, %parallel_loop3A_867, %parallel_loop3A_868], %parallel_loop3A_864 {strides = array<i32>} : memref<513x8x16xf32, #tpu.memory_space<vmem>>, vector<16xf32>,
        %parallel_loop3A_870 = arith.constant 2 : i32
        %parallel_loop3A_871 = arith.index_cast %parallel_loop3A_839 : i32 to index
        %parallel_loop3A_872 = arith.index_cast %parallel_loop3A_870 : i32 to index
        %parallel_loop3A_873 = arith.constant 0 : index
        %parallel_loop3A_874 = tpu.vector_load %arg5[%parallel_loop3A_871, %parallel_loop3A_872, %parallel_loop3A_873] {strides = array<i32>} : memref<513x8x16xf32, #tpu.memory_space<vmem>>, vector<16xf32>,
        %parallel_loop3A_875 = arith.addf %parallel_loop3A_864, %parallel_loop3A_874 : vector<16xf32>
        %parallel_loop3A_876 = arith.constant 2 : i32
        %parallel_loop3A_877 = arith.index_cast %parallel_loop3A_839 : i32 to index
        %parallel_loop3A_878 = arith.index_cast %parallel_loop3A_876 : i32 to index
        %parallel_loop3A_879 = arith.constant 0 : index
        %parallel_loop3A_880 = tpu.vector_load %arg5[%parallel_loop3A_877, %parallel_loop3A_878, %parallel_loop3A_879] {strides = array<i32>} : memref<513x8x16xf32, #tpu.memory_space<vmem>>, vector<16xf32>,
        tpu.vector_store %arg5[%parallel_loop3A_877, %parallel_loop3A_878, %parallel_loop3A_879], %parallel_loop3A_875 {strides = array<i32>} : memref<513x8x16xf32, #tpu.memory_space<vmem>>, vector<16xf32>,
        %parallel_loop3A_881 = arith.constant 3 : i32
        %parallel_loop3A_882 = arith.index_cast %parallel_loop3A_839 : i32 to index
        %parallel_loop3A_883 = arith.index_cast %parallel_loop3A_881 : i32 to index
        %parallel_loop3A_884 = arith.constant 0 : index
        %parallel_loop3A_885 = tpu.vector_load %arg5[%parallel_loop3A_882, %parallel_loop3A_883, %parallel_loop3A_884] {strides = array<i32>} : memref<513x8x16xf32, #tpu.memory_space<vmem>>, vector<16xf32>,
        %parallel_loop3A_886 = arith.addf %parallel_loop3A_875, %parallel_loop3A_885 : vector<16xf32>
        %parallel_loop3A_887 = arith.constant 3 : i32
        %parallel_loop3A_888 = arith.index_cast %parallel_loop3A_839 : i32 to index
        %parallel_loop3A_889 = arith.index_cast %parallel_loop3A_887 : i32 to index
        %parallel_loop3A_890 = arith.constant 0 : index
        %parallel_loop3A_891 = tpu.vector_load %arg5[%parallel_loop3A_888, %parallel_loop3A_889, %parallel_loop3A_890] {strides = array<i32>} : memref<513x8x16xf32, #tpu.memory_space<vmem>>, vector<16xf32>,
        tpu.vector_store %arg5[%parallel_loop3A_888, %parallel_loop3A_889, %parallel_loop3A_890], %parallel_loop3A_886 {strides = array<i32>} : memref<513x8x16xf32, #tpu.memory_space<vmem>>, vector<16xf32>,
        %parallel_loop3A_892 = arith.subf %parallel_loop3A_886, %parallel_loop3A_80 : vector<16xf32>
        %parallel_loop3A_893 = arith.constant 2.500000e-01 : f32
        %parallel_loop3A_894 = vector.broadcast %parallel_loop3A_893 : f32 to vector<16xf32>
        %parallel_loop3A_895 = arith.mulf %parallel_loop3A_892, %parallel_loop3A_894 : vector<16xf32>
        %parallel_loop3A_896 = arith.constant 3 : i32
        %parallel_loop3A_897 = arith.shrsi %parallel_loop3A_843, %parallel_loop3A_896 : i32
        %parallel_loop3A_898 = arith.constant 192 : i32
        %parallel_loop3A_899 = arith.addi %parallel_loop3A_898, %parallel_loop3A_897 : i32
        %parallel_loop3A_900 = arith.constant 7 : i32
        %parallel_loop3A_901 = arith.andi %parallel_loop3A_843, %parallel_loop3A_900 : i32
        %parallel_loop3A_902 = arith.index_cast %parallel_loop3A_899 : i32 to index
        %parallel_loop3A_903 = arith.index_cast %parallel_loop3A_901 : i32 to index
        %parallel_loop3A_904 = arith.constant 0 : index
        %parallel_loop3A_905 = tpu.vector_load %arg6[%parallel_loop3A_902, %parallel_loop3A_903, %parallel_loop3A_904] {strides = array<i32>} : memref<256x8x16xf32, #tpu.memory_space<vmem>>, vector<16xf32>,
        tpu.vector_store %arg6[%parallel_loop3A_902, %parallel_loop3A_903, %parallel_loop3A_904], %parallel_loop3A_895 {strides = array<i32>} : memref<256x8x16xf32, #tpu.memory_space<vmem>>, vector<16xf32>,
        %parallel_loop3A_906 = arith.constant 4 : i32
        %parallel_loop3A_907 = arith.index_cast %parallel_loop3A_839 : i32 to index
        %parallel_loop3A_908 = arith.index_cast %parallel_loop3A_906 : i32 to index
        %parallel_loop3A_909 = arith.constant 0 : index
        %parallel_loop3A_910 = tpu.vector_load %arg5[%parallel_loop3A_907, %parallel_loop3A_908, %parallel_loop3A_909] {strides = array<i32>} : memref<513x8x16xf32, #tpu.memory_space<vmem>>, vector<16xf32>,
        %parallel_loop3A_911 = arith.addf %parallel_loop3A_886, %parallel_loop3A_910 : vector<16xf32>
        %parallel_loop3A_912 = arith.constant 4 : i32
        %parallel_loop3A_913 = arith.index_cast %parallel_loop3A_839 : i32 to index
        %parallel_loop3A_914 = arith.index_cast %parallel_loop3A_912 : i32 to index
        %parallel_loop3A_915 = arith.constant 0 : index
        %parallel_loop3A_916 = tpu.vector_load %arg5[%parallel_loop3A_913, %parallel_loop3A_914, %parallel_loop3A_915] {strides = array<i32>} : memref<513x8x16xf32, #tpu.memory_space<vmem>>, vector<16xf32>,
        tpu.vector_store %arg5[%parallel_loop3A_913, %parallel_loop3A_914, %parallel_loop3A_915], %parallel_loop3A_911 {strides = array<i32>} : memref<513x8x16xf32, #tpu.memory_space<vmem>>, vector<16xf32>,
        %parallel_loop3A_917 = arith.constant 5 : i32
        %parallel_loop3A_918 = arith.index_cast %parallel_loop3A_839 : i32 to index
        %parallel_loop3A_919 = arith.index_cast %parallel_loop3A_917 : i32 to index
        %parallel_loop3A_920 = arith.constant 0 : index
        %parallel_loop3A_921 = tpu.vector_load %arg5[%parallel_loop3A_918, %parallel_loop3A_919, %parallel_loop3A_920] {strides = array<i32>} : memref<513x8x16xf32, #tpu.memory_space<vmem>>, vector<16xf32>,
        %parallel_loop3A_922 = arith.addf %parallel_loop3A_911, %parallel_loop3A_921 : vector<16xf32>
        %parallel_loop3A_923 = arith.constant 5 : i32
        %parallel_loop3A_924 = arith.index_cast %parallel_loop3A_839 : i32 to index
        %parallel_loop3A_925 = arith.index_cast %parallel_loop3A_923 : i32 to index
        %parallel_loop3A_926 = arith.constant 0 : index
        %parallel_loop3A_927 = tpu.vector_load %arg5[%parallel_loop3A_924, %parallel_loop3A_925, %parallel_loop3A_926] {strides = array<i32>} : memref<513x8x16xf32, #tpu.memory_space<vmem>>, vector<16xf32>,
        tpu.vector_store %arg5[%parallel_loop3A_924, %parallel_loop3A_925, %parallel_loop3A_926], %parallel_loop3A_922 {strides = array<i32>} : memref<513x8x16xf32, #tpu.memory_space<vmem>>, vector<16xf32>,
        %parallel_loop3A_928 = arith.constant 6 : i32
        %parallel_loop3A_929 = arith.index_cast %parallel_loop3A_839 : i32 to index
        %parallel_loop3A_930 = arith.index_cast %parallel_loop3A_928 : i32 to index
        %parallel_loop3A_931 = arith.constant 0 : index
        %parallel_loop3A_932 = tpu.vector_load %arg5[%parallel_loop3A_929, %parallel_loop3A_930, %parallel_loop3A_931] {strides = array<i32>} : memref<513x8x16xf32, #tpu.memory_space<vmem>>, vector<16xf32>,
        %parallel_loop3A_933 = arith.addf %parallel_loop3A_922, %parallel_loop3A_932 : vector<16xf32>
        %parallel_loop3A_934 = arith.constant 6 : i32
        %parallel_loop3A_935 = arith.index_cast %parallel_loop3A_839 : i32 to index
        %parallel_loop3A_936 = arith.index_cast %parallel_loop3A_934 : i32 to index
        %parallel_loop3A_937 = arith.constant 0 : index
        %parallel_loop3A_938 = tpu.vector_load %arg5[%parallel_loop3A_935, %parallel_loop3A_936, %parallel_loop3A_937] {strides = array<i32>} : memref<513x8x16xf32, #tpu.memory_space<vmem>>, vector<16xf32>,
        tpu.vector_store %arg5[%parallel_loop3A_935, %parallel_loop3A_936, %parallel_loop3A_937], %parallel_loop3A_933 {strides = array<i32>} : memref<513x8x16xf32, #tpu.memory_space<vmem>>, vector<16xf32>,
        %parallel_loop3A_939 = arith.constant 7 : i32
        %parallel_loop3A_940 = arith.index_cast %parallel_loop3A_839 : i32 to index
        %parallel_loop3A_941 = arith.index_cast %parallel_loop3A_939 : i32 to index
        %parallel_loop3A_942 = arith.constant 0 : index
        %parallel_loop3A_943 = tpu.vector_load %arg5[%parallel_loop3A_940, %parallel_loop3A_941, %parallel_loop3A_942] {strides = array<i32>} : memref<513x8x16xf32, #tpu.memory_space<vmem>>, vector<16xf32>,
        %parallel_loop3A_944 = arith.addf %parallel_loop3A_933, %parallel_loop3A_943 : vector<16xf32>
        %parallel_loop3A_945 = arith.constant 7 : i32
        %parallel_loop3A_946 = arith.index_cast %parallel_loop3A_839 : i32 to index
        %parallel_loop3A_947 = arith.index_cast %parallel_loop3A_945 : i32 to index
        %parallel_loop3A_948 = arith.constant 0 : index
        %parallel_loop3A_949 = tpu.vector_load %arg5[%parallel_loop3A_946, %parallel_loop3A_947, %parallel_loop3A_948] {strides = array<i32>} : memref<513x8x16xf32, #tpu.memory_space<vmem>>, vector<16xf32>,
        tpu.vector_store %arg5[%parallel_loop3A_946, %parallel_loop3A_947, %parallel_loop3A_948], %parallel_loop3A_944 {strides = array<i32>} : memref<513x8x16xf32, #tpu.memory_space<vmem>>, vector<16xf32>,
        %parallel_loop3A_950 = arith.subf %parallel_loop3A_944, %parallel_loop3A_886 : vector<16xf32>
        %parallel_loop3A_951 = arith.constant 2.500000e-01 : f32
        %parallel_loop3A_952 = vector.broadcast %parallel_loop3A_951 : f32 to vector<16xf32>
        %parallel_loop3A_953 = arith.mulf %parallel_loop3A_950, %parallel_loop3A_952 : vector<16xf32>
        %parallel_loop3A_954 = arith.constant 3 : i32
        %parallel_loop3A_955 = arith.shrsi %parallel_loop3A_847, %parallel_loop3A_954 : i32
        %parallel_loop3A_956 = arith.constant 192 : i32
        %parallel_loop3A_957 = arith.addi %parallel_loop3A_956, %parallel_loop3A_955 : i32
        %parallel_loop3A_958 = arith.constant 7 : i32
        %parallel_loop3A_959 = arith.andi %parallel_loop3A_847, %parallel_loop3A_958 : i32
        %parallel_loop3A_960 = arith.index_cast %parallel_loop3A_957 : i32 to index
        %parallel_loop3A_961 = arith.index_cast %parallel_loop3A_959 : i32 to index
        %parallel_loop3A_962 = arith.constant 0 : index
        %parallel_loop3A_963 = tpu.vector_load %arg6[%parallel_loop3A_960, %parallel_loop3A_961, %parallel_loop3A_962] {strides = array<i32>} : memref<256x8x16xf32, #tpu.memory_space<vmem>>, vector<16xf32>,
        tpu.vector_store %arg6[%parallel_loop3A_960, %parallel_loop3A_961, %parallel_loop3A_962], %parallel_loop3A_953 {strides = array<i32>} : memref<256x8x16xf32, #tpu.memory_space<vmem>>, vector<16xf32>,
        %parallel_loop3A_964 = arith.constant 449 : i32
        %parallel_loop3A_965 = arith.addi %parallel_loop3A_964, %parallel_loop3A_73 : i32
        %parallel_loop3A_966 = arith.constant 4 : i32
        %parallel_loop3A_967 = arith.muli %parallel_loop3A_966, %parallel_loop3A_73 : i32
        %parallel_loop3A_968 = arith.constant 1 : i32
        %parallel_loop3A_969 = arith.addi %parallel_loop3A_967, %parallel_loop3A_968 : i32
        %parallel_loop3A_970 = arith.constant 4 : i32
        %parallel_loop3A_971 = arith.muli %parallel_loop3A_970, %parallel_loop3A_73 : i32
        %parallel_loop3A_972 = arith.constant 3 : i32
        %parallel_loop3A_973 = arith.addi %parallel_loop3A_971, %parallel_loop3A_972 : i32
        %parallel_loop3A_974 = arith.constant 0 : i32
        %parallel_loop3A_975 = arith.index_cast %parallel_loop3A_965 : i32 to index
        %parallel_loop3A_976 = arith.index_cast %parallel_loop3A_974 : i32 to index
        %parallel_loop3A_977 = arith.constant 0 : index
        %parallel_loop3A_978 = tpu.vector_load %arg5[%parallel_loop3A_975, %parallel_loop3A_976, %parallel_loop3A_977] {strides = array<i32>} : memref<513x8x16xf32, #tpu.memory_space<vmem>>, vector<16xf32>,
        %parallel_loop3A_979 = arith.addf %parallel_loop3A_81, %parallel_loop3A_978 : vector<16xf32>
        %parallel_loop3A_980 = arith.constant 0 : i32
        %parallel_loop3A_981 = arith.index_cast %parallel_loop3A_965 : i32 to index
        %parallel_loop3A_982 = arith.index_cast %parallel_loop3A_980 : i32 to index
        %parallel_loop3A_983 = arith.constant 0 : index
        %parallel_loop3A_984 = tpu.vector_load %arg5[%parallel_loop3A_981, %parallel_loop3A_982, %parallel_loop3A_983] {strides = array<i32>} : memref<513x8x16xf32, #tpu.memory_space<vmem>>, vector<16xf32>,
        tpu.vector_store %arg5[%parallel_loop3A_981, %parallel_loop3A_982, %parallel_loop3A_983], %parallel_loop3A_979 {strides = array<i32>} : memref<513x8x16xf32, #tpu.memory_space<vmem>>, vector<16xf32>,
        %parallel_loop3A_985 = arith.constant 1 : i32
        %parallel_loop3A_986 = arith.index_cast %parallel_loop3A_965 : i32 to index
        %parallel_loop3A_987 = arith.index_cast %parallel_loop3A_985 : i32 to index
        %parallel_loop3A_988 = arith.constant 0 : index
        %parallel_loop3A_989 = tpu.vector_load %arg5[%parallel_loop3A_986, %parallel_loop3A_987, %parallel_loop3A_988] {strides = array<i32>} : memref<513x8x16xf32, #tpu.memory_space<vmem>>, vector<16xf32>,
        %parallel_loop3A_990 = arith.addf %parallel_loop3A_979, %parallel_loop3A_989 : vector<16xf32>
        %parallel_loop3A_991 = arith.constant 1 : i32
        %parallel_loop3A_992 = arith.index_cast %parallel_loop3A_965 : i32 to index
        %parallel_loop3A_993 = arith.index_cast %parallel_loop3A_991 : i32 to index
        %parallel_loop3A_994 = arith.constant 0 : index
        %parallel_loop3A_995 = tpu.vector_load %arg5[%parallel_loop3A_992, %parallel_loop3A_993, %parallel_loop3A_994] {strides = array<i32>} : memref<513x8x16xf32, #tpu.memory_space<vmem>>, vector<16xf32>,
        tpu.vector_store %arg5[%parallel_loop3A_992, %parallel_loop3A_993, %parallel_loop3A_994], %parallel_loop3A_990 {strides = array<i32>} : memref<513x8x16xf32, #tpu.memory_space<vmem>>, vector<16xf32>,
        %parallel_loop3A_996 = arith.constant 2 : i32
        %parallel_loop3A_997 = arith.index_cast %parallel_loop3A_965 : i32 to index
        %parallel_loop3A_998 = arith.index_cast %parallel_loop3A_996 : i32 to index
        %parallel_loop3A_999 = arith.constant 0 : index
        %parallel_loop3A_1000 = tpu.vector_load %arg5[%parallel_loop3A_997, %parallel_loop3A_998, %parallel_loop3A_999] {strides = array<i32>} : memref<513x8x16xf32, #tpu.memory_space<vmem>>, vector<16xf32>,
        %parallel_loop3A_1001 = arith.addf %parallel_loop3A_990, %parallel_loop3A_1000 : vector<16xf32>
        %parallel_loop3A_1002 = arith.constant 2 : i32
        %parallel_loop3A_1003 = arith.index_cast %parallel_loop3A_965 : i32 to index
        %parallel_loop3A_1004 = arith.index_cast %parallel_loop3A_1002 : i32 to index
        %parallel_loop3A_1005 = arith.constant 0 : index
        %parallel_loop3A_1006 = tpu.vector_load %arg5[%parallel_loop3A_1003, %parallel_loop3A_1004, %parallel_loop3A_1005] {strides = array<i32>} : memref<513x8x16xf32, #tpu.memory_space<vmem>>, vector<16xf32>,
        tpu.vector_store %arg5[%parallel_loop3A_1003, %parallel_loop3A_1004, %parallel_loop3A_1005], %parallel_loop3A_1001 {strides = array<i32>} : memref<513x8x16xf32, #tpu.memory_space<vmem>>, vector<16xf32>,
        %parallel_loop3A_1007 = arith.constant 3 : i32
        %parallel_loop3A_1008 = arith.index_cast %parallel_loop3A_965 : i32 to index
        %parallel_loop3A_1009 = arith.index_cast %parallel_loop3A_1007 : i32 to index
        %parallel_loop3A_1010 = arith.constant 0 : index
        %parallel_loop3A_1011 = tpu.vector_load %arg5[%parallel_loop3A_1008, %parallel_loop3A_1009, %parallel_loop3A_1010] {strides = array<i32>} : memref<513x8x16xf32, #tpu.memory_space<vmem>>, vector<16xf32>,
        %parallel_loop3A_1012 = arith.addf %parallel_loop3A_1001, %parallel_loop3A_1011 : vector<16xf32>
        %parallel_loop3A_1013 = arith.constant 3 : i32
        %parallel_loop3A_1014 = arith.index_cast %parallel_loop3A_965 : i32 to index
        %parallel_loop3A_1015 = arith.index_cast %parallel_loop3A_1013 : i32 to index
        %parallel_loop3A_1016 = arith.constant 0 : index
        %parallel_loop3A_1017 = tpu.vector_load %arg5[%parallel_loop3A_1014, %parallel_loop3A_1015, %parallel_loop3A_1016] {strides = array<i32>} : memref<513x8x16xf32, #tpu.memory_space<vmem>>, vector<16xf32>,
        tpu.vector_store %arg5[%parallel_loop3A_1014, %parallel_loop3A_1015, %parallel_loop3A_1016], %parallel_loop3A_1012 {strides = array<i32>} : memref<513x8x16xf32, #tpu.memory_space<vmem>>, vector<16xf32>,
        %parallel_loop3A_1018 = arith.subf %parallel_loop3A_1012, %parallel_loop3A_81 : vector<16xf32>
        %parallel_loop3A_1019 = arith.constant 2.500000e-01 : f32
        %parallel_loop3A_1020 = vector.broadcast %parallel_loop3A_1019 : f32 to vector<16xf32>
        %parallel_loop3A_1021 = arith.mulf %parallel_loop3A_1018, %parallel_loop3A_1020 : vector<16xf32>
        %parallel_loop3A_1022 = arith.constant 3 : i32
        %parallel_loop3A_1023 = arith.shrsi %parallel_loop3A_969, %parallel_loop3A_1022 : i32
        %parallel_loop3A_1024 = arith.constant 224 : i32
        %parallel_loop3A_1025 = arith.addi %parallel_loop3A_1024, %parallel_loop3A_1023 : i32
        %parallel_loop3A_1026 = arith.constant 7 : i32
        %parallel_loop3A_1027 = arith.andi %parallel_loop3A_969, %parallel_loop3A_1026 : i32
        %parallel_loop3A_1028 = arith.index_cast %parallel_loop3A_1025 : i32 to index
        %parallel_loop3A_1029 = arith.index_cast %parallel_loop3A_1027 : i32 to index
        %parallel_loop3A_1030 = arith.constant 0 : index
        %parallel_loop3A_1031 = tpu.vector_load %arg6[%parallel_loop3A_1028, %parallel_loop3A_1029, %parallel_loop3A_1030] {strides = array<i32>} : memref<256x8x16xf32, #tpu.memory_space<vmem>>, vector<16xf32>,
        tpu.vector_store %arg6[%parallel_loop3A_1028, %parallel_loop3A_1029, %parallel_loop3A_1030], %parallel_loop3A_1021 {strides = array<i32>} : memref<256x8x16xf32, #tpu.memory_space<vmem>>, vector<16xf32>,
        %parallel_loop3A_1032 = arith.constant 4 : i32
        %parallel_loop3A_1033 = arith.index_cast %parallel_loop3A_965 : i32 to index
        %parallel_loop3A_1034 = arith.index_cast %parallel_loop3A_1032 : i32 to index
        %parallel_loop3A_1035 = arith.constant 0 : index
        %parallel_loop3A_1036 = tpu.vector_load %arg5[%parallel_loop3A_1033, %parallel_loop3A_1034, %parallel_loop3A_1035] {strides = array<i32>} : memref<513x8x16xf32, #tpu.memory_space<vmem>>, vector<16xf32>,
        %parallel_loop3A_1037 = arith.addf %parallel_loop3A_1012, %parallel_loop3A_1036 : vector<16xf32>
        %parallel_loop3A_1038 = arith.constant 4 : i32
        %parallel_loop3A_1039 = arith.index_cast %parallel_loop3A_965 : i32 to index
        %parallel_loop3A_1040 = arith.index_cast %parallel_loop3A_1038 : i32 to index
        %parallel_loop3A_1041 = arith.constant 0 : index
        %parallel_loop3A_1042 = tpu.vector_load %arg5[%parallel_loop3A_1039, %parallel_loop3A_1040, %parallel_loop3A_1041] {strides = array<i32>} : memref<513x8x16xf32, #tpu.memory_space<vmem>>, vector<16xf32>,
        tpu.vector_store %arg5[%parallel_loop3A_1039, %parallel_loop3A_1040, %parallel_loop3A_1041], %parallel_loop3A_1037 {strides = array<i32>} : memref<513x8x16xf32, #tpu.memory_space<vmem>>, vector<16xf32>,
        %parallel_loop3A_1043 = arith.constant 5 : i32
        %parallel_loop3A_1044 = arith.index_cast %parallel_loop3A_965 : i32 to index
        %parallel_loop3A_1045 = arith.index_cast %parallel_loop3A_1043 : i32 to index
        %parallel_loop3A_1046 = arith.constant 0 : index
        %parallel_loop3A_1047 = tpu.vector_load %arg5[%parallel_loop3A_1044, %parallel_loop3A_1045, %parallel_loop3A_1046] {strides = array<i32>} : memref<513x8x16xf32, #tpu.memory_space<vmem>>, vector<16xf32>,
        %parallel_loop3A_1048 = arith.addf %parallel_loop3A_1037, %parallel_loop3A_1047 : vector<16xf32>
        %parallel_loop3A_1049 = arith.constant 5 : i32
        %parallel_loop3A_1050 = arith.index_cast %parallel_loop3A_965 : i32 to index
        %parallel_loop3A_1051 = arith.index_cast %parallel_loop3A_1049 : i32 to index
        %parallel_loop3A_1052 = arith.constant 0 : index
        %parallel_loop3A_1053 = tpu.vector_load %arg5[%parallel_loop3A_1050, %parallel_loop3A_1051, %parallel_loop3A_1052] {strides = array<i32>} : memref<513x8x16xf32, #tpu.memory_space<vmem>>, vector<16xf32>,
        tpu.vector_store %arg5[%parallel_loop3A_1050, %parallel_loop3A_1051, %parallel_loop3A_1052], %parallel_loop3A_1048 {strides = array<i32>} : memref<513x8x16xf32, #tpu.memory_space<vmem>>, vector<16xf32>,
        %parallel_loop3A_1054 = arith.constant 6 : i32
        %parallel_loop3A_1055 = arith.index_cast %parallel_loop3A_965 : i32 to index
        %parallel_loop3A_1056 = arith.index_cast %parallel_loop3A_1054 : i32 to index
        %parallel_loop3A_1057 = arith.constant 0 : index
        %parallel_loop3A_1058 = tpu.vector_load %arg5[%parallel_loop3A_1055, %parallel_loop3A_1056, %parallel_loop3A_1057] {strides = array<i32>} : memref<513x8x16xf32, #tpu.memory_space<vmem>>, vector<16xf32>,
        %parallel_loop3A_1059 = arith.addf %parallel_loop3A_1048, %parallel_loop3A_1058 : vector<16xf32>
        %parallel_loop3A_1060 = arith.constant 6 : i32
        %parallel_loop3A_1061 = arith.index_cast %parallel_loop3A_965 : i32 to index
        %parallel_loop3A_1062 = arith.index_cast %parallel_loop3A_1060 : i32 to index
        %parallel_loop3A_1063 = arith.constant 0 : index
        %parallel_loop3A_1064 = tpu.vector_load %arg5[%parallel_loop3A_1061, %parallel_loop3A_1062, %parallel_loop3A_1063] {strides = array<i32>} : memref<513x8x16xf32, #tpu.memory_space<vmem>>, vector<16xf32>,
        tpu.vector_store %arg5[%parallel_loop3A_1061, %parallel_loop3A_1062, %parallel_loop3A_1063], %parallel_loop3A_1059 {strides = array<i32>} : memref<513x8x16xf32, #tpu.memory_space<vmem>>, vector<16xf32>,
        %parallel_loop3A_1065 = arith.constant 7 : i32
        %parallel_loop3A_1066 = arith.index_cast %parallel_loop3A_965 : i32 to index
        %parallel_loop3A_1067 = arith.index_cast %parallel_loop3A_1065 : i32 to index
        %parallel_loop3A_1068 = arith.constant 0 : index
        %parallel_loop3A_1069 = tpu.vector_load %arg5[%parallel_loop3A_1066, %parallel_loop3A_1067, %parallel_loop3A_1068] {strides = array<i32>} : memref<513x8x16xf32, #tpu.memory_space<vmem>>, vector<16xf32>,
        %parallel_loop3A_1070 = arith.addf %parallel_loop3A_1059, %parallel_loop3A_1069 : vector<16xf32>
        %parallel_loop3A_1071 = arith.constant 7 : i32
        %parallel_loop3A_1072 = arith.index_cast %parallel_loop3A_965 : i32 to index
        %parallel_loop3A_1073 = arith.index_cast %parallel_loop3A_1071 : i32 to index
        %parallel_loop3A_1074 = arith.constant 0 : index
        %parallel_loop3A_1075 = tpu.vector_load %arg5[%parallel_loop3A_1072, %parallel_loop3A_1073, %parallel_loop3A_1074] {strides = array<i32>} : memref<513x8x16xf32, #tpu.memory_space<vmem>>, vector<16xf32>,
        tpu.vector_store %arg5[%parallel_loop3A_1072, %parallel_loop3A_1073, %parallel_loop3A_1074], %parallel_loop3A_1070 {strides = array<i32>} : memref<513x8x16xf32, #tpu.memory_space<vmem>>, vector<16xf32>,
        %parallel_loop3A_1076 = arith.subf %parallel_loop3A_1070, %parallel_loop3A_1012 : vector<16xf32>
        %parallel_loop3A_1077 = arith.constant 2.500000e-01 : f32
        %parallel_loop3A_1078 = vector.broadcast %parallel_loop3A_1077 : f32 to vector<16xf32>
        %parallel_loop3A_1079 = arith.mulf %parallel_loop3A_1076, %parallel_loop3A_1078 : vector<16xf32>
        %parallel_loop3A_1080 = arith.constant 3 : i32
        %parallel_loop3A_1081 = arith.shrsi %parallel_loop3A_973, %parallel_loop3A_1080 : i32
        %parallel_loop3A_1082 = arith.constant 224 : i32
        %parallel_loop3A_1083 = arith.addi %parallel_loop3A_1082, %parallel_loop3A_1081 : i32
        %parallel_loop3A_1084 = arith.constant 7 : i32
        %parallel_loop3A_1085 = arith.andi %parallel_loop3A_973, %parallel_loop3A_1084 : i32
        %parallel_loop3A_1086 = arith.index_cast %parallel_loop3A_1083 : i32 to index
        %parallel_loop3A_1087 = arith.index_cast %parallel_loop3A_1085 : i32 to index
        %parallel_loop3A_1088 = arith.constant 0 : index
        %parallel_loop3A_1089 = tpu.vector_load %arg6[%parallel_loop3A_1086, %parallel_loop3A_1087, %parallel_loop3A_1088] {strides = array<i32>} : memref<256x8x16xf32, #tpu.memory_space<vmem>>, vector<16xf32>,
        tpu.vector_store %arg6[%parallel_loop3A_1086, %parallel_loop3A_1087, %parallel_loop3A_1088], %parallel_loop3A_1079 {strides = array<i32>} : memref<256x8x16xf32, #tpu.memory_space<vmem>>, vector<16xf32>,
        scf.yield %parallel_loop3A_188, %parallel_loop3A_314, %parallel_loop3A_440, %parallel_loop3A_566, %parallel_loop3A_692, %parallel_loop3A_818, %parallel_loop3A_944, %parallel_loop3A_1070 : vector<16xf32>, vector<16xf32>, vector<16xf32>, vector<16xf32>, vector<16xf32>, vector<16xf32>, vector<16xf32>, vector<16xf32>
      } {sc.loop_unroll_factor = 1 : i64, sc.parallel_access}
      %swap3A_26 = arith.constant 0 : i32
      %swap3A_27 = arith.index_cast %swap3A_26 : i32 to index
      %swap3A_28 = arith.constant 0 : index
      %swap3A_29 = tpu.vector_load %arg8[%swap3A_27, %swap3A_28] {strides = array<i32>} : memref<9x16xf32, #tpu.memory_space<vmem>>, vector<16xf32>,
      tpu.vector_store %arg8[%swap3A_27, %swap3A_28], %broadcast_in_dim3A_9 {strides = array<i32>} : memref<9x16xf32, #tpu.memory_space<vmem>>, vector<16xf32>,
      %swap3A_30 = arith.constant 1 : i32
      %swap3A_31 = arith.index_cast %swap3A_30 : i32 to index
      %swap3A_32 = arith.constant 0 : index
      %swap3A_33 = tpu.vector_load %arg8[%swap3A_31, %swap3A_32] {strides = array<i32>} : memref<9x16xf32, #tpu.memory_space<vmem>>, vector<16xf32>,
      tpu.vector_store %arg8[%swap3A_31, %swap3A_32], %broadcast_in_dim3A_9 {strides = array<i32>} : memref<9x16xf32, #tpu.memory_space<vmem>>, vector<16xf32>,
      %swap3A_34 = arith.constant 2 : i32
      %swap3A_35 = arith.index_cast %swap3A_34 : i32 to index
      %swap3A_36 = arith.constant 0 : index
      %swap3A_37 = tpu.vector_load %arg8[%swap3A_35, %swap3A_36] {strides = array<i32>} : memref<9x16xf32, #tpu.memory_space<vmem>>, vector<16xf32>,
      tpu.vector_store %arg8[%swap3A_35, %swap3A_36], %parallel_loop3A_25#0 {strides = array<i32>} : memref<9x16xf32, #tpu.memory_space<vmem>>, vector<16xf32>,
      %add3A_38 = arith.addf %parallel_loop3A_25#0, %parallel_loop3A_25#1 : vector<16xf32>
      %swap3A_39 = arith.constant 3 : i32
      %swap3A_40 = arith.index_cast %swap3A_39 : i32 to index
      %swap3A_41 = arith.constant 0 : index
      %swap3A_42 = tpu.vector_load %arg8[%swap3A_40, %swap3A_41] {strides = array<i32>} : memref<9x16xf32, #tpu.memory_space<vmem>>, vector<16xf32>,
      tpu.vector_store %arg8[%swap3A_40, %swap3A_41], %add3A_38 {strides = array<i32>} : memref<9x16xf32, #tpu.memory_space<vmem>>, vector<16xf32>,
      %add3A_43 = arith.addf %add3A_38, %parallel_loop3A_25#2 : vector<16xf32>
      %swap3A_44 = arith.constant 4 : i32
      %swap3A_45 = arith.index_cast %swap3A_44 : i32 to index
      %swap3A_46 = arith.constant 0 : index
      %swap3A_47 = tpu.vector_load %arg8[%swap3A_45, %swap3A_46] {strides = array<i32>} : memref<9x16xf32, #tpu.memory_space<vmem>>, vector<16xf32>,
      tpu.vector_store %arg8[%swap3A_45, %swap3A_46], %add3A_43 {strides = array<i32>} : memref<9x16xf32, #tpu.memory_space<vmem>>, vector<16xf32>,
      %add3A_48 = arith.addf %add3A_43, %parallel_loop3A_25#3 : vector<16xf32>
      %swap3A_49 = arith.constant 5 : i32
      %swap3A_50 = arith.index_cast %swap3A_49 : i32 to index
      %swap3A_51 = arith.constant 0 : index
      %swap3A_52 = tpu.vector_load %arg8[%swap3A_50, %swap3A_51] {strides = array<i32>} : memref<9x16xf32, #tpu.memory_space<vmem>>, vector<16xf32>,
      tpu.vector_store %arg8[%swap3A_50, %swap3A_51], %add3A_48 {strides = array<i32>} : memref<9x16xf32, #tpu.memory_space<vmem>>, vector<16xf32>,
      %add3A_53 = arith.addf %add3A_48, %parallel_loop3A_25#4 : vector<16xf32>
      %swap3A_54 = arith.constant 6 : i32
      %swap3A_55 = arith.index_cast %swap3A_54 : i32 to index
      %swap3A_56 = arith.constant 0 : index
      %swap3A_57 = tpu.vector_load %arg8[%swap3A_55, %swap3A_56] {strides = array<i32>} : memref<9x16xf32, #tpu.memory_space<vmem>>, vector<16xf32>,
      tpu.vector_store %arg8[%swap3A_55, %swap3A_56], %add3A_53 {strides = array<i32>} : memref<9x16xf32, #tpu.memory_space<vmem>>, vector<16xf32>,
      %add3A_58 = arith.addf %add3A_53, %parallel_loop3A_25#5 : vector<16xf32>
      %swap3A_59 = arith.constant 7 : i32
      %swap3A_60 = arith.index_cast %swap3A_59 : i32 to index
      %swap3A_61 = arith.constant 0 : index
      %swap3A_62 = tpu.vector_load %arg8[%swap3A_60, %swap3A_61] {strides = array<i32>} : memref<9x16xf32, #tpu.memory_space<vmem>>, vector<16xf32>,
      tpu.vector_store %arg8[%swap3A_60, %swap3A_61], %add3A_58 {strides = array<i32>} : memref<9x16xf32, #tpu.memory_space<vmem>>, vector<16xf32>,
      %add3A_63 = arith.addf %add3A_58, %parallel_loop3A_25#6 : vector<16xf32>
      %swap3A_64 = arith.constant 8 : i32
      %swap3A_65 = arith.index_cast %swap3A_64 : i32 to index
      %swap3A_66 = arith.constant 0 : index
      %swap3A_67 = tpu.vector_load %arg8[%swap3A_65, %swap3A_66] {strides = array<i32>} : memref<9x16xf32, #tpu.memory_space<vmem>>, vector<16xf32>,
      tpu.vector_store %arg8[%swap3A_65, %swap3A_66], %add3A_63 {strides = array<i32>} : memref<9x16xf32, #tpu.memory_space<vmem>>, vector<16xf32>,
      %add3A_68 = arith.addf %add3A_63, %parallel_loop3A_25#7 : vector<16xf32>
      %parallel_loop3A_69 = arith.constant 0 : i32
      %parallel_loop3A_70 = arith.constant 128 : i32
      %parallel_loop3A_71 = arith.constant 1 : i32
      scf.for %parallel_loop3A_73 = %parallel_loop3A_69 to %parallel_loop3A_70 step %parallel_loop3A_71  : i32 {
        %parallel_loop3A_74 = arith.constant 1 : i32
        %parallel_loop3A_75 = arith.shrsi %parallel_loop3A_73, %parallel_loop3A_74 : i32
        %parallel_loop3A_76 = arith.constant 16 : i32
        %parallel_loop3A_77 = arith.muli %parallel_loop3A_75, %parallel_loop3A_76 : i32
        %parallel_loop3A_78 = vector.broadcast %parallel_loop3A_77 : i32 to vector<16xi32>
        %parallel_loop3A_79 = arith.addi %parallel_loop3A_78, %iota3A : vector<16xi32>
        %parallel_loop3A_80 = tpu.vector_load_idx %arg7[%parallel_loop3A_79, %broadcast_in_dim3A_5] : memref<1024x2xi32, #tpu.memory_space<vmem>>[vector<16xi32>, vector<16xi32>], vector<16xi32>,
        %parallel_loop3A_81 = tpu.vector_load_idx %arg7[%parallel_loop3A_79, %broadcast_in_dim3A_7] : memref<1024x2xi32, #tpu.memory_space<vmem>>[vector<16xi32>, vector<16xi32>], vector<16xi32>,
        %parallel_loop3A_82 = arith.subi %parallel_loop3A_81, %parallel_loop3A_80 : vector<16xi32>
        %parallel_loop3A_83 = arith.constant 1 : i32
        %parallel_loop3A_84 = vector.broadcast %parallel_loop3A_83 : i32 to vector<16xi32>
        %parallel_loop3A_85 = arith.addi %parallel_loop3A_82, %parallel_loop3A_84 : vector<16xi32>
        %parallel_loop3A_86 = arith.sitofp %parallel_loop3A_85 : vector<16xi32> to vector<16xf32>
        %parallel_loop3A_87 = arith.constant 1.000000e+00 : f32
        %parallel_loop3A_88 = vector.broadcast %parallel_loop3A_87 : f32 to vector<16xf32>
        %parallel_loop3A_89 = arith.divf %parallel_loop3A_88, %parallel_loop3A_86 : vector<16xf32>
        %parallel_loop3A_90 = arith.constant 7 : i32
        %parallel_loop3A_91 = vector.broadcast %parallel_loop3A_90 : i32 to vector<16xi32>
        %parallel_loop3A_92 = arith.addi %parallel_loop3A_80, %parallel_loop3A_91 : vector<16xi32>
        %parallel_loop3A_93 = arith.constant 8 : i32
        %parallel_loop3A_94 = vector.broadcast %parallel_loop3A_93 : i32 to vector<16xi32>
        %parallel_loop3A_95 = arith.addi %parallel_loop3A_81, %parallel_loop3A_94 : vector<16xi32>
        %parallel_loop3A_96 = arith.constant 3 : i32
        %parallel_loop3A_97 = vector.broadcast %parallel_loop3A_96 : i32 to vector<16xi32>
        %parallel_loop3A_98 = arith.shrsi %parallel_loop3A_92, %parallel_loop3A_97 : vector<16xi32>
        %parallel_loop3A_99 = arith.constant 7 : i32
        %parallel_loop3A_100 = vector.broadcast %parallel_loop3A_99 : i32 to vector<16xi32>
        %parallel_loop3A_101 = arith.andi %parallel_loop3A_92, %parallel_loop3A_100 : vector<16xi32>
        %parallel_loop3A_102 = arith.constant 3 : i32
        %parallel_loop3A_103 = vector.broadcast %parallel_loop3A_102 : i32 to vector<16xi32>
        %parallel_loop3A_104 = arith.shrsi %parallel_loop3A_95, %parallel_loop3A_103 : vector<16xi32>
        %parallel_loop3A_105 = arith.constant 7 : i32
        %parallel_loop3A_106 = vector.broadcast %parallel_loop3A_105 : i32 to vector<16xi32>
        %parallel_loop3A_107 = arith.andi %parallel_loop3A_95, %parallel_loop3A_106 : vector<16xi32>
        %parallel_loop3A_108 = arith.constant 511 : i32
        %parallel_loop3A_109 = vector.broadcast %parallel_loop3A_108 : i32 to vector<16xi32>
        %parallel_loop3A_110 = arith.addi %parallel_loop3A_80, %parallel_loop3A_109 : vector<16xi32>
        %parallel_loop3A_111 = arith.constant 9 : i32
        %parallel_loop3A_112 = vector.broadcast %parallel_loop3A_111 : i32 to vector<16xi32>
        %parallel_loop3A_113 = arith.shrsi %parallel_loop3A_110, %parallel_loop3A_112 : vector<16xi32>
        %parallel_loop3A_114 = arith.constant 9 : i32
        %parallel_loop3A_115 = vector.broadcast %parallel_loop3A_114 : i32 to vector<16xi32>
        %parallel_loop3A_116 = arith.shrsi %parallel_loop3A_81, %parallel_loop3A_115 : vector<16xi32>
        %parallel_loop3A_117 = arith.constant 1 : i32
        %parallel_loop3A_118 = vector.broadcast %parallel_loop3A_117 : i32 to vector<16xi32>
        %parallel_loop3A_119 = arith.addi %parallel_loop3A_116, %parallel_loop3A_118 : vector<16xi32>
        %parallel_loop3A_120 = arith.constant 2 : i32
        %parallel_loop3A_121 = vector.broadcast %parallel_loop3A_120 : i32 to vector<16xi32>
        %parallel_loop3A_122 = arith.shrsi %parallel_loop3A_79, %parallel_loop3A_121 : vector<16xi32>
        %parallel_loop3A_123 = arith.constant 3 : i32
        %parallel_loop3A_124 = vector.broadcast %parallel_loop3A_123 : i32 to vector<16xi32>
        %parallel_loop3A_125 = arith.andi %parallel_loop3A_79, %parallel_loop3A_124 : vector<16xi32>
        %parallel_loop3A_126 = arith.constant 1 : i32
        %parallel_loop3A_127 = vector.broadcast %parallel_loop3A_126 : i32 to vector<16xi32>
        %parallel_loop3A_128 = arith.shli %parallel_loop3A_125, %parallel_loop3A_127 : vector<16xi32>
        %parallel_loop3A_129 = arith.constant 1 : i32
        %parallel_loop3A_130 = arith.andi %parallel_loop3A_73, %parallel_loop3A_129 : i32
        %parallel_loop3A_131 = arith.constant 3 : i32
        %parallel_loop3A_132 = arith.shli %parallel_loop3A_130, %parallel_loop3A_131 : i32
        %parallel_loop3A_133 = vector.broadcast %parallel_loop3A_132 : i32 to vector<16xi32>
        %parallel_loop3A_134 = arith.addi %iota3A, %parallel_loop3A_133 : vector<16xi32>
        %parallel_loop3A_135 = arith.constant 15 : i32
        %parallel_loop3A_136 = vector.broadcast %parallel_loop3A_135 : i32 to vector<16xi32>
        %parallel_loop3A_137 = arith.andi %parallel_loop3A_134, %parallel_loop3A_136 : vector<16xi32>
        %parallel_loop3A_138 = tpu.vector_load_idx %arg5[%parallel_loop3A_98, %parallel_loop3A_101, %parallel_loop3A_137] : memref<513x8x16xf32, #tpu.memory_space<vmem>>[vector<16xi32>, vector<16xi32>, vector<16xi32>], vector<16xf32>,
        %parallel_loop3A_139 = tpu.vector_load_idx %arg5[%parallel_loop3A_104, %parallel_loop3A_107, %parallel_loop3A_137] : memref<513x8x16xf32, #tpu.memory_space<vmem>>[vector<16xi32>, vector<16xi32>, vector<16xi32>], vector<16xf32>,
        %parallel_loop3A_140 = tpu.vector_load_idx %arg8[%parallel_loop3A_113, %parallel_loop3A_137] : memref<9x16xf32, #tpu.memory_space<vmem>>[vector<16xi32>, vector<16xi32>], vector<16xf32>,
        %parallel_loop3A_141 = tpu.vector_load_idx %arg8[%parallel_loop3A_119, %parallel_loop3A_137] : memref<9x16xf32, #tpu.memory_space<vmem>>[vector<16xi32>, vector<16xi32>], vector<16xf32>,
        %parallel_loop3A_142 = arith.subf %parallel_loop3A_139, %parallel_loop3A_138 : vector<16xf32>
        %parallel_loop3A_143 = arith.subf %parallel_loop3A_141, %parallel_loop3A_140 : vector<16xf32>
        %parallel_loop3A_144 = arith.addf %parallel_loop3A_142, %parallel_loop3A_143 : vector<16xf32>
        %parallel_loop3A_145 = arith.mulf %parallel_loop3A_144, %parallel_loop3A_89 : vector<16xf32>
        %parallel_loop3A_146 = arith.constant 6.000000e-03 : f32
        %parallel_loop3A_147 = vector.broadcast %parallel_loop3A_146 : f32 to vector<16xf32>
        %parallel_loop3A_148 = arith.addf %parallel_loop3A_145, %parallel_loop3A_147 : vector<16xf32>
        tpu.vector_store_idx %arg6[%parallel_loop3A_122, %parallel_loop3A_128, %parallel_loop3A_137], %parallel_loop3A_148 : memref<256x8x16xf32, #tpu.memory_space<vmem>>[vector<16xi32>, vector<16xi32>, vector<16xi32>], vector<16xf32>,
        %parallel_loop3A_149 = arith.constant 1 : i32
        %parallel_loop3A_150 = vector.broadcast %parallel_loop3A_149 : i32 to vector<16xi32>
        %parallel_loop3A_151 = arith.addi %parallel_loop3A_137, %parallel_loop3A_150 : vector<16xi32>
        %parallel_loop3A_152 = arith.constant 15 : i32
        %parallel_loop3A_153 = vector.broadcast %parallel_loop3A_152 : i32 to vector<16xi32>
        %parallel_loop3A_154 = arith.andi %parallel_loop3A_151, %parallel_loop3A_153 : vector<16xi32>
        %parallel_loop3A_155 = tpu.vector_load_idx %arg5[%parallel_loop3A_98, %parallel_loop3A_101, %parallel_loop3A_154] : memref<513x8x16xf32, #tpu.memory_space<vmem>>[vector<16xi32>, vector<16xi32>, vector<16xi32>], vector<16xf32>,
        %parallel_loop3A_156 = tpu.vector_load_idx %arg5[%parallel_loop3A_104, %parallel_loop3A_107, %parallel_loop3A_154] : memref<513x8x16xf32, #tpu.memory_space<vmem>>[vector<16xi32>, vector<16xi32>, vector<16xi32>], vector<16xf32>,
        %parallel_loop3A_157 = tpu.vector_load_idx %arg8[%parallel_loop3A_113, %parallel_loop3A_154] : memref<9x16xf32, #tpu.memory_space<vmem>>[vector<16xi32>, vector<16xi32>], vector<16xf32>,
        %parallel_loop3A_158 = tpu.vector_load_idx %arg8[%parallel_loop3A_119, %parallel_loop3A_154] : memref<9x16xf32, #tpu.memory_space<vmem>>[vector<16xi32>, vector<16xi32>], vector<16xf32>,
        %parallel_loop3A_159 = arith.subf %parallel_loop3A_156, %parallel_loop3A_155 : vector<16xf32>
        %parallel_loop3A_160 = arith.subf %parallel_loop3A_158, %parallel_loop3A_157 : vector<16xf32>
        %parallel_loop3A_161 = arith.addf %parallel_loop3A_159, %parallel_loop3A_160 : vector<16xf32>
        %parallel_loop3A_162 = arith.mulf %parallel_loop3A_161, %parallel_loop3A_89 : vector<16xf32>
        %parallel_loop3A_163 = arith.constant 6.000000e-03 : f32
        %parallel_loop3A_164 = vector.broadcast %parallel_loop3A_163 : f32 to vector<16xf32>
        %parallel_loop3A_165 = arith.addf %parallel_loop3A_162, %parallel_loop3A_164 : vector<16xf32>
        tpu.vector_store_idx %arg6[%parallel_loop3A_122, %parallel_loop3A_128, %parallel_loop3A_154], %parallel_loop3A_165 : memref<256x8x16xf32, #tpu.memory_space<vmem>>[vector<16xi32>, vector<16xi32>, vector<16xi32>], vector<16xf32>,
        %parallel_loop3A_166 = arith.constant 1 : i32
        %parallel_loop3A_167 = vector.broadcast %parallel_loop3A_166 : i32 to vector<16xi32>
        %parallel_loop3A_168 = arith.addi %parallel_loop3A_154, %parallel_loop3A_167 : vector<16xi32>
        %parallel_loop3A_169 = arith.constant 15 : i32
        %parallel_loop3A_170 = vector.broadcast %parallel_loop3A_169 : i32 to vector<16xi32>
        %parallel_loop3A_171 = arith.andi %parallel_loop3A_168, %parallel_loop3A_170 : vector<16xi32>
        %parallel_loop3A_172 = tpu.vector_load_idx %arg5[%parallel_loop3A_98, %parallel_loop3A_101, %parallel_loop3A_171] : memref<513x8x16xf32, #tpu.memory_space<vmem>>[vector<16xi32>, vector<16xi32>, vector<16xi32>], vector<16xf32>,
        %parallel_loop3A_173 = tpu.vector_load_idx %arg5[%parallel_loop3A_104, %parallel_loop3A_107, %parallel_loop3A_171] : memref<513x8x16xf32, #tpu.memory_space<vmem>>[vector<16xi32>, vector<16xi32>, vector<16xi32>], vector<16xf32>,
        %parallel_loop3A_174 = tpu.vector_load_idx %arg8[%parallel_loop3A_113, %parallel_loop3A_171] : memref<9x16xf32, #tpu.memory_space<vmem>>[vector<16xi32>, vector<16xi32>], vector<16xf32>,
        %parallel_loop3A_175 = tpu.vector_load_idx %arg8[%parallel_loop3A_119, %parallel_loop3A_171] : memref<9x16xf32, #tpu.memory_space<vmem>>[vector<16xi32>, vector<16xi32>], vector<16xf32>,
        %parallel_loop3A_176 = arith.subf %parallel_loop3A_173, %parallel_loop3A_172 : vector<16xf32>
        %parallel_loop3A_177 = arith.subf %parallel_loop3A_175, %parallel_loop3A_174 : vector<16xf32>
        %parallel_loop3A_178 = arith.addf %parallel_loop3A_176, %parallel_loop3A_177 : vector<16xf32>
        %parallel_loop3A_179 = arith.mulf %parallel_loop3A_178, %parallel_loop3A_89 : vector<16xf32>
        %parallel_loop3A_180 = arith.constant 6.000000e-03 : f32
        %parallel_loop3A_181 = vector.broadcast %parallel_loop3A_180 : f32 to vector<16xf32>
        %parallel_loop3A_182 = arith.addf %parallel_loop3A_179, %parallel_loop3A_181 : vector<16xf32>
        tpu.vector_store_idx %arg6[%parallel_loop3A_122, %parallel_loop3A_128, %parallel_loop3A_171], %parallel_loop3A_182 : memref<256x8x16xf32, #tpu.memory_space<vmem>>[vector<16xi32>, vector<16xi32>, vector<16xi32>], vector<16xf32>,
        %parallel_loop3A_183 = arith.constant 1 : i32
        %parallel_loop3A_184 = vector.broadcast %parallel_loop3A_183 : i32 to vector<16xi32>
        %parallel_loop3A_185 = arith.addi %parallel_loop3A_171, %parallel_loop3A_184 : vector<16xi32>
        %parallel_loop3A_186 = arith.constant 15 : i32
        %parallel_loop3A_187 = vector.broadcast %parallel_loop3A_186 : i32 to vector<16xi32>
        %parallel_loop3A_188 = arith.andi %parallel_loop3A_185, %parallel_loop3A_187 : vector<16xi32>
        %parallel_loop3A_189 = tpu.vector_load_idx %arg5[%parallel_loop3A_98, %parallel_loop3A_101, %parallel_loop3A_188] : memref<513x8x16xf32, #tpu.memory_space<vmem>>[vector<16xi32>, vector<16xi32>, vector<16xi32>], vector<16xf32>,
        %parallel_loop3A_190 = tpu.vector_load_idx %arg5[%parallel_loop3A_104, %parallel_loop3A_107, %parallel_loop3A_188] : memref<513x8x16xf32, #tpu.memory_space<vmem>>[vector<16xi32>, vector<16xi32>, vector<16xi32>], vector<16xf32>,
        %parallel_loop3A_191 = tpu.vector_load_idx %arg8[%parallel_loop3A_113, %parallel_loop3A_188] : memref<9x16xf32, #tpu.memory_space<vmem>>[vector<16xi32>, vector<16xi32>], vector<16xf32>,
        %parallel_loop3A_192 = tpu.vector_load_idx %arg8[%parallel_loop3A_119, %parallel_loop3A_188] : memref<9x16xf32, #tpu.memory_space<vmem>>[vector<16xi32>, vector<16xi32>], vector<16xf32>,
        %parallel_loop3A_193 = arith.subf %parallel_loop3A_190, %parallel_loop3A_189 : vector<16xf32>
        %parallel_loop3A_194 = arith.subf %parallel_loop3A_192, %parallel_loop3A_191 : vector<16xf32>
        %parallel_loop3A_195 = arith.addf %parallel_loop3A_193, %parallel_loop3A_194 : vector<16xf32>
        %parallel_loop3A_196 = arith.mulf %parallel_loop3A_195, %parallel_loop3A_89 : vector<16xf32>
        %parallel_loop3A_197 = arith.constant 6.000000e-03 : f32
        %parallel_loop3A_198 = vector.broadcast %parallel_loop3A_197 : f32 to vector<16xf32>
        %parallel_loop3A_199 = arith.addf %parallel_loop3A_196, %parallel_loop3A_198 : vector<16xf32>
        tpu.vector_store_idx %arg6[%parallel_loop3A_122, %parallel_loop3A_128, %parallel_loop3A_188], %parallel_loop3A_199 : memref<256x8x16xf32, #tpu.memory_space<vmem>>[vector<16xi32>, vector<16xi32>, vector<16xi32>], vector<16xf32>,
        %parallel_loop3A_200 = arith.constant 1 : i32
        %parallel_loop3A_201 = vector.broadcast %parallel_loop3A_200 : i32 to vector<16xi32>
        %parallel_loop3A_202 = arith.addi %parallel_loop3A_188, %parallel_loop3A_201 : vector<16xi32>
        %parallel_loop3A_203 = arith.constant 15 : i32
        %parallel_loop3A_204 = vector.broadcast %parallel_loop3A_203 : i32 to vector<16xi32>
        %parallel_loop3A_205 = arith.andi %parallel_loop3A_202, %parallel_loop3A_204 : vector<16xi32>
        %parallel_loop3A_206 = tpu.vector_load_idx %arg5[%parallel_loop3A_98, %parallel_loop3A_101, %parallel_loop3A_205] : memref<513x8x16xf32, #tpu.memory_space<vmem>>[vector<16xi32>, vector<16xi32>, vector<16xi32>], vector<16xf32>,
        %parallel_loop3A_207 = tpu.vector_load_idx %arg5[%parallel_loop3A_104, %parallel_loop3A_107, %parallel_loop3A_205] : memref<513x8x16xf32, #tpu.memory_space<vmem>>[vector<16xi32>, vector<16xi32>, vector<16xi32>], vector<16xf32>,
        %parallel_loop3A_208 = tpu.vector_load_idx %arg8[%parallel_loop3A_113, %parallel_loop3A_205] : memref<9x16xf32, #tpu.memory_space<vmem>>[vector<16xi32>, vector<16xi32>], vector<16xf32>,
        %parallel_loop3A_209 = tpu.vector_load_idx %arg8[%parallel_loop3A_119, %parallel_loop3A_205] : memref<9x16xf32, #tpu.memory_space<vmem>>[vector<16xi32>, vector<16xi32>], vector<16xf32>,
        %parallel_loop3A_210 = arith.subf %parallel_loop3A_207, %parallel_loop3A_206 : vector<16xf32>
        %parallel_loop3A_211 = arith.subf %parallel_loop3A_209, %parallel_loop3A_208 : vector<16xf32>
        %parallel_loop3A_212 = arith.addf %parallel_loop3A_210, %parallel_loop3A_211 : vector<16xf32>
        %parallel_loop3A_213 = arith.mulf %parallel_loop3A_212, %parallel_loop3A_89 : vector<16xf32>
        %parallel_loop3A_214 = arith.constant 6.000000e-03 : f32
        %parallel_loop3A_215 = vector.broadcast %parallel_loop3A_214 : f32 to vector<16xf32>
        %parallel_loop3A_216 = arith.addf %parallel_loop3A_213, %parallel_loop3A_215 : vector<16xf32>
        tpu.vector_store_idx %arg6[%parallel_loop3A_122, %parallel_loop3A_128, %parallel_loop3A_205], %parallel_loop3A_216 : memref<256x8x16xf32, #tpu.memory_space<vmem>>[vector<16xi32>, vector<16xi32>, vector<16xi32>], vector<16xf32>,
        %parallel_loop3A_217 = arith.constant 1 : i32
        %parallel_loop3A_218 = vector.broadcast %parallel_loop3A_217 : i32 to vector<16xi32>
        %parallel_loop3A_219 = arith.addi %parallel_loop3A_205, %parallel_loop3A_218 : vector<16xi32>
        %parallel_loop3A_220 = arith.constant 15 : i32
        %parallel_loop3A_221 = vector.broadcast %parallel_loop3A_220 : i32 to vector<16xi32>
        %parallel_loop3A_222 = arith.andi %parallel_loop3A_219, %parallel_loop3A_221 : vector<16xi32>
        %parallel_loop3A_223 = tpu.vector_load_idx %arg5[%parallel_loop3A_98, %parallel_loop3A_101, %parallel_loop3A_222] : memref<513x8x16xf32, #tpu.memory_space<vmem>>[vector<16xi32>, vector<16xi32>, vector<16xi32>], vector<16xf32>,
        %parallel_loop3A_224 = tpu.vector_load_idx %arg5[%parallel_loop3A_104, %parallel_loop3A_107, %parallel_loop3A_222] : memref<513x8x16xf32, #tpu.memory_space<vmem>>[vector<16xi32>, vector<16xi32>, vector<16xi32>], vector<16xf32>,
        %parallel_loop3A_225 = tpu.vector_load_idx %arg8[%parallel_loop3A_113, %parallel_loop3A_222] : memref<9x16xf32, #tpu.memory_space<vmem>>[vector<16xi32>, vector<16xi32>], vector<16xf32>,
        %parallel_loop3A_226 = tpu.vector_load_idx %arg8[%parallel_loop3A_119, %parallel_loop3A_222] : memref<9x16xf32, #tpu.memory_space<vmem>>[vector<16xi32>, vector<16xi32>], vector<16xf32>,
        %parallel_loop3A_227 = arith.subf %parallel_loop3A_224, %parallel_loop3A_223 : vector<16xf32>
        %parallel_loop3A_228 = arith.subf %parallel_loop3A_226, %parallel_loop3A_225 : vector<16xf32>
        %parallel_loop3A_229 = arith.addf %parallel_loop3A_227, %parallel_loop3A_228 : vector<16xf32>
        %parallel_loop3A_230 = arith.mulf %parallel_loop3A_229, %parallel_loop3A_89 : vector<16xf32>
        %parallel_loop3A_231 = arith.constant 6.000000e-03 : f32
        %parallel_loop3A_232 = vector.broadcast %parallel_loop3A_231 : f32 to vector<16xf32>
        %parallel_loop3A_233 = arith.addf %parallel_loop3A_230, %parallel_loop3A_232 : vector<16xf32>
        tpu.vector_store_idx %arg6[%parallel_loop3A_122, %parallel_loop3A_128, %parallel_loop3A_222], %parallel_loop3A_233 : memref<256x8x16xf32, #tpu.memory_space<vmem>>[vector<16xi32>, vector<16xi32>, vector<16xi32>], vector<16xf32>,
        %parallel_loop3A_234 = arith.constant 1 : i32
        %parallel_loop3A_235 = vector.broadcast %parallel_loop3A_234 : i32 to vector<16xi32>
        %parallel_loop3A_236 = arith.addi %parallel_loop3A_222, %parallel_loop3A_235 : vector<16xi32>
        %parallel_loop3A_237 = arith.constant 15 : i32
        %parallel_loop3A_238 = vector.broadcast %parallel_loop3A_237 : i32 to vector<16xi32>
        %parallel_loop3A_239 = arith.andi %parallel_loop3A_236, %parallel_loop3A_238 : vector<16xi32>
        %parallel_loop3A_240 = tpu.vector_load_idx %arg5[%parallel_loop3A_98, %parallel_loop3A_101, %parallel_loop3A_239] : memref<513x8x16xf32, #tpu.memory_space<vmem>>[vector<16xi32>, vector<16xi32>, vector<16xi32>], vector<16xf32>,
        %parallel_loop3A_241 = tpu.vector_load_idx %arg5[%parallel_loop3A_104, %parallel_loop3A_107, %parallel_loop3A_239] : memref<513x8x16xf32, #tpu.memory_space<vmem>>[vector<16xi32>, vector<16xi32>, vector<16xi32>], vector<16xf32>,
        %parallel_loop3A_242 = tpu.vector_load_idx %arg8[%parallel_loop3A_113, %parallel_loop3A_239] : memref<9x16xf32, #tpu.memory_space<vmem>>[vector<16xi32>, vector<16xi32>], vector<16xf32>,
        %parallel_loop3A_243 = tpu.vector_load_idx %arg8[%parallel_loop3A_119, %parallel_loop3A_239] : memref<9x16xf32, #tpu.memory_space<vmem>>[vector<16xi32>, vector<16xi32>], vector<16xf32>,
        %parallel_loop3A_244 = arith.subf %parallel_loop3A_241, %parallel_loop3A_240 : vector<16xf32>
        %parallel_loop3A_245 = arith.subf %parallel_loop3A_243, %parallel_loop3A_242 : vector<16xf32>
        %parallel_loop3A_246 = arith.addf %parallel_loop3A_244, %parallel_loop3A_245 : vector<16xf32>
        %parallel_loop3A_247 = arith.mulf %parallel_loop3A_246, %parallel_loop3A_89 : vector<16xf32>
        %parallel_loop3A_248 = arith.constant 6.000000e-03 : f32
        %parallel_loop3A_249 = vector.broadcast %parallel_loop3A_248 : f32 to vector<16xf32>
        %parallel_loop3A_250 = arith.addf %parallel_loop3A_247, %parallel_loop3A_249 : vector<16xf32>
        tpu.vector_store_idx %arg6[%parallel_loop3A_122, %parallel_loop3A_128, %parallel_loop3A_239], %parallel_loop3A_250 : memref<256x8x16xf32, #tpu.memory_space<vmem>>[vector<16xi32>, vector<16xi32>, vector<16xi32>], vector<16xf32>,
        %parallel_loop3A_251 = arith.constant 1 : i32
        %parallel_loop3A_252 = vector.broadcast %parallel_loop3A_251 : i32 to vector<16xi32>
        %parallel_loop3A_253 = arith.addi %parallel_loop3A_239, %parallel_loop3A_252 : vector<16xi32>
        %parallel_loop3A_254 = arith.constant 15 : i32
        %parallel_loop3A_255 = vector.broadcast %parallel_loop3A_254 : i32 to vector<16xi32>
        %parallel_loop3A_256 = arith.andi %parallel_loop3A_253, %parallel_loop3A_255 : vector<16xi32>
        %parallel_loop3A_257 = tpu.vector_load_idx %arg5[%parallel_loop3A_98, %parallel_loop3A_101, %parallel_loop3A_256] : memref<513x8x16xf32, #tpu.memory_space<vmem>>[vector<16xi32>, vector<16xi32>, vector<16xi32>], vector<16xf32>,
        %parallel_loop3A_258 = tpu.vector_load_idx %arg5[%parallel_loop3A_104, %parallel_loop3A_107, %parallel_loop3A_256] : memref<513x8x16xf32, #tpu.memory_space<vmem>>[vector<16xi32>, vector<16xi32>, vector<16xi32>], vector<16xf32>,
        %parallel_loop3A_259 = tpu.vector_load_idx %arg8[%parallel_loop3A_113, %parallel_loop3A_256] : memref<9x16xf32, #tpu.memory_space<vmem>>[vector<16xi32>, vector<16xi32>], vector<16xf32>,
        %parallel_loop3A_260 = tpu.vector_load_idx %arg8[%parallel_loop3A_119, %parallel_loop3A_256] : memref<9x16xf32, #tpu.memory_space<vmem>>[vector<16xi32>, vector<16xi32>], vector<16xf32>,
        %parallel_loop3A_261 = arith.subf %parallel_loop3A_258, %parallel_loop3A_257 : vector<16xf32>
        %parallel_loop3A_262 = arith.subf %parallel_loop3A_260, %parallel_loop3A_259 : vector<16xf32>
        %parallel_loop3A_263 = arith.addf %parallel_loop3A_261, %parallel_loop3A_262 : vector<16xf32>
        %parallel_loop3A_264 = arith.mulf %parallel_loop3A_263, %parallel_loop3A_89 : vector<16xf32>
        %parallel_loop3A_265 = arith.constant 6.000000e-03 : f32
        %parallel_loop3A_266 = vector.broadcast %parallel_loop3A_265 : f32 to vector<16xf32>
        %parallel_loop3A_267 = arith.addf %parallel_loop3A_264, %parallel_loop3A_266 : vector<16xf32>
        tpu.vector_store_idx %arg6[%parallel_loop3A_122, %parallel_loop3A_128, %parallel_loop3A_256], %parallel_loop3A_267 : memref<256x8x16xf32, #tpu.memory_space<vmem>>[vector<16xi32>, vector<16xi32>, vector<16xi32>], vector<16xf32>,
      } {sc.loop_unroll_factor = 1 : i64, sc.parallel_access}
      "tpu.region"() ({
        %run_scoped3A = tpu.sem_alloc : memref<!tpu.dma_semaphore, #tpu.memory_space<semaphore_mem>>
        %dma_start3A = arith.constant 0 : i32
        %dma_start3A_73 = arith.constant 0 : i32
        %dma_start3A_74 = tpu.memref_slice %arg4[%scan3A_16, %dma_start3A, %shift_right_arithmetic3A_3, %dma_start3A_73, %multiple_of3A] : memref<8x256x4x8x128xf32, #tpu.memory_space<hbm>> -> memref<1x256x1x8x16xf32, #tpu.memory_space<hbm>>
        %dma_start3A_75 = tpu.memref_squeeze %dma_start3A_74 : memref<1x256x1x8x16xf32, #tpu.memory_space<hbm>> -> memref<256x8x16xf32, #tpu.memory_space<hbm>>
        %dma_start3A_76 = arith.constant 0 : i32
        %dma_start3A_77 = arith.constant 0 : i32
        %dma_start3A_78 = tpu.memref_slice %arg4[%scan3A_16, %dma_start3A_76, %shift_right_arithmetic3A_3, %dma_start3A_77, %multiple_of3A] : memref<8x256x4x8x128xf32, #tpu.memory_space<hbm>> -> memref<1x256x1x8x16xf32, #tpu.memory_space<hbm>>
        %dma_start3A_79 = tpu.memref_squeeze %dma_start3A_78 : memref<1x256x1x8x16xf32, #tpu.memory_space<hbm>> -> memref<256x8x16xf32, #tpu.memory_space<hbm>>
        tpu.enqueue_dma source(%arg6 : memref<256x8x16xf32, #tpu.memory_space<vmem>>) target(%dma_start3A_79 : memref<256x8x16xf32, #tpu.memory_space<hbm>>) target_semaphore(%run_scoped3A : memref<!tpu.dma_semaphore, #tpu.memory_space<semaphore_mem>>)
        %dma_wait3A = arith.constant 0 : i32
        %dma_wait3A_80 = arith.constant 0 : i32
        %dma_wait3A_81 = tpu.memref_slice %arg4[%scan3A_16, %dma_wait3A, %shift_right_arithmetic3A_3, %dma_wait3A_80, %multiple_of3A] : memref<8x256x4x8x128xf32, #tpu.memory_space<hbm>> -> memref<1x256x1x8x16xf32, #tpu.memory_space<hbm>>
        %dma_wait3A_82 = tpu.memref_squeeze %dma_wait3A_81 : memref<1x256x1x8x16xf32, #tpu.memory_space<hbm>> -> memref<256x8x16xf32, #tpu.memory_space<hbm>>
        %dma_wait3A_83 = arith.constant 0 : i32
        %dma_wait3A_84 = arith.constant 0 : i32
        %dma_wait3A_85 = tpu.memref_slice %arg4[%scan3A_16, %dma_wait3A_83, %shift_right_arithmetic3A_3, %dma_wait3A_84, %multiple_of3A] : memref<8x256x4x8x128xf32, #tpu.memory_space<hbm>> -> memref<1x256x1x8x16xf32, #tpu.memory_space<hbm>>
        %dma_wait3A_86 = tpu.memref_squeeze %dma_wait3A_85 : memref<1x256x1x8x16xf32, #tpu.memory_space<hbm>> -> memref<256x8x16xf32, #tpu.memory_space<hbm>>
        tpu.wait_dma2 semaphore(%run_scoped3A : memref<!tpu.dma_semaphore, #tpu.memory_space<semaphore_mem>>) src(%arg6 : memref<256x8x16xf32, #tpu.memory_space<vmem>>) dst(%dma_wait3A_86 : memref<256x8x16xf32, #tpu.memory_space<hbm>>)
        tpu.yield
      }) : () -> ()
      %scan3A_72 = arith.constant 0 : i32
      scf.yield %scan3A_72 : i32
    }
    %scan3A_15 = arith.constant 8 : i32
    return
  }
}

</mosaic_0001>

<sc_bundles>
// kernel: _pool.3.cloned.1.call-start
scs
__scs_entry_jumppad:
0x0: {  	(pc) =	sbr.rel $0x88, $3  }
0x1: {  	(tag) =	ssettag $0x0;
	lr =	simm.s32 $0x1  }
0x2: {  	[smem:$0x3F9F] =	sst lr;
	_ =	strace $0xD0000000  }
0x3: {  	_ = 	snop  }
0x4: {  	_ = 	snop  }
0x5: {  	_ = 	snop  }
0x6: {  	_ = 	snop  }
0x7: {  	_ = 	snop  }
__scs_overlays_trampoline_lowered:
0x8: {  	[smem:$0x3FAE] =	sst s0  }
0x9: {  	[smem:$0x3FAF] =	sst s1  }
0xa: {  	[smem:$0x3FB0] =	sst s2  }
0xb: {  	[smem:$0x3FB1] =	sst s3  }
0xc: {  	[smem:$0x3FB2] =	sst s4  }
0xd: {  	[smem:$0x3FB3] =	sst s5  }
0xe: {  	[smem:$0x3FB4] =	sst s6  }
0xf: {  	[smem:$0x3FB5] =	sst s7  }
0x10: {  	[smem:$0x3FB6] =	sst s8  }
0x11: {  	[smem:$0x3FB7] =	sst s9;
	s0 =	simm.s32 @!p0 $0x0  }
0x12: {  	s1 =	sld [smem:$0x3F9D];
	s0 =	simm.s32 @p0 $0x1  }
0x13: {  	[smem:$0x3FB8] =	sst s0;
	s0 =	simm.s32 @!p1 $0x0  }
0x14: {  	s2 =	sld [smem:$0x3F9C];
	s0 =	simm.s32 @p1 $0x1  }
0x15: {  	[smem:$0x3FB9] =	sst s0;
	s0 =	simm.s32 @!p2 $0x0  }
0x16: {  	s3 =	sld [smem:$0x3FDB];
	s0 =	simm.s32 @p2 $0x1  }
0x17: {  	s4 =	simm.s32 $0x1BF5;
	[smem:$0x3FBB] =	sst s0  }
0x18: {  	s0 =	sld [smem:$0x3F9E];
	_ =	swait.ge [sflag:s4], $0x0  }
0x19: {  	s7 =	sld [smem:$0x3F9F]  }
0x1a: {  	s8 =	sadd.s32 $0xFFFFE003, lr  }
0x1b: {  	s9 =	sadd.s32 $0xFFFFFEF7, lr;
	s5 =	simm.s32 $0xFFFFFFFF;
	p2 =	slt.u32 s8, $0xFFFFF086  }
0x1c: {  	p1 =	slt.u32 s9, $0xF7A;
	s5 =	simm.s32 @!p2 $0x0  }
0x1d: {  	s5 =	simm.s32 @p1 $0x1;
	p0 =	seq.s32 s7, s2  }
0x1e: {  	s7 =	smul.u32 @!p0 $0xF7A, s2;
	p2 =	seq.s32 @!p0 s5, $0x0  }
0x1f: {  	s9 =	smul.u32 $0xF7A, s1;
	s8 =	simm.s32 @!p0 $0x1BF5;
	p2 =	por !p2, p0  }
0x20: {  	[sflag:s8] =	ssyncset.s32 @!p0 $0xFFFFF086;
	s6 =	sadd.s32 @!p0 s3, s7;
	s7 =	simm.s32 @!p0 $0x108  }
0x21: {  	s3 =	sadd.s32 s3, s9;
	s6 =	sadd.s32 @!p0 $0x88, s6;
	s7 =	simm.s32 @p2 $0x1082  }
0x22: {  	[simem:s7], [sflag:s8] =	dma.local @!p0 [hbm:s6], $0xF7A  }
0x23: {  	s9 =	sor.u32 $0xD0000000, s2;
	s6 =	simm.s32 $0x108;
	_ =	swait.ge @!p0 [sflag:s8], $0x0  }
0x24: {  	s3 =	sadd.s32 $0x88, s3;
	s6 =	simm.s32 @!p1 $0x1082;
	[sflag:s4] =	ssyncset.s32 $0xFFFFF086  }
0x25: {  	[simem:s6], [sflag:s4] =	dma.local [hbm:s3], $0xF7A  }
0x26: {  	[smem:$0x3F9F] =	sst s1;
	(tag) =	ssettag s2;
	_ =	strace s9  }
0x27: {  	s1 =	sld [smem:$0x3FAF]  }
0x28: {  	s2 =	sld [smem:$0x3FB0]  }
0x29: {  	s4 =	sld [smem:$0x3FB2]  }
0x2a: {  	p0 =	seq.s32 s5, $0x0;
	s5 =	sld [smem:$0x3FB3]  }
0x2b: {  	s6 =	sld [smem:$0x3FB4]  }
0x2c: {  	s7 =	sld [smem:$0x3FB5]  }
0x2d: {  	s3 =	simm.s32 $0x108;
	s8 =	sld [smem:$0x3FB6]  }
0x2e: {  	s3 =	simm.s32 @!p0 $0x1082;
	s9 =	sld [smem:$0x3FB7]  }
0x2f: {  	lr =	sadd.s32 s0, s3;
	s0 =	sld [smem:$0x3FAE]  }
0x30: {  	s3 =	sld [smem:$0x3FB1]  }
0x31: {  	[smem:$0x3FBA] =	sst s10  }
0x32: {  	s10 =	sld [smem:$0x3FB8];
	_ =	sdelay $0x3  }
0x33: {  	p0 =	seq.s32 s10, $0x1;
	s10 =	sld [smem:$0x3FBA];
	_ =	sdelay $0x3  }
0x34: {  	[smem:$0x3FBA] =	sst s10  }
0x35: {  	s10 =	sld [smem:$0x3FB9];
	_ =	sdelay $0x3  }
0x36: {  	p1 =	seq.s32 s10, $0x1;
	s10 =	sld [smem:$0x3FBA];
	_ =	sdelay $0x3  }
0x37: {  	[smem:$0x3FBA] =	sst s10  }
0x38: {  	s10 =	sld [smem:$0x3FBB]  }
0x39: {  	_ = 	snop;
	(pc) =	sbr.ind lr, $3  }
0x3a: {  	_ = 	snop  }
0x3b: {  	_ = 	snop  }
0x3c: {  	p2 =	seq.s32 s10, $0x1;
	s10 =	sld [smem:$0x3FBA]  }
0x3d: {  	_ =	shalt  }
0x3e: {  	_ =	shalt  }
0x3f: {  	_ =	shalt  }
0x40: {  	_ =	shalt  }
0x41: {  	_ =	shalt  }
0x42: {  	_ =	shalt  }
0x43: {  	_ =	shalt  }
0x44: {  	_ =	shalt  }
0x45: {  	_ =	shalt  }
0x46: {  	_ =	shalt  }
0x47: {  	_ =	shalt  }
0x48: {  	_ =	shalt  }
0x49: {  	_ =	shalt  }
0x4a: {  	_ =	shalt  }
0x4b: {  	_ =	shalt  }
0x4c: {  	_ =	shalt  }
0x4d: {  	_ =	shalt  }
0x4e: {  	_ =	shalt  }
0x4f: {  	_ =	shalt  }
0x50: {  	_ =	shalt  }
0x51: {  	_ =	shalt  }
0x52: {  	_ =	shalt  }
0x53: {  	_ =	shalt  }
0x54: {  	_ =	shalt  }
0x55: {  	_ =	shalt  }
0x56: {  	_ =	shalt  }
0x57: {  	_ =	shalt  }
0x58: {  	_ =	shalt  }
0x59: {  	_ =	shalt  }
0x5a: {  	_ =	shalt  }
0x5b: {  	_ =	shalt  }
0x5c: {  	_ =	shalt  }
0x5d: {  	_ =	shalt  }
0x5e: {  	_ =	shalt  }
0x5f: {  	_ =	shalt  }
0x60: {  	_ =	shalt  }
0x61: {  	_ =	shalt  }
0x62: {  	_ =	shalt  }
0x63: {  	_ =	shalt  }
0x64: {  	_ =	shalt  }
0x65: {  	_ =	shalt  }
0x66: {  	_ =	shalt  }
0x67: {  	_ =	shalt  }
0x68: {  	_ =	shalt  }
0x69: {  	_ =	shalt  }
0x6a: {  	_ =	shalt  }
0x6b: {  	_ =	shalt  }
0x6c: {  	_ =	shalt  }
0x6d: {  	_ =	shalt  }
0x6e: {  	_ =	shalt  }
0x6f: {  	_ =	shalt  }
0x70: {  	_ =	shalt  }
0x71: {  	_ =	shalt  }
0x72: {  	_ =	shalt  }
0x73: {  	_ =	shalt  }
0x74: {  	_ =	shalt  }
0x75: {  	_ =	shalt  }
0x76: {  	_ =	shalt  }
0x77: {  	_ =	shalt  }
0x78: {  	_ =	shalt  }
0x79: {  	_ =	shalt  }
0x7a: {  	_ =	shalt  }
0x7b: {  	_ =	shalt  }
0x7c: {  	_ =	shalt  }
0x7d: {  	_ =	shalt  }
0x7e: {  	_ =	shalt  }
0x7f: {  	_ =	shalt  }
0x80: {  	_ =	shalt  }
0x81: {  	_ =	shalt  }
0x82: {  	_ =	shalt  }
0x83: {  	_ =	shalt  }
0x84: {  	_ =	shalt  }
0x85: {  	_ =	shalt  }
0x86: {  	_ =	shalt  }
0x87: {  	_ =	shalt  }
.Lfunc_end0:
.L_simem_size_0:
called_computation_lowered:
.L_overlay_start_0:
0x88: {  	s2 =	sld [smem:$0x3FD9]  }
0x89: {  	s3 =	sld [smem:$0x3FFE];
	_ =	sdelay $0x1  }
0x8a: {  	s1 =	srdreg.scid  }
0x8b: {  	s0 =	sand.u32 $0x1, s1  }
0x8c: {  	s17 =	sshll.u32 s0, $0xA;
	s2 =	sadd.s32 s3, s2  }
0x8d: {  	s2 =	sadd.s32 s2, s17  }
0x8e: {  	[smem:$0x3FC6] =	sst s2  }
0x8f: {  	_ = 	snop  }
0x90: {  	s2 =	sld [smem:$0x3FC9]  }
0x91: {  	s18 =	sld [smem:$0x3FD0];
	(tm) =	ssettm $0x1  }
0x92: {  	s4 =	sld [smem:$0x3FFB];
	_ =	sdelay $0x3  }
0x93: {  	_ =	strace s4  }
0x94: {  	s4 =	sld [smem:$0x3FFC];
	_ =	sdelay $0x3  }
0x95: {  	_ =	strace s4  }
0x96: {  	s4 =	sld [smem:$0x3FFD];
	_ =	sdelay $0x3  }
0x97: {  	_ =	strace s4  }
0x98: {  	_ =	strace $0x8FFFFFFF  }
0x99: {  	s19 =	sld [smem:$0x3FDB];
	_ =	sdelay $0x1  }
0x9a: {  	s5 =	simm.s32 $_scs_section_size  }
0x9b: {  	s6 =	simm.s32 $_size__tile_overlayer_lowered;
	s7 =	simm.s32 $_tile_overlayer_lowered  }
0x9c: {  	s22 =	simm.s32 $0x1BFF;
	s21 =	sshll.u32 s7, $0x1;
	s4 =	sadd.s32 s5, s19  }
0x9d: {  	s8 =	simm.s32 $0x0;
	s20 =	sshll.u32 s6, $0x1;
	s6 =	sadd.s32 s21, s4  }
0x9e: {  	[timem:s8], [sflag:s22] =	dma.local [hbm:s6], s20  }
0x9f: {  	_ =	swait.ge [sflag:s22], s20  }
0xa0: {  	s5 =	ssub.s32 $0x0, s20;
	[sflag:s22] =	ssyncset.done $0x0  }
0xa1: {  	[sflag:s22] =	ssyncadd.s32 s5;
	_ =	sdelay $0x1  }
0xa2: {  	s23 =	simm.s32 $0x1B8B  }
0xa3: {  	_ =	swait.ge [sflag:s23], $0x1  }
0xa4: {  	[sflag:s23] =	ssyncset.done $0x0  }
0xa5: {  	s25 =	simm.s32 $0x1B8E;
	s24 =	sld [smem:$0x3FFE];
	[sflag:s23] =	ssyncadd.s32 $0xFFFFFFFF  }
0xa6: {  	s26 =	simm.s32 $execute0_lowered;
	[smem:$0x3FD2] =	sst s25  }
0xa7: {  	s6 =	sshll.u32 s26, $0x1;
	_ =	strace $0x80000046;
	[dreg:$0x1] =	wrdreg $0xFFFFFFFF  }
0xa8: {  	s28 =	simm.s32 $_size_execute0_lowered;
	s4 =	sadd.s32 s4, s6;
	[dreg:$0x0] =	wrdreg $0x0  }
0xa9: {  	s6 =	sshll.u32 s28, $0x1;
	[dreg:$0x2] =	wrdreg s4  }
0xaa: {  	[dreg:$0x3] =	wrdreg s6  }
0xab: {  	[dreg:$0x4] =	wrdreg $0xC0  }
0xac: {  	_ =	task [dreg:s8], $0x5FFFF  }
0xad: {  	[dreg:$0x1] =	wrdreg $0xFFFFFFFF  }
0xae: {  	[dreg:$0x0] =	wrdreg $0x60  }
0xaf: {  	[dreg:$0x2] =	wrdreg s2  }
0xb0: {  	[dreg:$0x3] =	wrdreg s24  }
0xb1: {  	[dreg:$0x4] =	wrdreg s18  }
0xb2: {  	[dreg:$0x5] =	wrdreg $0x9  }
0xb3: {  	_ =	task.clear_ibuf [dreg:s8], $0x6FFFF;
	_ =	strace $0x90000046  }
0xb4: {  	s29 =	simm.s32 $0x9;
	_ =	strace $0x80000048  }
0xb5: {  	_ =	swait.ge [sflag:s29], $0x1  }
0xb6: {  	[sflag:s29] =	ssyncadd.s32 $0xFFFFFFFF  }
0xb7: {  	_ =	strace $0x90000048  }
0xb8: {  	_ =	sfence  }
0xb9: {  	s30 =	sld [smem:$0x0];
	_ =	sdelay $0x2  }
0xba: {  	s31 =	sshll.u32 s1, $0xD;
	s1 =	sshrl.u32 s1, $0x2  }
0xbb: {  	s3 =	sand.u32 $0x4000, s31;
	s1 =	sadd.s32 s1, s30  }
0xbc: {  	s0 =	sor.u32 s3, s0;
	s1 =	sshll.u32 s1, $0x11  }
0xbd: {  	s0 =	sor.u32 s1, s0  }
0xbe: {  	s0 =	sadd.s32 $0x8F2B, s0  }
0xbf: {  	[sflag:s0] =	ssyncadd.remote.s32 $0x1  }
0xc0: {  	_ =	sfence.sel $0xFFFF  }
0xc1: {  	[dreg:$0x0] =	wrdreg $0xFFFFFFFF;
	(pc) =	sbr.abs _section_cstart, $3  }
0xc2: {  	[dreg:$0x1] =	wrdreg $0xFFFFFFFF  }
0xc3: {  	_ =	task.clear_ibuf [dreg:s8], $0x2FFFF;
	_ =	strace $0x9FFFFFFF  }
0xc4: {  	(tm) =	ssettm $0x7FFFFFFF  }
0xc5: {  	_ =	shalt  }
tec
execute0_lowered:
.L_overlay_start_1:
0x0: {  	(tag) =	ssettag $0x1  }
0x1: {  	s0 =	rddreg [dreg:$0x1];
	s1 =	simm.s32 $0x0;
	s30 =	srdreg.scid  }
0x2: {  	v0 =	vimm.s32 $0x7654321;
	s4 =	stileid.u32;
	v3 =	vimm.s32 $0x10765432;
	v4 =	vimm.s32 $0x21076543;
	s5 =	simm.s32 $0x10;
	s6 =	simm.s32 $0x80  }
0x3: {  	v5 =	vimm.s32 $0x32107654;
	v6 =	vimm.s32 $0x43210765;
	[smem:$0x7FF] =	sst s1;
	s1 =	sand.u32 $0x1, s30;
	s0 =	sadd.s32 $0x400, s0  }
0x4: {  	v1 =	vlaneseq.u32;
	v7 =	vimm.s32 $0x54321076;
	v8 =	vimm.s32 $0x65432107;
	s3 =	sshll.u32 s4, $0x5;
	s4 =	sshll.u32 s4, $0x8;
	_ =	strace $0x80000047  }
0x5: {  	v2 =	vunpack.c.l.s4.s8 v0;
	v0 =	vimm.f32 $0.0e+00;
	v3 =	vunpack.c.l.s4.s8 v3;
	s31 =	ssub.s32 $0x2, s1;
	s1 =	sshll.u32 s1, $0x4;
	s3 =	sand.u32 $0x60, s3  }
0x6: {  	v4 =	vunpack.c.l.s4.s8 v4;
	v5 =	vunpack.c.l.s4.s8 v5;
	v6 =	vunpack.c.l.s4.s8 v6;
	s4 =	sand.u32 $0xC00, s4;
	s2 =	sshrl.u32 s31, $0x1;
	s1 =	sor.u32 s1, s3  }
0x7: {  	v7 =	vunpack.c.l.s4.s8 v7;
	v8 =	vunpack.c.l.s4.s8 v8;
	[dreg:$0x15] =	wrdreg s0;
	v2 =	vunpack.c.0.s8.s32 v2;
	s0 =	ssub.s32 s31, s2;
	s4 =	sor.u32 s1, s4  }
0x8: {  	s7 =	simm.s32 $0x1;
	v3 =	vunpack.c.0.s8.s32 v3;
	v4 =	vunpack.c.0.s8.s32 v4;
	v5 =	vunpack.c.0.s8.s32 v5;
	s0 =	smax.u32 s0, $0x1;
	[dreg:$0x17] =	wrdreg s4  }
0x9: {  	s8 =	simm.s32 $0x18080;
	v6 =	vunpack.c.0.s8.s32 v6;
	v7 =	vunpack.c.0.s8.s32 v7;
	v8 =	vunpack.c.0.s8.s32 v8;
	s1 =	simm.s32 $0x0;
	[dreg:$0x16] =	wrdreg s0  }
.LBB2_1:
0xa: {  	[dreg:$0x18] =	wrdreg s1;
	s9 =	simm.s32 $0x0  }
.LBB2_2:
0xb: {  	s0 =	sshll.u32 s9, $0x15  }
0xc: {  	s0 =	sor.u32 s4, s0  }
0xd: {  	s1 =	rddreg [dreg:$0x0];
	s0 =	sshrl.u32 s0, $0x3  }
0xe: {  	s0 =	sadd.s32 s1, s0  }
0xf: {  	s3 =	simm.s32 $0x80;
	s1 =	simm.s32 $0x200;
	s2 =	sadd.s32 $0x0, s0  }
.LBB2_3:
0x10: {  	[tilespmem:s3], [sflag:$0x1] =	stream.strided.gather [hbm4b:s2+s5], $0x80, s6, s5, $0x38;
	[tilespmem:$0x1A110] =	vst v63  }
0x11: {  	s2 =	smov.u32 s1;
	p0 =	sne.s32 s1, $0x3FE00  }
.Ltmp0:
0x12: {  	s1 =	sadd.s32 $0x200, s1;
	(pc) =	sbr.rel @p0 .LBB2_3-.Ltmp0, $3  }
0x13: {  	_ =	sdelay $0x1  }
0x14: {  	s3 =	sshra.s32 s2, $0x2  }
0x15: {  	s2 =	sadd.s32 s2, s0;
	s3 =	sadd.s32 $0x80, s3  }
0x16: {  	[tilespmem:s3], [sflag:$0x1] =	stream.strided.gather [hbm4b:s2+s5], $0x80, s6, s5, $0x38;
	[tilespmem:$0x1A110] =	vst v63  }
0x17: {  	_ =	swait.ge [sflag:s7], $0x10000;
	[dreg:$0x19] =	wrdreg s9  }
0x18: {  	s0 =	sshll.u32 s9, $0xA;
	[sflag:s7] =	ssyncset.done $0x0;
	s1 =	rddreg [dreg:$0x15]  }
0x19: {  	s9 =	simm.s32 $0x0;
	[sflag:s7] =	ssyncadd.s32 $0xFFFF0000;
	s0 =	sadd.s32 s1, s0  }
0x1a: {  	[tilespmem:s8], [sflag:$0x1] =	stream.linear.gather [hbm4b:s0+s9], $0x2000, $0x38;
	[tilespmem:$0x1A110] =	vst v63  }
0x1b: {  	_ =	swait.ge [sflag:s7], $0x2000  }
0x1c: {  	[sflag:s7] =	ssyncset.done $0x0  }
0x1d: {  	v11 =	vimm.f32 $0.0e+00;
	[sflag:s7] =	ssyncadd.s32 $0xFFFFE000  }
0x1e: {  	s16 =	simm.s32 $0x0;
	[tilespmem:$0x70] =	vst v11  }
0x1f: {  	v9 =	vld [tilespmem:s16+$0x80];
	_ =	sdelay $0x1  }
0x20: {  	v10 =	vld [tilespmem:s16+$0x90];
	_ =	sdelay $0x1  }
0x21: {  	v12 =	vld [tilespmem:s16+$0xA0]  }
0x22: {  	v9 =	vadd.f32 v9, v11  }
0x23: {  	v13 =	vld [tilespmem:s16+$0xB0]  }
0x24: {  	v10 =	vadd.f32 v10, v9;
	_ =	sdelay $0x1  }
0x25: {  	v12 =	vadd.f32 v12, v10;
	_ =	sdelay $0x1  }
0x26: {  	v13 =	vadd.f32 v13, v12;
	_ =	sdelay $0x1  }
0x27: {  	s10 =	simm.s32 $0x0;
	[tilespmem:s16+$0x90] =	vst v10;
	v10 =	vsub.f32 v13, v11  }
0x28: {  	s11 =	sand.u32 $0x40, s9;
	s1 =	sand.u32 $0xF80, s10;
	[tilespmem:s16+$0x80] =	vst v9  }
0x29: {  	s0 =	sor.u32 $0x10, s11;
	s12 =	sadd.s32 $0x10080, s1;
	[tilespmem:s16+$0xA0] =	vst v12;
	v9 =	vmul.f32 $2.500000000e-01, v10  }
0x2a: {  	s4 =	sor.u32 s0, s12;
	[tilespmem:s16+$0xB0] =	vst v13  }
0x2b: {  	[tilespmem:s4+$0x0] =	vst v9  }
0x2c: {  	v9 =	vld [tilespmem:s16+$0xC0];
	_ =	sdelay $0x1  }
0x2d: {  	v10 =	vld [tilespmem:s16+$0xD0];
	_ =	sdelay $0x1  }
0x2e: {  	v12 =	vld [tilespmem:s16+$0xE0]  }
0x2f: {  	v9 =	vadd.f32 v9, v13  }
0x30: {  	v14 =	vld [tilespmem:s16+$0xF0]  }
0x31: {  	v10 =	vadd.f32 v10, v9;
	_ =	sdelay $0x1  }
0x32: {  	v12 =	vadd.f32 v12, v10;
	_ =	sdelay $0x1  }
0x33: {  	v14 =	vadd.f32 v14, v12;
	_ =	sdelay $0x1  }
0x34: {  	[tilespmem:s16+$0xC0] =	vst v9;
	v9 =	vsub.f32 v14, v13  }
0x35: {  	[tilespmem:s16+$0xD0] =	vst v10  }
0x36: {  	s2 =	sor.u32 $0x30, s11;
	[tilespmem:s16+$0xE0] =	vst v12;
	v9 =	vmul.f32 $2.500000000e-01, v9  }
0x37: {  	s3 =	sor.u32 s2, s12;
	[tilespmem:s16+$0xF0] =	vst v14  }
0x38: {  	[tilespmem:s3+$0x0] =	vst v9  }
0x39: {  	v9 =	vld [tilespmem:s16+$0x2080];
	_ =	sdelay $0x1  }
0x3a: {  	v10 =	vld [tilespmem:s16+$0x2090];
	_ =	sdelay $0x1  }
0x3b: {  	v12 =	vld [tilespmem:s16+$0x20A0]  }
0x3c: {  	v9 =	vadd.f32 v9, v11  }
0x3d: {  	v13 =	vld [tilespmem:s16+$0x20B0]  }
0x3e: {  	v10 =	vadd.f32 v10, v9;
	_ =	sdelay $0x1  }
0x3f: {  	v12 =	vadd.f32 v12, v10;
	_ =	sdelay $0x1  }
0x40: {  	v13 =	vadd.f32 v13, v12  }
0x41: {  	s17 =	simm.s32 $0x80  }
0x42: {  	v15 =	vld [tilespmem:s17+$0x80];
	[tilespmem:s16+$0x2080] =	vst v9;
	v9 =	vsub.f32 v13, v11  }
0x43: {  	[tilespmem:s16+$0x2090] =	vst v10  }
0x44: {  	s13 =	sadd.s32 $0x11080, s1;
	v10 =	vld [tilespmem:s17+$0x90];
	[tilespmem:s16+$0x20A0] =	vst v12;
	v9 =	vmul.f32 $2.500000000e-01, v9  }
0x45: {  	s14 =	sor.u32 s0, s13;
	[tilespmem:s16+$0x20B0] =	vst v13  }
0x46: {  	[tilespmem:s14+$0x0] =	vst v9;
	v9 =	vld [tilespmem:s17+$0xA0]  }
0x47: {  	v15 =	vadd.f32 v15, v14;
	v12 =	vld [tilespmem:s16+$0x20C0]  }
0x48: {  	v16 =	vld [tilespmem:s17+$0xB0]  }
0x49: {  	v10 =	vadd.f32 v10, v15;
	v17 =	vld [tilespmem:s16+$0x20D0];
	_ =	sdelay $0x1  }
0x4a: {  	v18 =	vld [tilespmem:s16+$0x20E0];
	v9 =	vadd.f32 v9, v10  }
0x4b: {  	v12 =	vadd.f32 v12, v13  }
0x4c: {  	v19 =	vld [tilespmem:s16+$0x20F0];
	v16 =	vadd.f32 v16, v9  }
0x4d: {  	v17 =	vadd.f32 v17, v12  }
0x4e: {  	s15 =	simm.s32 $0x40;
	s18 =	simm.s32 $0x40;
	[tilespmem:s17+$0x90] =	vst v10;
	v10 =	vsub.f32 v16, v14  }
0x4f: {  	s19 =	sand.u32 $0x40, s18;
	s5 =	sand.u32 $0xF80, s15;
	[tilespmem:s17+$0x80] =	vst v15;
	v14 =	vadd.f32 v18, v17  }
0x50: {  	s20 =	sadd.s32 $0x10080, s5;
	s4 =	sor.u32 $0x10, s19;
	[tilespmem:s17+$0xA0] =	vst v9;
	v9 =	vmul.f32 $2.500000000e-01, v10  }
0x51: {  	s21 =	sor.u32 s4, s20;
	[tilespmem:s17+$0xB0] =	vst v16;
	v10 =	vadd.f32 v19, v14  }
0x52: {  	[tilespmem:s21+$0x0] =	vst v9  }
0x53: {  	[tilespmem:s16+$0x20C0] =	vst v12;
	v9 =	vsub.f32 v10, v13;
	v12 =	vld [tilespmem:s17+$0xC0]  }
0x54: {  	[tilespmem:s16+$0x20D0] =	vst v17  }
0x55: {  	[tilespmem:s16+$0x20E0] =	vst v14;
	v13 =	vld [tilespmem:s17+$0xD0];
	v9 =	vmul.f32 $2.500000000e-01, v9  }
0x56: {  	s3 =	sor.u32 s2, s13;
	[tilespmem:s16+$0x20F0] =	vst v10  }
0x57: {  	[tilespmem:s3+$0x0] =	vst v9;
	v9 =	vld [tilespmem:s17+$0xE0]  }
0x58: {  	v14 =	vld [tilespmem:s16+$0x4080];
	v12 =	vadd.f32 v12, v16  }
0x59: {  	v15 =	vld [tilespmem:s17+$0xF0]  }
0x5a: {  	v17 =	vld [tilespmem:s16+$0x4090];
	v13 =	vadd.f32 v13, v12;
	_ =	sdelay $0x1  }
0x5b: {  	v18 =	vld [tilespmem:s16+$0x40A0];
	v9 =	vadd.f32 v9, v13  }
0x5c: {  	v14 =	vadd.f32 v14, v11  }
0x5d: {  	v19 =	vld [tilespmem:s16+$0x40B0];
	v15 =	vadd.f32 v15, v9  }
0x5e: {  	v17 =	vadd.f32 v17, v14  }
0x5f: {  	[tilespmem:s17+$0xC0] =	vst v12;
	v12 =	vsub.f32 v15, v16  }
0x60: {  	[tilespmem:s17+$0xD0] =	vst v13;
	v16 =	vadd.f32 v18, v17  }
0x61: {  	s7 =	sor.u32 $0x30, s19;
	[tilespmem:s17+$0xE0] =	vst v9;
	v9 =	vmul.f32 $2.500000000e-01, v12  }
0x62: {  	s22 =	sor.u32 s7, s20;
	[tilespmem:s17+$0xF0] =	vst v15;
	v12 =	vadd.f32 v19, v16  }
0x63: {  	[tilespmem:s22+$0x0] =	vst v9  }
0x64: {  	[tilespmem:s16+$0x4080] =	vst v14;
	v9 =	vsub.f32 v12, v11;
	v13 =	vld [tilespmem:s17+$0x2080]  }
0x65: {  	[tilespmem:s16+$0x4090] =	vst v17  }
0x66: {  	s23 =	sadd.s32 $0x12080, s1;
	[tilespmem:s16+$0x40A0] =	vst v16;
	v14 =	vld [tilespmem:s17+$0x2090];
	v9 =	vmul.f32 $2.500000000e-01, v9  }
0x67: {  	s24 =	sor.u32 s0, s23;
	[tilespmem:s16+$0x40B0] =	vst v12  }
0x68: {  	[tilespmem:s24+$0x0] =	vst v9;
	v9 =	vld [tilespmem:s17+$0x20A0]  }
0x69: {  	v16 =	vld [tilespmem:s16+$0x40C0];
	v13 =	vadd.f32 v13, v10  }
0x6a: {  	v17 =	vld [tilespmem:s17+$0x20B0]  }
0x6b: {  	v18 =	vld [tilespmem:s16+$0x40D0];
	v14 =	vadd.f32 v14, v13;
	_ =	sdelay $0x1  }
0x6c: {  	v19 =	vld [tilespmem:s16+$0x40E0];
	v9 =	vadd.f32 v9, v14  }
0x6d: {  	v16 =	vadd.f32 v16, v12  }
0x6e: {  	v20 =	vld [tilespmem:s16+$0x40F0];
	v17 =	vadd.f32 v17, v9  }
0x6f: {  	v18 =	vadd.f32 v18, v16  }
0x70: {  	[tilespmem:s17+$0x2080] =	vst v13;
	v10 =	vsub.f32 v17, v10  }
0x71: {  	[tilespmem:s17+$0x2090] =	vst v14;
	v13 =	vadd.f32 v19, v18  }
0x72: {  	s25 =	sadd.s32 $0x11080, s5;
	[tilespmem:s17+$0x20A0] =	vst v9;
	v9 =	vmul.f32 $2.500000000e-01, v10  }
0x73: {  	s26 =	sor.u32 s4, s25;
	[tilespmem:s17+$0x20B0] =	vst v17;
	v14 =	vadd.f32 v20, v13  }
0x74: {  	[tilespmem:s26+$0x0] =	vst v9  }
0x75: {  	[tilespmem:s16+$0x40C0] =	vst v16;
	v9 =	vsub.f32 v14, v12;
	v10 =	vld [tilespmem:s17+$0x20C0]  }
0x76: {  	[tilespmem:s16+$0x40D0] =	vst v18  }
0x77: {  	[tilespmem:s16+$0x40E0] =	vst v13;
	v12 =	vld [tilespmem:s17+$0x20D0];
	v9 =	vmul.f32 $2.500000000e-01, v9  }
0x78: {  	s3 =	sor.u32 s2, s23;
	[tilespmem:s16+$0x40F0] =	vst v14  }
0x79: {  	[tilespmem:s3+$0x0] =	vst v9;
	v9 =	vld [tilespmem:s17+$0x20E0]  }
0x7a: {  	v13 =	vld [tilespmem:s16+$0x6080];
	v16 =	vadd.f32 v10, v17  }
0x7b: {  	v10 =	vld [tilespmem:s17+$0x20F0]  }
0x7c: {  	v18 =	vld [tilespmem:s16+$0x6090];
	v12 =	vadd.f32 v12, v16;
	_ =	sdelay $0x1  }
0x7d: {  	s18 =	simm.s32 $0x100;
	v19 =	vld [tilespmem:s16+$0x60A0];
	v9 =	vadd.f32 v9, v12  }
0x7e: {  	v21 =	vld [tilespmem:s18+$0x80];
	v13 =	vadd.f32 v13, v11  }
0x7f: {  	v20 =	vld [tilespmem:s16+$0x60B0];
	v10 =	vadd.f32 v10, v9  }
0x80: {  	v18 =	vadd.f32 v18, v13  }
0x81: {  	[tilespmem:s17+$0x20C0] =	vst v16;
	v16 =	vsub.f32 v10, v17;
	v17 =	vld [tilespmem:s18+$0x90]  }
0x82: {  	[tilespmem:s17+$0x20D0] =	vst v12;
	v19 =	vadd.f32 v19, v18  }
0x83: {  	[tilespmem:s17+$0x20E0] =	vst v9;
	v12 =	vmul.f32 $2.500000000e-01, v16;
	v16 =	vld [tilespmem:s18+$0xA0]  }
0x84: {  	s8 =	sor.u32 s7, s25;
	v9 =	vadd.f32 v21, v15;
	[tilespmem:s17+$0x20F0] =	vst v10;
	v20 =	vadd.f32 v20, v19  }
0x85: {  	[tilespmem:s8+$0x0] =	vst v12;
	v12 =	vld [tilespmem:s18+$0xB0]  }
0x86: {  	[tilespmem:s16+$0x6080] =	vst v13;
	v13 =	vsub.f32 v20, v11;
	v21 =	vld [tilespmem:s17+$0x4080];
	v17 =	vadd.f32 v17, v9  }
0x87: {  	[tilespmem:s16+$0x6090] =	vst v18  }
0x88: {  	s9 =	sadd.s32 $0x13080, s1;
	[tilespmem:s16+$0x60A0] =	vst v19;
	v18 =	vld [tilespmem:s17+$0x4090];
	v13 =	vmul.f32 $2.500000000e-01, v13;
	v16 =	vadd.f32 v16, v17  }
0x89: {  	s11 =	sor.u32 s0, s9;
	[tilespmem:s16+$0x60B0] =	vst v20  }
0x8a: {  	[tilespmem:s11+$0x0] =	vst v13;
	v13 =	vld [tilespmem:s17+$0x40A0];
	v12 =	vadd.f32 v12, v16  }
0x8b: {  	v19 =	vld [tilespmem:s16+$0x60C0];
	v21 =	vadd.f32 v21, v14  }
0x8c: {  	s12 =	simm.s32 $0x80;
	s13 =	simm.s32 $0x80;
	[tilespmem:s18+$0x80] =	vst v9;
	v22 =	vld [tilespmem:s17+$0x40B0];
	v15 =	vsub.f32 v12, v15  }
0x8d: {  	s14 =	sand.u32 $0x40, s13;
	s8 =	sand.u32 $0xF80, s12;
	[tilespmem:s18+$0x90] =	vst v17;
	v17 =	vld [tilespmem:s16+$0x60D0];
	v18 =	vadd.f32 v18, v21  }
0x8e: {  	s3 =	sor.u32 $0x10, s14;
	s10 =	sadd.s32 $0x10080, s8;
	[tilespmem:s18+$0xA0] =	vst v16;
	v9 =	vmul.f32 $2.500000000e-01, v15  }
0x8f: {  	s11 =	sor.u32 s3, s10;
	[tilespmem:s18+$0xB0] =	vst v12;
	v15 =	vld [tilespmem:s16+$0x60E0];
	v13 =	vadd.f32 v13, v18  }
0x90: {  	v16 =	vld [tilespmem:s16+$0x60F0];
	v19 =	vadd.f32 v19, v20;
	[tilespmem:s11+$0x0] =	vst v9  }
0x91: {  	v22 =	vadd.f32 v22, v13;
	v9 =	vld [tilespmem:s18+$0xC0]  }
0x92: {  	v17 =	vadd.f32 v17, v19  }
0x93: {  	[tilespmem:s17+$0x4080] =	vst v21;
	v21 =	vld [tilespmem:s18+$0xD0];
	v14 =	vsub.f32 v22, v14  }
0x94: {  	[tilespmem:s17+$0x4090] =	vst v18;
	v15 =	vadd.f32 v15, v17  }
0x95: {  	s15 =	sadd.s32 $0x12080, s5;
	[tilespmem:s17+$0x40A0] =	vst v13;
	v13 =	vmul.f32 $2.500000000e-01, v14;
	v14 =	vld [tilespmem:s18+$0xE0]  }
0x96: {  	s12 =	sor.u32 s4, s15;
	[tilespmem:s17+$0x40B0] =	vst v22;
	v16 =	vadd.f32 v16, v15;
	v18 =	vadd.f32 v9, v12  }
0x97: {  	v9 =	vld [tilespmem:s18+$0xF0];
	[tilespmem:s12+$0x0] =	vst v13  }
0x98: {  	[tilespmem:s16+$0x60D0] =	vst v17;
	v13 =	vsub.f32 v16, v20;
	v17 =	vld [tilespmem:s17+$0x40C0];
	v20 =	vadd.f32 v21, v18  }
0x99: {  	[tilespmem:s16+$0x60C0] =	vst v19  }
0x9a: {  	[tilespmem:s16+$0x60E0] =	vst v15;
	v15 =	vld [tilespmem:s17+$0x40D0];
	v13 =	vmul.f32 $2.500000000e-01, v13;
	v14 =	vadd.f32 v14, v20  }
0x9b: {  	s6 =	sor.u32 s2, s9;
	[tilespmem:s16+$0x60F0] =	vst v16  }
0x9c: {  	[tilespmem:s6+$0x0] =	vst v13;
	v13 =	vld [tilespmem:s17+$0x40E0];
	v9 =	vadd.f32 v9, v14  }
0x9d: {  	v21 =	vld [tilespmem:s17+$0x40F0];
	v17 =	vadd.f32 v17, v22  }
0x9e: {  	[tilespmem:s18+$0xC0] =	vst v18;
	v19 =	vld [tilespmem:s16+$0x8080];
	v12 =	vsub.f32 v9, v12  }
0x9f: {  	[tilespmem:s18+$0xD0] =	vst v20;
	v15 =	vadd.f32 v15, v17  }
0xa0: {  	s9 =	sor.u32 $0x30, s14;
	[tilespmem:s18+$0xE0] =	vst v14;
	v14 =	vld [tilespmem:s16+$0x8090];
	v12 =	vmul.f32 $2.500000000e-01, v12  }
0xa1: {  	s19 =	sor.u32 s9, s10;
	[tilespmem:s18+$0xF0] =	vst v9;
	v18 =	vadd.f32 v13, v15  }
0xa2: {  	v20 =	vld [tilespmem:s16+$0x80A0];
	[tilespmem:s19+$0x0] =	vst v12  }
0xa3: {  	v12 =	vadd.f32 v19, v11;
	v13 =	vadd.f32 v21, v18;
	v19 =	vld [tilespmem:s18+$0x2080]  }
0xa4: {  	v21 =	vld [tilespmem:s16+$0x80B0]  }
0xa5: {  	[tilespmem:s17+$0x40C0] =	vst v17;
	v14 =	vadd.f32 v14, v12;
	v17 =	vsub.f32 v13, v22;
	v22 =	vld [tilespmem:s18+$0x2090]  }
0xa6: {  	[tilespmem:s17+$0x40D0] =	vst v15  }
0xa7: {  	[tilespmem:s17+$0x40E0] =	vst v18;
	v18 =	vld [tilespmem:s18+$0x20A0];
	v15 =	vadd.f32 v20, v14;
	v17 =	vmul.f32 $2.500000000e-01, v17  }
0xa8: {  	s20 =	sor.u32 s7, s15;
	[tilespmem:s17+$0x40F0] =	vst v13;
	v19 =	vadd.f32 v19, v10  }
0xa9: {  	v20 =	vadd.f32 v21, v15;
	[tilespmem:s20+$0x0] =	vst v17;
	v17 =	vld [tilespmem:s18+$0x20B0]  }
0xaa: {  	v21 =	vld [tilespmem:s17+$0x6080];
	v22 =	vadd.f32 v22, v19  }
0xab: {  	[tilespmem:s16+$0x80A0] =	vst v15;
	v15 =	vsub.f32 v20, v11  }
0xac: {  	[tilespmem:s16+$0x8080] =	vst v12;
	v23 =	vld [tilespmem:s17+$0x6090];
	v18 =	vadd.f32 v18, v22  }
0xad: {  	s21 =	sadd.s32 $0x14080, s1;
	[tilespmem:s16+$0x8090] =	vst v14;
	v14 =	vmul.f32 $2.500000000e-01, v15  }
0xae: {  	s22 =	sor.u32 s0, s21;
	[tilespmem:s16+$0x80B0] =	vst v20;
	v12 =	vld [tilespmem:s17+$0x60A0];
	v15 =	vadd.f32 v17, v18  }
0xaf: {  	[tilespmem:s22+$0x0] =	vst v14;
	v17 =	vadd.f32 v21, v16;
	v21 =	vld [tilespmem:s17+$0x60B0]  }
0xb0: {  	[tilespmem:s18+$0x2080] =	vst v19;
	v14 =	vld [tilespmem:s16+$0x80C0];
	v10 =	vsub.f32 v15, v10  }
0xb1: {  	[tilespmem:s18+$0x2090] =	vst v22;
	v19 =	vadd.f32 v23, v17  }
0xb2: {  	s23 =	sadd.s32 $0x11080, s8;
	[tilespmem:s18+$0x20A0] =	vst v18;
	v18 =	vld [tilespmem:s16+$0x80D0];
	v10 =	vmul.f32 $2.500000000e-01, v10  }
0xb3: {  	s24 =	sor.u32 s3, s23;
	[tilespmem:s18+$0x20B0] =	vst v15;
	v12 =	vadd.f32 v12, v19  }
0xb4: {  	v22 =	vld [tilespmem:s16+$0x80E0];
	[tilespmem:s24+$0x0] =	vst v10  }
0xb5: {  	v14 =	vadd.f32 v14, v20;
	v21 =	vadd.f32 v21, v12;
	v10 =	vld [tilespmem:s18+$0x20C0]  }
0xb6: {  	v23 =	vld [tilespmem:s16+$0x80F0]  }
0xb7: {  	[tilespmem:s17+$0x6080] =	vst v17;
	v17 =	vld [tilespmem:s18+$0x20D0];
	v18 =	vadd.f32 v18, v14;
	v16 =	vsub.f32 v21, v16  }
0xb8: {  	[tilespmem:s17+$0x6090] =	vst v19  }
0xb9: {  	s25 =	sadd.s32 $0x13080, s5;
	[tilespmem:s17+$0x60A0] =	vst v12;
	v19 =	vadd.f32 v22, v18;
	v12 =	vmul.f32 $2.500000000e-01, v16;
	v16 =	vld [tilespmem:s18+$0x20E0]  }
0xba: {  	s26 =	sor.u32 s4, s25;
	[tilespmem:s17+$0x60B0] =	vst v21;
	v22 =	vadd.f32 v10, v15  }
0xbb: {  	v10 =	vadd.f32 v23, v19;
	[tilespmem:s26+$0x0] =	vst v12;
	v12 =	vld [tilespmem:s18+$0x20F0]  }
0xbc: {  	v23 =	vld [tilespmem:s17+$0x60C0];
	v17 =	vadd.f32 v17, v22  }
0xbd: {  	[tilespmem:s16+$0x80C0] =	vst v14;
	v14 =	vsub.f32 v10, v20  }
0xbe: {  	[tilespmem:s16+$0x80D0] =	vst v18;
	v20 =	vld [tilespmem:s17+$0x60D0];
	v16 =	vadd.f32 v16, v17  }
0xbf: {  	[tilespmem:s16+$0x80E0] =	vst v19;
	v14 =	vmul.f32 $2.500000000e-01, v14  }
0xc0: {  	s6 =	sor.u32 s2, s21;
	[tilespmem:s16+$0x80F0] =	vst v10;
	v19 =	vld [tilespmem:s17+$0x60E0];
	v12 =	vadd.f32 v12, v16  }
0xc1: {  	v18 =	vld [tilespmem:s17+$0x60F0];
	[tilespmem:s6+$0x0] =	vst v14;
	v23 =	vadd.f32 v23, v21  }
0xc2: {  	[tilespmem:s18+$0x20C0] =	vst v22;
	v22 =	vld [tilespmem:s16+$0xA080];
	v14 =	vsub.f32 v12, v15  }
0xc3: {  	[tilespmem:s18+$0x20D0] =	vst v17;
	v20 =	vadd.f32 v20, v23  }
0xc4: {  	[tilespmem:s18+$0x20E0] =	vst v16;
	v17 =	vld [tilespmem:s16+$0xA090];
	v14 =	vmul.f32 $2.500000000e-01, v14  }
0xc5: {  	s13 =	sor.u32 s9, s23;
	[tilespmem:s18+$0x20F0] =	vst v12;
	v19 =	vadd.f32 v19, v20  }
0xc6: {  	[tilespmem:s13+$0x0] =	vst v14;
	v14 =	vld [tilespmem:s16+$0xA0A0]  }
0xc7: {  	v15 =	vadd.f32 v18, v19;
	v16 =	vld [tilespmem:s18+$0x4080];
	v18 =	vadd.f32 v22, v11  }
0xc8: {  	v22 =	vld [tilespmem:s16+$0xA0B0]  }
0xc9: {  	[tilespmem:s17+$0x60D0] =	vst v20;
	v20 =	vsub.f32 v15, v21;
	v21 =	vld [tilespmem:s18+$0x4090];
	v17 =	vadd.f32 v17, v18  }
0xca: {  	[tilespmem:s17+$0x60C0] =	vst v23  }
0xcb: {  	[tilespmem:s17+$0x60E0] =	vst v19;
	v19 =	vmul.f32 $2.500000000e-01, v20;
	v20 =	vld [tilespmem:s18+$0x40A0];
	v14 =	vadd.f32 v14, v17  }
0xcc: {  	s14 =	sor.u32 s7, s25;
	[tilespmem:s17+$0x60F0] =	vst v15;
	v16 =	vadd.f32 v16, v13  }
0xcd: {  	[tilespmem:s14+$0x0] =	vst v19;
	v19 =	vld [tilespmem:s18+$0x40B0];
	v22 =	vadd.f32 v22, v14  }
0xce: {  	s19 =	simm.s32 $0x180;
	[tilespmem:s16+$0xA080] =	vst v18;
	v21 =	vadd.f32 v21, v16  }
0xcf: {  	v18 =	vld [tilespmem:s19+$0x80];
	[tilespmem:s16+$0xA090] =	vst v17;
	v24 =	vsub.f32 v22, v11  }
0xd0: {  	[tilespmem:s16+$0xA0A0] =	vst v14;
	v14 =	vld [tilespmem:s19+$0xA0];
	v17 =	vadd.f32 v20, v21  }
0xd1: {  	s15 =	sadd.s32 $0x15080, s1;
	v20 =	vld [tilespmem:s19+$0x90];
	v24 =	vmul.f32 $2.500000000e-01, v24  }
0xd2: {  	s21 =	sor.u32 s0, s15;
	v23 =	vld [tilespmem:s17+$0x8080];
	[tilespmem:s16+$0xA0B0] =	vst v22;
	v19 =	vadd.f32 v19, v17  }
0xd3: {  	v25 =	vld [tilespmem:s17+$0x8090];
	[tilespmem:s21+$0x0] =	vst v24  }
0xd4: {  	[tilespmem:s18+$0x4080] =	vst v16;
	v16 =	vadd.f32 v18, v9;
	v13 =	vsub.f32 v19, v13;
	v18 =	vld [tilespmem:s16+$0xA0C0]  }
0xd5: {  	[tilespmem:s18+$0x4090] =	vst v21;
	v21 =	vld [tilespmem:s19+$0xB0]  }
0xd6: {  	s22 =	sadd.s32 $0x12080, s8;
	[tilespmem:s18+$0x40A0] =	vst v17;
	v17 =	vld [tilespmem:s16+$0xA0D0];
	v20 =	vadd.f32 v20, v16;
	v13 =	vmul.f32 $2.500000000e-01, v13  }
0xd7: {  	s23 =	sor.u32 s3, s22;
	v26 =	vld [tilespmem:s17+$0x80A0];
	[tilespmem:s18+$0x40B0] =	vst v19  }
0xd8: {  	v23 =	vadd.f32 v23, v10;
	v27 =	vld [tilespmem:s16+$0xA0E0];
	v14 =	vadd.f32 v14, v20;
	[tilespmem:s23+$0x0] =	vst v13  }
0xd9: {  	[tilespmem:s19+$0x80] =	vst v16;
	v13 =	vld [tilespmem:s18+$0x40C0];
	v18 =	vadd.f32 v18, v22  }
0xda: {  	v28 =	vld [tilespmem:s16+$0xA0F0];
	v25 =	vadd.f32 v25, v23;
	[tilespmem:s17+$0x8080] =	vst v23;
	v21 =	vadd.f32 v21, v14  }
0xdb: {  	[tilespmem:s19+$0x90] =	vst v20;
	v20 =	vld [tilespmem:s18+$0x40D0];
	v17 =	vadd.f32 v17, v18  }
0xdc: {  	s24 =	simm.s32 $0xC0;
	s6 =	simm.s32 $0xC0;
	v26 =	vadd.f32 v26, v25;
	[tilespmem:s17+$0x8090] =	vst v25;
	v9 =	vsub.f32 v21, v9  }
0xdd: {  	s13 =	sand.u32 $0x40, s6;
	s21 =	sand.u32 $0xF80, s24;
	[tilespmem:s19+$0xA0] =	vst v14;
	v14 =	vld [tilespmem:s18+$0x40E0];
	v27 =	vadd.f32 v27, v17  }
0xde: {  	s20 =	sor.u32 $0x10, s13;
	s12 =	sadd.s32 $0x10080, s21;
	[tilespmem:s17+$0x80A0] =	vst v26;
	v9 =	vmul.f32 $2.500000000e-01, v9;
	v16 =	vadd.f32 v13, v19  }
0xdf: {  	s14 =	sor.u32 s20, s12;
	v29 =	vld [tilespmem:s18+$0x40F0];
	[tilespmem:s19+$0xB0] =	vst v21;
	v13 =	vadd.f32 v28, v27  }
0xe0: {  	v24 =	vld [tilespmem:s17+$0x80B0];
	[tilespmem:s14+$0x0] =	vst v9;
	v9 =	vadd.f32 v20, v16  }
0xe1: {  	[tilespmem:s16+$0xA0C0] =	vst v18;
	v20 =	vld [tilespmem:s19+$0xC0];
	v22 =	vsub.f32 v13, v22  }
0xe2: {  	[tilespmem:s16+$0xA0E0] =	vst v27;
	v27 =	vadd.f32 v14, v9  }
0xe3: {  	[tilespmem:s16+$0xA0D0] =	vst v17;
	v28 =	vld [tilespmem:s19+$0xD0];
	v17 =	vmul.f32 $2.500000000e-01, v22  }
0xe4: {  	s10 =	sor.u32 s2, s15;
	[tilespmem:s16+$0xA0F0] =	vst v13;
	v14 =	vadd.f32 v29, v27  }
0xe5: {  	v24 =	vadd.f32 v24, v26;
	v18 =	vld [tilespmem:s19+$0xE0];
	[tilespmem:s10+$0x0] =	vst v17  }
0xe6: {  	[tilespmem:s18+$0x40C0] =	vst v16;
	v16 =	vadd.f32 v20, v21;
	v17 =	vsub.f32 v14, v19;
	v19 =	vld [tilespmem:s16+$0xC080]  }
0xe7: {  	[tilespmem:s17+$0x80B0] =	vst v24;
	v20 =	vld [tilespmem:s19+$0xF0]  }
0xe8: {  	[tilespmem:s18+$0x40D0] =	vst v9;
	v22 =	vadd.f32 v28, v16;
	v9 =	vmul.f32 $2.500000000e-01, v17;
	v17 =	vld [tilespmem:s16+$0xC090]  }
0xe9: {  	[tilespmem:s18+$0x40E0] =	vst v27  }
0xea: {  	s25 =	sor.u32 s9, s22;
	[tilespmem:s18+$0x40F0] =	vst v14;
	v26 =	vld [tilespmem:s16+$0xC0A0];
	v18 =	vadd.f32 v18, v22  }
0xeb: {  	v10 =	vsub.f32 v24, v10;
	v25 =	vld [tilespmem:s16+$0xC0B0];
	[tilespmem:s25+$0x0] =	vst v9;
	v19 =	vadd.f32 v19, v11  }
0xec: {  	[tilespmem:s19+$0xC0] =	vst v16;
	v27 =	vld [tilespmem:s18+$0x6080];
	v9 =	vadd.f32 v20, v18  }
0xed: {  	s24 =	sadd.s32 $0x14080, s5;
	v10 =	vmul.f32 $2.500000000e-01, v10;
	[tilespmem:s19+$0xD0] =	vst v22;
	v17 =	vadd.f32 v17, v19  }
0xee: {  	s25 =	sor.u32 s4, s24;
	v20 =	vld [tilespmem:s18+$0x6090];
	[tilespmem:s19+$0xE0] =	vst v18;
	v16 =	vsub.f32 v9, v21  }
0xef: {  	[tilespmem:s25+$0x0] =	vst v10;
	v21 =	vadd.f32 v26, v17  }
0xf0: {  	s15 =	sor.u32 $0x30, s13;
	v18 =	vld [tilespmem:s18+$0x60A0];
	[tilespmem:s19+$0xF0] =	vst v9;
	v16 =	vmul.f32 $2.500000000e-01, v16  }
0xf1: {  	s26 =	sor.u32 s15, s12;
	v23 =	vld [tilespmem:s18+$0x60B0];
	[tilespmem:s16+$0xC080] =	vst v19;
	v22 =	vadd.f32 v27, v15;
	v25 =	vadd.f32 v25, v21  }
0xf2: {  	v26 =	vld [tilespmem:s17+$0x80C0];
	[tilespmem:s26+$0x0] =	vst v16  }
0xf3: {  	[tilespmem:s16+$0xC090] =	vst v17;
	v16 =	vadd.f32 v20, v22;
	v19 =	vld [tilespmem:s19+$0x2080];
	v20 =	vsub.f32 v25, v11  }
0xf4: {  	[tilespmem:s16+$0xC0A0] =	vst v21  }
0xf5: {  	s11 =	sadd.s32 $0x16080, s1;
	v21 =	vld [tilespmem:s19+$0x2090];
	[tilespmem:s18+$0x6080] =	vst v22;
	v18 =	vadd.f32 v18, v16;
	v20 =	vmul.f32 $2.500000000e-01, v20  }
0xf6: {  	s14 =	sor.u32 s0, s11;
	[tilespmem:s16+$0xC0B0] =	vst v25  }
0xf7: {  	v17 =	vadd.f32 v23, v18;
	v23 =	vld [tilespmem:s19+$0x20A0];
	[tilespmem:s14+$0x0] =	vst v20  }
0xf8: {  	[tilespmem:s18+$0x6090] =	vst v16;
	v26 =	vadd.f32 v26, v24;
	v19 =	vadd.f32 v19, v12;
	v20 =	vld [tilespmem:s16+$0xC0C0]  }
0xf9: {  	v16 =	vld [tilespmem:s19+$0x20B0];
	[tilespmem:s18+$0x60A0] =	vst v18;
	v15 =	vsub.f32 v17, v15  }
0xfa: {  	[tilespmem:s17+$0x80C0] =	vst v26;
	v18 =	vadd.f32 v21, v19;
	v21 =	vld [tilespmem:s16+$0xC0D0]  }
0xfb: {  	s22 =	sadd.s32 $0x13080, s8;
	[tilespmem:s18+$0x60B0] =	vst v17;
	v15 =	vmul.f32 $2.500000000e-01, v15  }
0xfc: {  	s23 =	sor.u32 s3, s22;
	v22 =	vld [tilespmem:s16+$0xC0E0];
	[tilespmem:s19+$0x2080] =	vst v19;
	v23 =	vadd.f32 v23, v18  }
0xfd: {  	[tilespmem:s23+$0x0] =	vst v15;
	v19 =	vadd.f32 v20, v25  }
0xfe: {  	[tilespmem:s19+$0x2090] =	vst v18;
	v15 =	vld [tilespmem:s18+$0x60C0];
	v18 =	vadd.f32 v16, v23  }
0xff: {  	v20 =	vld [tilespmem:s16+$0xC0F0];
	[tilespmem:s19+$0x20A0] =	vst v23;
	v21 =	vadd.f32 v21, v19  }
0x100: {  	v16 =	vld [tilespmem:s18+$0x60D0];
	[tilespmem:s19+$0x20B0] =	vst v18;
	v12 =	vsub.f32 v18, v12  }
0x101: {  	[tilespmem:s16+$0xC0C0] =	vst v19;
	v19 =	vld [tilespmem:s17+$0x80D0];
	v10 =	vadd.f32 v22, v21  }
0x102: {  	s12 =	sadd.s32 $0x11080, s21;
	v23 =	vld [tilespmem:s18+$0x60E0];
	[tilespmem:s16+$0xC0D0] =	vst v21;
	v21 =	vmul.f32 $2.500000000e-01, v12  }
0x103: {  	s26 =	sor.u32 s20, s12;
	v15 =	vadd.f32 v15, v17;
	[tilespmem:s16+$0xC0E0] =	vst v10  }
0x104: {  	v22 =	vld [tilespmem:s18+$0x60F0];
	v12 =	vadd.f32 v20, v10;
	[tilespmem:s26+$0x0] =	vst v21  }
0x105: {  	v16 =	vadd.f32 v16, v15;
	v21 =	vld [tilespmem:s19+$0x20C0];
	[tilespmem:s18+$0x60C0] =	vst v15  }
0x106: {  	v10 =	vld [tilespmem:s17+$0x80E0];
	v19 =	vadd.f32 v19, v26;
	v20 =	vsub.f32 v12, v25;
	[tilespmem:s16+$0xC0F0] =	vst v12  }
0x107: {  	v27 =	vld [tilespmem:s19+$0x20D0];
	v23 =	vadd.f32 v23, v16;
	[tilespmem:s18+$0x60D0] =	vst v16  }
0x108: {  	[tilespmem:s17+$0x80D0] =	vst v19;
	v20 =	vmul.f32 $2.500000000e-01, v20  }
0x109: {  	s13 =	sor.u32 s2, s11;
	v25 =	vld [tilespmem:s17+$0x80F0];
	v16 =	vadd.f32 v22, v23;
	[tilespmem:s18+$0x60E0] =	vst v23  }
0x10a: {  	v15 =	vld [tilespmem:s19+$0x20E0];
	[tilespmem:s13+$0x0] =	vst v20;
	v21 =	vadd.f32 v21, v18  }
0x10b: {  	v23 =	vadd.f32 v10, v19;
	v17 =	vsub.f32 v16, v17;
	v20 =	vld [tilespmem:s16+$0xE080];
	[tilespmem:s18+$0x60F0] =	vst v16  }
0x10c: {  	[tilespmem:s19+$0x20C0] =	vst v21;
	v21 =	vadd.f32 v27, v21  }
0x10d: {  	v22 =	vld [tilespmem:s19+$0x20F0];
	[tilespmem:s17+$0x80E0] =	vst v23;
	v10 =	vmul.f32 $2.500000000e-01, v17  }
0x10e: {  	s1 =	sadd.s32 $0x17080, s1;
	s11 =	sor.u32 s9, s22;
	v26 =	vld [tilespmem:s16+$0xE090];
	v17 =	vadd.f32 v25, v23;
	[tilespmem:s19+$0x20D0] =	vst v21  }
0x10f: {  	s2 =	sor.u32 s2, s1;
	s22 =	sadd.s32 $0x15080, s5;
	v25 =	vld [tilespmem:s16+$0xE0A0];
	v21 =	vadd.f32 v15, v21;
	[tilespmem:s11+$0x0] =	vst v10  }
0x110: {  	s0 =	sor.u32 s0, s1;
	s1 =	sor.u32 s7, s22;
	s25 =	sadd.s32 $0x16080, s5;
	[tilespmem:s17+$0x80F0] =	vst v17;
	v24 =	vsub.f32 v17, v24;
	v15 =	vadd.f32 v20, v11;
	v20 =	vld [tilespmem:s16+$0xE0B0]  }
0x111: {  	s26 =	sor.u32 s4, s25;
	v27 =	vld [tilespmem:s18+$0x8080];
	[dreg:$0x9] =	wrdreg s1  }
0x112: {  	[dreg:$0x7] =	wrdreg s26;
	v19 =	vmul.f32 $2.500000000e-01, v24  }
0x113: {  	s24 =	sor.u32 s7, s24;
	s13 =	sadd.s32 $0x14080, s8;
	v10 =	vadd.f32 v22, v21;
	v23 =	vadd.f32 v26, v15;
	[tilespmem:s16+$0xE080] =	vst v15  }
0x114: {  	s23 =	sor.u32 s4, s22;
	s22 =	sor.u32 s3, s13;
	v22 =	vld [tilespmem:s18+$0x8090];
	[tilespmem:s24+$0x0] =	vst v19  }
0x115: {  	v18 =	vsub.f32 v10, v18;
	v24 =	vadd.f32 v25, v23;
	v25 =	vld [tilespmem:s18+$0x80A0];
	[dreg:$0xa] =	wrdreg s22  }
0x116: {  	s24 =	sadd.s32 $0x15080, s8;
	[tilespmem:s19+$0x20F0] =	vst v10  }
0x117: {  	s5 =	sadd.s32 $0x17080, s5;
	s30 =	sor.u32 s7, s25;
	v19 =	vmul.f32 $2.500000000e-01, v18;
	s1 =	sor.u32 s9, s24;
	v26 =	vld [tilespmem:s17+$0xA080];
	[tilespmem:s19+$0x20E0] =	vst v21  }
0x118: {  	s25 =	sor.u32 s15, s12;
	s26 =	sadd.s32 $0x16080, s8;
	v18 =	vadd.f32 v27, v17;
	v15 =	vadd.f32 v20, v24;
	v20 =	vld [tilespmem:s18+$0x80B0];
	[dreg:$0x8] =	wrdreg s1  }
0x119: {  	s10 =	sor.u32 s4, s5;
	s14 =	sor.u32 s7, s5;
	s5 =	sor.u32 s3, s26;
	[tilespmem:s25+$0x0] =	vst v19  }
0x11a: {  	v27 =	vld [tilespmem:s17+$0xA090];
	v21 =	vadd.f32 v22, v18;
	[dreg:$0x5] =	wrdreg s5  }
0x11b: {  	s12 =	sadd.s32 $0x12080, s21;
	v11 =	vsub.f32 v15, v11;
	[tilespmem:s16+$0xE0B0] =	vst v15  }
0x11c: {  	s13 =	sor.u32 s9, s13;
	s28 =	sor.u32 s9, s26;
	s26 =	sadd.s32 $0x14080, s21;
	v19 =	vld [tilespmem:s19+$0x4080];
	[tilespmem:s16+$0xE0A0] =	vst v24;
	v29 =	vadd.f32 v25, v21  }
0x11d: {  	s31 =	sor.u32 s20, s26;
	s8 =	sadd.s32 $0x17080, s8;
	s11 =	sor.u32 s3, s24;
	v28 =	vld [tilespmem:s17+$0xA0A0];
	[tilespmem:s16+$0xE090] =	vst v23;
	v11 =	vmul.f32 $2.500000000e-01, v11  }
0x11e: {  	s24 =	sadd.s32 $0x13080, s21;
	s1 =	sor.u32 s3, s8;
	s3 =	sadd.s32 $0x15080, s21;
	v22 =	vld [tilespmem:s17+$0xA0B0];
	[tilespmem:s18+$0x80A0] =	vst v29  }
0x11f: {  	s22 =	sor.u32 s20, s12;
	s12 =	sor.u32 s15, s12;
	s7 =	sor.u32 s15, s3;
	v24 =	vld [tilespmem:s19+$0x4090];
	v26 =	vadd.f32 v26, v13;
	[tilespmem:s0+$0x0] =	vst v11  }
0x120: {  	s5 =	sor.u32 s9, s8;
	s8 =	sadd.s32 $0x16080, s21;
	v25 =	vld [tilespmem:s19+$0x40A0];
	[dreg:$0x6] =	wrdreg s7  }
0x121: {  	s29 =	sor.u32 s15, s24;
	s9 =	sor.u32 s15, s26;
	s26 =	sor.u32 s20, s8;
	v23 =	vadd.f32 v27, v26;
	[tilespmem:s17+$0xA080] =	vst v26  }
0x122: {  	s25 =	sor.u32 s20, s24;
	s21 =	sadd.s32 $0x17080, s21;
	v27 =	vadd.f32 v19, v14;
	v19 =	vld [tilespmem:s16+$0xE0C0];
	[dreg:$0x4] =	wrdreg s26  }
0x123: {  	s24 =	sor.u32 s20, s3;
	s8 =	sor.u32 s15, s8;
	s0 =	sor.u32 s20, s21;
	v26 =	vld [tilespmem:s19+$0x40B0];
	[tilespmem:s17+$0xA090] =	vst v23  }
0x124: {  	v11 =	vadd.f32 v20, v29;
	s20 =	simm.s32 $0x800;
	s7 =	sor.u32 s15, s21;
	s21 =	simm.s32 $0x300;
	v23 =	vadd.f32 v28, v23;
	[tilespmem:s19+$0x4080] =	vst v27;
	v20 =	vld [tilespmem:s16+$0xE0D0]  }
.LBB2_5:
0x125: {  	_ = 	snop  }
0x126: {  	[tilespmem:s18+$0x80B0] =	vst v11  }
0x127: {  	s15 =	sshra.s32 s20, $0x2;
	v24 =	vadd.f32 v24, v27;
	v22 =	vadd.f32 v22, v23;
	v27 =	vld [tilespmem:s16+$0xE0E0]  }
0x128: {  	v28 =	vld [tilespmem:s15+$0x80];
	[tilespmem:s18+$0x8090] =	vst v21  }
0x129: {  	[tilespmem:s17+$0xA0B0] =	vst v22  }
0x12a: {  	v21 =	vadd.f32 v25, v24;
	v13 =	vsub.f32 v22, v13;
	v25 =	vld [tilespmem:s16+$0xE0F0]  }
0x12b: {  	v19 =	vadd.f32 v19, v15;
	v29 =	vld [tilespmem:s15+$0x90];
	[tilespmem:s19+$0x4090] =	vst v24  }
0x12c: {  	v24 =	vadd.f32 v26, v21;
	[tilespmem:s17+$0xA0A0] =	vst v23;
	v13 =	vmul.f32 $2.500000000e-01, v13  }
0x12d: {  	[dreg:$0x13] =	wrdreg s13;
	v23 =	vld [tilespmem:s15+$0xA0];
	[tilespmem:s16+$0xE0C0] =	vst v19;
	v19 =	vadd.f32 v20, v19  }
0x12e: {  	[dreg:$0x12] =	wrdreg s9;
	v14 =	vsub.f32 v24, v14;
	v26 =	vld [tilespmem:s15+$0xB0];
	[tilespmem:s23+$0x0] =	vst v13  }
0x12f: {  	[dreg:$0xd] =	wrdreg s1;
	v13 =	vld [tilespmem:s17+$0xA0C0];
	[tilespmem:s16+$0xE0D0] =	vst v19  }
0x130: {  	[dreg:$0xc] =	wrdreg s10;
	v20 =	vadd.f32 v28, v9;
	v27 =	vadd.f32 v27, v19;
	v14 =	vmul.f32 $2.500000000e-01, v14;
	[tilespmem:s19+$0x40A0] =	vst v21  }
0x131: {  	[dreg:$0xb] =	wrdreg s0;
	v21 =	vld [tilespmem:s17+$0xA0D0];
	[tilespmem:s19+$0x40B0] =	vst v24  }
0x132: {  	s26 =	smov.u32 s24;
	s21 =	sadd.s32 $0x100, s21;
	s6 =	sadd.s32 $0x40, s6;
	v28 =	vadd.f32 v29, v20;
	v19 =	vadd.f32 v25, v27;
	v29 =	vld [tilespmem:s17+$0xA0E0];
	[tilespmem:s22+$0x0] =	vst v14  }
0x133: {  	s10 =	smov.u32 s14;
	s1 =	sshrl.u32 s21, $0x2;
	s4 =	sand.u32 $0x40, s6;
	v14 =	vld [tilespmem:s17+$0xA0F0]  }
0x134: {  	[dreg:$0xf] =	wrdreg s26;
	s24 =	sand.u32 $0xF80, s1;
	s14 =	sor.u32 $0x10, s4;
	v23 =	vadd.f32 v23, v28;
	v25 =	vld [tilespmem:s19+$0x40C0];
	[tilespmem:s16+$0xE0F0] =	vst v19  }
0x135: {  	s1 =	sor.u32 $0x30, s4;
	s0 =	sadd.s32 $0x10080, s24;
	s3 =	sadd.s32 $0x11080, s24;
	v15 =	vsub.f32 v19, v15;
	[tilespmem:s16+$0xE0E0] =	vst v27  }
0x136: {  	s16 =	smov.u32 s17;
	s17 =	smov.u32 s18;
	s18 =	smov.u32 s19;
	v26 =	vadd.f32 v26, v23;
	v30 =	vadd.f32 v13, v22;
	[tilespmem:s15+$0x90] =	vst v28  }
0x137: {  	s13 =	sadd.s32 $0x13080, s24;
	s4 =	sor.u32 s1, s3;
	s19 =	smov.u32 s15;
	v13 =	vld [tilespmem:s18+$0x40D0];
	v15 =	vmul.f32 $2.500000000e-01, v15  }
0x138: {  	s9 =	sadd.s32 $0x12080, s24;
	s26 =	sor.u32 s1, s13;
	[dreg:$0x10] =	wrdreg s4;
	[tilespmem:s19+$0xA0] =	vst v23;
	v9 =	vsub.f32 v26, v9;
	v21 =	vadd.f32 v21, v30  }
0x139: {  	s23 =	smov.u32 s11;
	s11 =	smov.u32 s28;
	s15 =	sadd.s32 $0x14080, s24;
	v23 =	vld [tilespmem:s18+$0x40E0];
	[tilespmem:s2+$0x0] =	vst v15  }
0x13a: {  	s28 =	sor.u32 s14, s3;
	s3 =	smov.u32 s31;
	s4 =	sor.u32 s1, s15;
	[tilespmem:s19+$0x80] =	vst v20;
	v9 =	vmul.f32 $2.500000000e-01, v9;
	v15 =	vadd.f32 v25, v24;
	v20 =	vadd.f32 v29, v21  }
0x13b: {  	[dreg:$0x14] =	wrdreg s4;
	s4 =	sadd.s32 $0x15080, s24;
	s2 =	sor.u32 s14, s0;
	[tilespmem:s19+$0xB0] =	vst v26  }
0x13c: {  	s31 =	sor.u32 s14, s13;
	[dreg:$0xe] =	wrdreg s23;
	s23 =	sor.u32 s14, s4;
	v25 =	vld [tilespmem:s18+$0x40F0];
	[tilespmem:s2+$0x0] =	vst v9;
	v9 =	vadd.f32 v13, v15;
	v13 =	vadd.f32 v14, v20  }
0x13d: {  	s13 =	smov.u32 s29;
	s29 =	sadd.s32 $0x16080, s24;
	[dreg:$0x11] =	wrdreg s23;
	v27 =	vld [tilespmem:s19+$0xC0];
	[tilespmem:s16+$0xA0E0] =	vst v20  }
0x13e: {  	s23 =	smov.u32 s8;
	s8 =	smov.u32 s7;
	s7 =	sadd.s32 $0x17080, s24;
	v20 =	vld [tilespmem:s19+$0xE0];
	[tilespmem:s16+$0xA0F0] =	vst v13;
	v22 =	vsub.f32 v13, v22  }
0x13f: {  	s22 =	sor.u32 s14, s9;
	s24 =	sor.u32 s14, s7;
	s2 =	sor.u32 s1, s9;
	v23 =	vadd.f32 v23, v9;
	v28 =	vld [tilespmem:s19+$0xD0];
	[tilespmem:s16+$0xA0D0] =	vst v21  }
0x140: {  	s9 =	smov.u32 s30;
	s30 =	sor.u32 s14, s15;
	s15 =	smov.u32 s5;
	[tilespmem:s16+$0xA0C0] =	vst v30;
	v21 =	vmul.f32 $2.500000000e-01, v22  }
0x141: {  	s5 =	sor.u32 s1, s4;
	s4 =	sor.u32 s14, s29;
	s14 =	rddreg [dreg:$0x9];
	v14 =	vadd.f32 v25, v23;
	[tilespmem:s18+$0x40C0] =	vst v15  }
0x142: {  	v22 =	vld [tilespmem:s19+$0xF0];
	[tilespmem:s14+$0x0] =	vst v21  }
0x143: {  	v24 =	vsub.f32 v14, v24;
	[tilespmem:s18+$0x40D0] =	vst v9  }
0x144: {  	v15 =	vadd.f32 v27, v26;
	v21 =	vld [tilespmem:s16+$0xC080]  }
0x145: {  	[tilespmem:s18+$0x40E0] =	vst v23;
	v9 =	vmul.f32 $2.500000000e-01, v24  }
0x146: {  	v25 =	vadd.f32 v28, v15;
	v23 =	vld [tilespmem:s16+$0xC090];
	[tilespmem:s18+$0x40F0] =	vst v14  }
0x147: {  	v24 =	vld [tilespmem:s16+$0xC0A0];
	[tilespmem:s12+$0x0] =	vst v9  }
0x148: {  	v20 =	vadd.f32 v20, v25;
	v27 =	vld [tilespmem:s16+$0xC0B0]  }
0x149: {  	v28 =	vld [tilespmem:s18+$0x6080];
	[tilespmem:s17+$0x8080] =	vst v18;
	v18 =	vadd.f32 v21, v12  }
0x14a: {  	v9 =	vadd.f32 v22, v20;
	[tilespmem:s19+$0xC0] =	vst v15  }
0x14b: {  	v15 =	vld [tilespmem:s18+$0x6090];
	[tilespmem:s16+$0xC080] =	vst v18  }
0x14c: {  	v21 =	vsub.f32 v9, v26;
	v18 =	vadd.f32 v23, v18;
	[tilespmem:s19+$0xE0] =	vst v20  }
0x14d: {  	v20 =	vld [tilespmem:s18+$0x60A0];
	[tilespmem:s19+$0xD0] =	vst v25  }
0x14e: {  	v21 =	vmul.f32 $2.500000000e-01, v21;
	v22 =	vadd.f32 v28, v16;
	v23 =	vadd.f32 v24, v18;
	[tilespmem:s19+$0xF0] =	vst v9  }
0x14f: {  	s0 =	sor.u32 s1, s0;
	v24 =	vld [tilespmem:s18+$0x60B0]  }
0x150: {  	s29 =	sor.u32 s1, s29;
	s1 =	sor.u32 s1, s7;
	s7 =	rddreg [dreg:$0x8];
	[tilespmem:s0+$0x0] =	vst v21;
	v15 =	vadd.f32 v15, v22;
	v21 =	vadd.f32 v27, v23  }
0x151: {  	s14 =	smov.u32 s7;
	s7 =	rddreg [dreg:$0x6];
	v25 =	vld [tilespmem:s19+$0x2080];
	[tilespmem:s16+$0xC0A0] =	vst v23  }
0x152: {  	[dreg:$0x9] =	wrdreg s14;
	s14 =	smov.u32 s7;
	v23 =	vld [tilespmem:s19+$0x2090];
	[tilespmem:s16+$0xC090] =	vst v18;
	v12 =	vsub.f32 v21, v12;
	v20 =	vadd.f32 v20, v15  }
0x153: {  	[dreg:$0x8] =	wrdreg s14;
	s14 =	smov.u32 s5;
	[tilespmem:s16+$0xC0B0] =	vst v21  }
0x154: {  	[dreg:$0x6] =	wrdreg s14;
	v18 =	vld [tilespmem:s19+$0x20A0];
	[tilespmem:s18+$0x6080] =	vst v22;
	v12 =	vmul.f32 $2.500000000e-01, v12;
	v22 =	vadd.f32 v24, v20  }
0x155: {  	s14 =	smov.u32 s15;
	s15 =	rddreg [dreg:$0x7];
	[tilespmem:s18+$0x6090] =	vst v15  }
0x156: {  	v15 =	vadd.f32 v25, v10;
	v24 =	vld [tilespmem:s19+$0x20B0];
	[tilespmem:s15+$0x0] =	vst v12;
	v16 =	vsub.f32 v22, v16  }
0x157: {  	[tilespmem:s18+$0x60A0] =	vst v20  }
0x158: {  	v12 =	vld [tilespmem:s16+$0xC0C0];
	[tilespmem:s19+$0x2080] =	vst v15;
	v15 =	vadd.f32 v23, v15;
	v16 =	vmul.f32 $2.500000000e-01, v16  }
0x159: {  	v20 =	vld [tilespmem:s16+$0xC0D0];
	[tilespmem:s18+$0x60B0] =	vst v22  }
0x15a: {  	v23 =	vld [tilespmem:s16+$0xC0E0];
	v18 =	vadd.f32 v18, v15;
	[tilespmem:s25+$0x0] =	vst v16  }
0x15b: {  	v16 =	vld [tilespmem:s16+$0xC0F0];
	[tilespmem:s19+$0x2090] =	vst v15  }
0x15c: {  	v17 =	vsub.f32 v11, v17;
	v15 =	vld [tilespmem:s18+$0x60C0];
	[tilespmem:s19+$0x20A0] =	vst v18;
	v18 =	vadd.f32 v24, v18  }
0x15d: {  	v12 =	vadd.f32 v12, v21  }
0x15e: {  	v17 =	vmul.f32 $2.500000000e-01, v17;
	s12 =	smov.u32 s2;
	s2 =	smov.u32 s10;
	s10 =	rddreg [dreg:$0x4];
	v24 =	vld [tilespmem:s18+$0x60D0];
	[tilespmem:s19+$0x20B0] =	vst v18  }
0x15f: {  	s15 =	smov.u32 s10;
	s10 =	rddreg [dreg:$0xa];
	v20 =	vadd.f32 v20, v12;
	v25 =	vld [tilespmem:s18+$0x60F0]  }
0x160: {  	v10 =	vsub.f32 v18, v10;
	v26 =	vld [tilespmem:s18+$0x60E0];
	[tilespmem:s10+$0x0] =	vst v17  }
0x161: {  	v17 =	vld [tilespmem:s17+$0x80C0];
	[tilespmem:s16+$0xC0D0] =	vst v20;
	v20 =	vadd.f32 v23, v20  }
0x162: {  	v10 =	vmul.f32 $2.500000000e-01, v10;
	v23 =	vld [tilespmem:s17+$0x80D0];
	[tilespmem:s16+$0xC0C0] =	vst v12  }
0x163: {  	v15 =	vadd.f32 v15, v22;
	v27 =	vld [tilespmem:s17+$0x80E0];
	[tilespmem:s16+$0xC0E0] =	vst v20  }
0x164: {  	v12 =	vadd.f32 v16, v20;
	[tilespmem:s28+$0x0] =	vst v10  }
0x165: {  	v24 =	vadd.f32 v24, v15;
	v10 =	vld [tilespmem:s17+$0x80F0]  }
0x166: {  	v20 =	vld [tilespmem:s19+$0x20C0];
	[tilespmem:s16+$0xC0F0] =	vst v12;
	v21 =	vsub.f32 v12, v21  }
0x167: {  	v26 =	vadd.f32 v26, v24;
	[tilespmem:s18+$0x60D0] =	vst v24;
	v17 =	vadd.f32 v17, v11  }
0x168: {  	v24 =	vld [tilespmem:s19+$0x20D0];
	[tilespmem:s18+$0x60C0] =	vst v15;
	v15 =	vmul.f32 $2.500000000e-01, v21  }
0x169: {  	v16 =	vadd.f32 v25, v26;
	[tilespmem:s17+$0x80C0] =	vst v17  }
0x16a: {  	v21 =	vadd.f32 v23, v17;
	v23 =	vld [tilespmem:s19+$0x20E0];
	[tilespmem:s9+$0x0] =	vst v15  }
0x16b: {  	v17 =	vsub.f32 v16, v22;
	[tilespmem:s18+$0x60E0] =	vst v26  }
0x16c: {  	v15 =	vadd.f32 v20, v18;
	v22 =	vld [tilespmem:s16+$0xE080]  }
0x16d: {  	v25 =	vld [tilespmem:s19+$0x20F0];
	[tilespmem:s18+$0x60F0] =	vst v16;
	v26 =	vmul.f32 $2.500000000e-01, v17  }
0x16e: {  	v20 =	vadd.f32 v27, v21;
	[tilespmem:s19+$0x20C0] =	vst v15;
	v15 =	vadd.f32 v24, v15  }
0x16f: {  	v24 =	vld [tilespmem:s16+$0xE090];
	[tilespmem:s13+$0x0] =	vst v26  }
0x170: {  	v17 =	vadd.f32 v10, v20;
	v26 =	vld [tilespmem:s16+$0xE0A0];
	[tilespmem:s19+$0x20D0] =	vst v15  }
0x171: {  	s7 =	smov.u32 s1;
	s1 =	rddreg [dreg:$0x5];
	v15 =	vadd.f32 v23, v15;
	v23 =	vld [tilespmem:s16+$0xE0B0]  }
0x172: {  	s5 =	smov.u32 s8;
	s8 =	smov.u32 s1;
	v11 =	vsub.f32 v17, v11;
	v27 =	vld [tilespmem:s18+$0x8080];
	[tilespmem:s17+$0x80F0] =	vst v17  }
0x173: {  	[dreg:$0x7] =	wrdreg s8;
	s8 =	smov.u32 s4;
	v22 =	vadd.f32 v22, v19;
	[tilespmem:s17+$0x80E0] =	vst v20;
	v10 =	vadd.f32 v25, v15  }
0x174: {  	[dreg:$0x4] =	wrdreg s8;
	v11 =	vmul.f32 $2.500000000e-01, v11;
	v20 =	vld [tilespmem:s18+$0x8090];
	[tilespmem:s17+$0x80D0] =	vst v21  }
0x175: {  	s8 =	smov.u32 s29;
	s29 =	smov.u32 s26;
	s26 =	rddreg [dreg:$0x13];
	v24 =	vadd.f32 v24, v22;
	v28 =	vld [tilespmem:s18+$0x80B0];
	[tilespmem:s16+$0xE080] =	vst v22;
	v18 =	vsub.f32 v10, v18  }
0x176: {  	v22 =	vld [tilespmem:s18+$0x80A0];
	[tilespmem:s26+$0x0] =	vst v11  }
0x177: {  	v11 =	vadd.f32 v26, v24;
	[tilespmem:s19+$0x20F0] =	vst v10;
	v21 =	vmul.f32 $2.500000000e-01, v18  }
0x178: {  	s4 =	rddreg [dreg:$0x10];
	v18 =	vadd.f32 v27, v17;
	v25 =	vld [tilespmem:s17+$0xA080];
	[tilespmem:s19+$0x20E0] =	vst v15  }
0x179: {  	v26 =	vld [tilespmem:s17+$0xA090];
	v15 =	vadd.f32 v23, v11;
	[tilespmem:s4+$0x0] =	vst v21  }
0x17a: {  	s1 =	rddreg [dreg:$0x12];
	v21 =	vadd.f32 v20, v18;
	v20 =	vld [tilespmem:s17+$0xA0A0]  }
0x17b: {  	s0 =	smov.u32 s24;
	s24 =	rddreg [dreg:$0x11];
	v23 =	vld [tilespmem:s19+$0x4080];
	[tilespmem:s16+$0xE0B0] =	vst v15;
	v19 =	vsub.f32 v15, v19  }
0x17c: {  	[dreg:$0x5] =	wrdreg s15;
	v29 =	vadd.f32 v22, v21;
	v22 =	vld [tilespmem:s17+$0xA0B0];
	[tilespmem:s16+$0xE0A0] =	vst v11  }
0x17d: {  	s15 =	smov.u32 s3;
	s3 =	rddreg [dreg:$0x14];
	[tilespmem:s16+$0xE090] =	vst v24;
	v19 =	vmul.f32 $2.500000000e-01, v19  }
0x17e: {  	s10 =	rddreg [dreg:$0xc];
	v11 =	vadd.f32 v25, v13;
	v24 =	vld [tilespmem:s19+$0x4090];
	[tilespmem:s18+$0x80A0] =	vst v29  }
0x17f: {  	p0 =	sne.s32 s20, $0x7E00;
	[dreg:$0xa] =	wrdreg s15;
	v25 =	vld [tilespmem:s19+$0x40A0];
	[tilespmem:s10+$0x0] =	vst v19  }
.Ltmp1:
0x180: {  	s15 =	rddreg [dreg:$0xd];
	s25 =	smov.u32 s31;
	v63 =	vadd.f32 v26, v11;
	[tilespmem:s17+$0xA080] =	vst v11;
	(pc) =	sbr.rel @p0 .LBB2_5-.Ltmp1, $4  }
0x181: {  	s31 =	smov.u32 s30;
	s30 =	smov.u32 s11;
	s11 =	rddreg [dreg:$0xf];
	v27 =	vadd.f32 v23, v14;
	v19 =	vld [tilespmem:s16+$0xE0C0]  }
0x182: {  	s28 =	smov.u32 s23;
	s23 =	rddreg [dreg:$0xe];
	v26 =	vld [tilespmem:s19+$0x40B0];
	[tilespmem:s17+$0xA090] =	vst v63  }
0x183: {  	s20 =	sadd.s32 $0x200, s20;
	s9 =	smov.u32 s3;
	s26 =	rddreg [dreg:$0xb];
	[tilespmem:s19+$0x4080] =	vst v27  }
0x184: {  	s13 =	smov.u32 s1;
	s1 =	smov.u32 s26;
	s10 =	smov.u32 s15;
	v11 =	vadd.f32 v28, v29;
	v23 =	vadd.f32 v20, v63;
	v20 =	vld [tilespmem:s16+$0xE0D0]  }
0x185: {  	v24 =	vadd.f32 v24, v27;
	_ =	sdelay $0x1  }
0x186: {  	v25 =	vadd.f32 v25, v24;
	_ =	sdelay $0x1  }
0x187: {  	v26 =	vadd.f32 v26, v25;
	_ =	sdelay $0x1  }
0x188: {  	v14 =	vsub.f32 v26, v14  }
0x189: {  	[tilespmem:s19+$0x4090] =	vst v24  }
0x18a: {  	[tilespmem:s19+$0x40A0] =	vst v25;
	v14 =	vmul.f32 $2.500000000e-01, v14  }
0x18b: {  	[tilespmem:s19+$0x40B0] =	vst v26  }
0x18c: {  	[tilespmem:s22+$0x0] =	vst v14  }
0x18d: {  	v14 =	vld [tilespmem:s19+$0x40C0];
	_ =	sdelay $0x1  }
0x18e: {  	v24 =	vld [tilespmem:s19+$0x40D0];
	_ =	sdelay $0x1  }
0x18f: {  	v25 =	vld [tilespmem:s19+$0x40E0]  }
0x190: {  	v27 =	vadd.f32 v14, v26  }
0x191: {  	v14 =	vld [tilespmem:s19+$0x40F0]  }
0x192: {  	v24 =	vadd.f32 v24, v27;
	_ =	sdelay $0x1  }
0x193: {  	v25 =	vadd.f32 v25, v24;
	_ =	sdelay $0x1  }
0x194: {  	v14 =	vadd.f32 v14, v25;
	_ =	sdelay $0x1  }
0x195: {  	[tilespmem:s19+$0x40C0] =	vst v27;
	v26 =	vsub.f32 v14, v26  }
0x196: {  	[tilespmem:s19+$0x40D0] =	vst v24  }
0x197: {  	[tilespmem:s19+$0x40E0] =	vst v25;
	v24 =	vmul.f32 $2.500000000e-01, v26  }
0x198: {  	[tilespmem:s19+$0x40F0] =	vst v14  }
0x199: {  	[tilespmem:s12+$0x0] =	vst v24  }
0x19a: {  	v24 =	vld [tilespmem:s19+$0x6080];
	_ =	sdelay $0x1  }
0x19b: {  	v25 =	vld [tilespmem:s19+$0x6090];
	_ =	sdelay $0x1  }
0x19c: {  	v26 =	vld [tilespmem:s19+$0x60A0]  }
0x19d: {  	v24 =	vadd.f32 v24, v16  }
0x19e: {  	v27 =	vld [tilespmem:s19+$0x60B0]  }
0x19f: {  	v25 =	vadd.f32 v25, v24;
	_ =	sdelay $0x1  }
0x1a0: {  	v26 =	vadd.f32 v26, v25;
	_ =	sdelay $0x1  }
0x1a1: {  	v27 =	vadd.f32 v27, v26;
	_ =	sdelay $0x1  }
0x1a2: {  	[tilespmem:s19+$0x6080] =	vst v24;
	v16 =	vsub.f32 v27, v16  }
0x1a3: {  	[tilespmem:s19+$0x6090] =	vst v25  }
0x1a4: {  	[tilespmem:s19+$0x60A0] =	vst v26;
	v16 =	vmul.f32 $2.500000000e-01, v16  }
0x1a5: {  	[tilespmem:s19+$0x60B0] =	vst v27  }
0x1a6: {  	[tilespmem:s25+$0x0] =	vst v16  }
0x1a7: {  	v16 =	vld [tilespmem:s19+$0x60C0];
	_ =	sdelay $0x1  }
0x1a8: {  	v24 =	vld [tilespmem:s19+$0x60D0];
	_ =	sdelay $0x1  }
0x1a9: {  	v25 =	vld [tilespmem:s19+$0x60E0]  }
0x1aa: {  	v26 =	vadd.f32 v16, v27  }
0x1ab: {  	[tilespmem:s18+$0x8090] =	vst v21;
	v17 =	vsub.f32 v11, v17;
	v16 =	vld [tilespmem:s19+$0x60F0]  }
0x1ac: {  	[tilespmem:s18+$0x8080] =	vst v18;
	v24 =	vadd.f32 v24, v26  }
0x1ad: {  	[tilespmem:s18+$0x80B0] =	vst v11;
	v17 =	vmul.f32 $2.500000000e-01, v17  }
0x1ae: {  	s3 =	rddreg [dreg:$0xa];
	v21 =	vadd.f32 v25, v24  }
0x1af: {  	v22 =	vadd.f32 v22, v23;
	[tilespmem:s3+$0x0] =	vst v17  }
0x1b0: {  	v17 =	vld [tilespmem:s18+$0x80C0];
	v16 =	vadd.f32 v16, v21  }
0x1b1: {  	[tilespmem:s17+$0xA0B0] =	vst v22  }
0x1b2: {  	[tilespmem:s19+$0x60D0] =	vst v24;
	v24 =	vld [tilespmem:s18+$0x80D0];
	v18 =	vsub.f32 v16, v27  }
0x1b3: {  	[tilespmem:s19+$0x60C0] =	vst v26  }
0x1b4: {  	v13 =	vsub.f32 v22, v13;
	[tilespmem:s19+$0x60E0] =	vst v21;
	v21 =	vld [tilespmem:s18+$0x80E0];
	v18 =	vmul.f32 $2.500000000e-01, v18  }
0x1b5: {  	v17 =	vadd.f32 v17, v11;
	[tilespmem:s19+$0x60F0] =	vst v16  }
0x1b6: {  	v13 =	vmul.f32 $2.500000000e-01, v13;
	[tilespmem:s29+$0x0] =	vst v18;
	v18 =	vld [tilespmem:s18+$0x80F0]  }
0x1b7: {  	[tilespmem:s17+$0xA0A0] =	vst v23;
	v23 =	vadd.f32 v24, v17  }
0x1b8: {  	[tilespmem:s23+$0x0] =	vst v13;
	v13 =	vld [tilespmem:s19+$0x8080]  }
0x1b9: {  	v24 =	vld [tilespmem:s17+$0xA0C0];
	v21 =	vadd.f32 v21, v23  }
0x1ba: {  	v25 =	vld [tilespmem:s19+$0x8090]  }
0x1bb: {  	v26 =	vld [tilespmem:s17+$0xA0D0];
	v18 =	vadd.f32 v18, v21  }
0x1bc: {  	v27 =	vld [tilespmem:s19+$0x80A0]  }
0x1bd: {  	v28 =	vld [tilespmem:s17+$0xA0E0];
	[tilespmem:s18+$0x80C0] =	vst v17;
	v11 =	vsub.f32 v18, v11;
	v13 =	vadd.f32 v13, v18  }
0x1be: {  	[tilespmem:s18+$0x80D0] =	vst v23;
	v17 =	vld [tilespmem:s19+$0x80B0]  }
0x1bf: {  	[tilespmem:s18+$0x80E0] =	vst v21;
	v24 =	vadd.f32 v24, v22;
	v11 =	vmul.f32 $2.500000000e-01, v11;
	v21 =	vadd.f32 v25, v13  }
0x1c0: {  	[tilespmem:s18+$0x80F0] =	vst v18;
	v25 =	vld [tilespmem:s17+$0xA0F0]  }
0x1c1: {  	[tilespmem:s13+$0x0] =	vst v11;
	v11 =	vadd.f32 v26, v24;
	v23 =	vadd.f32 v27, v21  }
0x1c2: {  	v26 =	vld [tilespmem:s18+$0xA080]  }
0x1c3: {  	[tilespmem:s17+$0xA0C0] =	vst v24;
	v27 =	vadd.f32 v28, v11;
	v17 =	vadd.f32 v17, v23  }
0x1c4: {  	[tilespmem:s19+$0x8080] =	vst v13;
	v28 =	vld [tilespmem:s18+$0xA090]  }
0x1c5: {  	[tilespmem:s19+$0x8090] =	vst v21;
	v25 =	vadd.f32 v25, v27;
	v18 =	vsub.f32 v17, v18  }
0x1c6: {  	[tilespmem:s19+$0x80A0] =	vst v23;
	v23 =	vld [tilespmem:s18+$0xA0A0]  }
0x1c7: {  	[tilespmem:s17+$0xA0D0] =	vst v11;
	v26 =	vadd.f32 v26, v25;
	v18 =	vmul.f32 $2.500000000e-01, v18  }
0x1c8: {  	v21 =	vld [tilespmem:s18+$0xA0B0];
	[tilespmem:s19+$0x80B0] =	vst v17  }
0x1c9: {  	[tilespmem:s31+$0x0] =	vst v18;
	v13 =	vadd.f32 v28, v26;
	v18 =	vsub.f32 v25, v22  }
0x1ca: {  	[tilespmem:s17+$0xA0E0] =	vst v27;
	v22 =	vld [tilespmem:s19+$0x80C0]  }
0x1cb: {  	[tilespmem:s17+$0xA0F0] =	vst v25;
	v23 =	vadd.f32 v23, v13;
	v11 =	vmul.f32 $2.500000000e-01, v18  }
0x1cc: {  	s3 =	rddreg [dreg:$0x9];
	v18 =	vld [tilespmem:s19+$0x80D0]  }
0x1cd: {  	v21 =	vadd.f32 v21, v23;
	[tilespmem:s3+$0x0] =	vst v11;
	v11 =	vld [tilespmem:s19+$0x80E0]  }
0x1ce: {  	v24 =	vld [tilespmem:s17+$0xC080]  }
0x1cf: {  	[tilespmem:s18+$0xA090] =	vst v13;
	v13 =	vld [tilespmem:s19+$0x80F0];
	v25 =	vsub.f32 v21, v25;
	v22 =	vadd.f32 v22, v17  }
0x1d0: {  	[tilespmem:s18+$0xA080] =	vst v26;
	v26 =	vld [tilespmem:s17+$0xC090]  }
0x1d1: {  	[tilespmem:s18+$0xA0A0] =	vst v23;
	v25 =	vmul.f32 $2.500000000e-01, v25;
	v18 =	vadd.f32 v18, v22  }
0x1d2: {  	v23 =	vld [tilespmem:s17+$0xC0A0];
	[tilespmem:s18+$0xA0B0] =	vst v21  }
0x1d3: {  	v28 =	vld [tilespmem:s17+$0xC0B0];
	[tilespmem:s11+$0x0] =	vst v25;
	v25 =	vadd.f32 v11, v18;
	v24 =	vadd.f32 v24, v12  }
0x1d4: {  	v27 =	vld [tilespmem:s18+$0xA0C0]  }
0x1d5: {  	[tilespmem:s19+$0x80C0] =	vst v22;
	v11 =	vadd.f32 v13, v25;
	v13 =	vadd.f32 v26, v24  }
0x1d6: {  	[tilespmem:s19+$0x80D0] =	vst v18;
	v26 =	vld [tilespmem:s18+$0xA0D0]  }
0x1d7: {  	[tilespmem:s19+$0x80E0] =	vst v25;
	v17 =	vsub.f32 v11, v17;
	v22 =	vadd.f32 v23, v13  }
0x1d8: {  	[tilespmem:s17+$0xC080] =	vst v24;
	v23 =	vld [tilespmem:s18+$0xA0E0]  }
0x1d9: {  	[tilespmem:s19+$0x80F0] =	vst v11;
	v27 =	vadd.f32 v27, v21;
	v17 =	vmul.f32 $2.500000000e-01, v17;
	v25 =	vadd.f32 v28, v22  }
0x1da: {  	[tilespmem:s17+$0xC090] =	vst v13;
	v28 =	vld [tilespmem:s18+$0xA0F0]  }
0x1db: {  	[tilespmem:s9+$0x0] =	vst v17;
	v17 =	vadd.f32 v26, v27;
	v12 =	vsub.f32 v25, v12  }
0x1dc: {  	[tilespmem:s17+$0xC0A0] =	vst v22;
	v18 =	vld [tilespmem:s19+$0xA080]  }
0x1dd: {  	[tilespmem:s17+$0xC0B0] =	vst v25;
	v22 =	vadd.f32 v23, v17;
	v12 =	vmul.f32 $2.500000000e-01, v12  }
0x1de: {  	s3 =	rddreg [dreg:$0x7];
	v23 =	vld [tilespmem:s19+$0xA090]  }
0x1df: {  	v13 =	vadd.f32 v28, v22;
	[tilespmem:s3+$0x0] =	vst v12;
	v12 =	vld [tilespmem:s19+$0xA0A0]  }
0x1e0: {  	v24 =	vld [tilespmem:s17+$0xC0C0]  }
0x1e1: {  	v26 =	vld [tilespmem:s19+$0xA0B0];
	v18 =	vadd.f32 v18, v13  }
0x1e2: {  	[tilespmem:s18+$0xA0C0] =	vst v27;
	v28 =	vld [tilespmem:s17+$0xC0D0]  }
0x1e3: {  	[tilespmem:s18+$0xA0D0] =	vst v17;
	v21 =	vsub.f32 v13, v21;
	v23 =	vadd.f32 v23, v18  }
0x1e4: {  	[tilespmem:s18+$0xA0E0] =	vst v22;
	v22 =	vld [tilespmem:s17+$0xC0E0]  }
0x1e5: {  	[tilespmem:s18+$0xA0F0] =	vst v13;
	v17 =	vmul.f32 $2.500000000e-01, v21;
	v12 =	vadd.f32 v12, v23;
	v24 =	vadd.f32 v24, v25  }
0x1e6: {  	s3 =	rddreg [dreg:$0x8];
	v21 =	vld [tilespmem:s17+$0xC0F0];
	[tilespmem:s19+$0xA080] =	vst v18  }
0x1e7: {  	[tilespmem:s3+$0x0] =	vst v17;
	v26 =	vadd.f32 v26, v12;
	v17 =	vadd.f32 v28, v24  }
0x1e8: {  	[tilespmem:s19+$0xA090] =	vst v23  }
0x1e9: {  	v27 =	vld [tilespmem:s18+$0xC080];
	[tilespmem:s19+$0xA0A0] =	vst v12;
	v13 =	vsub.f32 v26, v13;
	v18 =	vadd.f32 v22, v17  }
0x1ea: {  	v23 =	vld [tilespmem:s16+$0xE0E0];
	[tilespmem:s17+$0xC0C0] =	vst v24  }
0x1eb: {  	v22 =	vld [tilespmem:s18+$0xC090];
	[tilespmem:s19+$0xA0B0] =	vst v26;
	v13 =	vmul.f32 $2.500000000e-01, v13;
	v21 =	vadd.f32 v21, v18  }
0x1ec: {  	v12 =	vld [tilespmem:s18+$0xC0A0];
	[tilespmem:s17+$0xC0D0] =	vst v17  }
0x1ed: {  	v24 =	vld [tilespmem:s18+$0xC0B0];
	[tilespmem:s24+$0x0] =	vst v13;
	v17 =	vsub.f32 v21, v25  }
0x1ee: {  	v25 =	vadd.f32 v27, v21;
	v27 =	vld [tilespmem:s19+$0xA0C0]  }
0x1ef: {  	v28 =	vld [tilespmem:s16+$0xE0F0];
	[tilespmem:s17+$0xC0E0] =	vst v18;
	v13 =	vadd.f32 v19, v15;
	v17 =	vmul.f32 $2.500000000e-01, v17  }
0x1f0: {  	[tilespmem:s17+$0xC0F0] =	vst v21;
	v19 =	vadd.f32 v22, v25;
	v22 =	vld [tilespmem:s19+$0xA0D0]  }
0x1f1: {  	[tilespmem:s30+$0x0] =	vst v17;
	v17 =	vadd.f32 v20, v13;
	v20 =	vld [tilespmem:s19+$0xA0E0]  }
0x1f2: {  	v12 =	vadd.f32 v12, v19;
	v29 =	vld [tilespmem:s17+$0xE080]  }
0x1f3: {  	v30 =	vld [tilespmem:s17+$0xE090];
	v27 =	vadd.f32 v27, v26;
	v18 =	vadd.f32 v23, v17  }
0x1f4: {  	v23 =	vadd.f32 v24, v12;
	v24 =	vld [tilespmem:s19+$0xA0F0]  }
0x1f5: {  	[tilespmem:s18+$0xC080] =	vst v25;
	v22 =	vadd.f32 v22, v27;
	v28 =	vadd.f32 v28, v18  }
0x1f6: {  	[tilespmem:s18+$0xC090] =	vst v19;
	v25 =	vld [tilespmem:s17+$0xE0A0];
	v21 =	vsub.f32 v23, v21  }
0x1f7: {  	[tilespmem:s18+$0xC0A0] =	vst v12;
	v20 =	vadd.f32 v20, v22;
	v29 =	vadd.f32 v29, v28  }
0x1f8: {  	v31 =	vld [tilespmem:s17+$0xE0B0];
	[tilespmem:s18+$0xC0B0] =	vst v23;
	v21 =	vmul.f32 $2.500000000e-01, v21  }
0x1f9: {  	s3 =	rddreg [dreg:$0x5];
	[tilespmem:s19+$0xA0C0] =	vst v27;
	v12 =	vadd.f32 v24, v20;
	v19 =	vadd.f32 v30, v29  }
0x1fa: {  	[tilespmem:s3+$0x0] =	vst v21  }
0x1fb: {  	[tilespmem:s19+$0xA0E0] =	vst v20;
	v24 =	vld [tilespmem:s18+$0xC0C0];
	v20 =	vsub.f32 v12, v26;
	v21 =	vadd.f32 v25, v19  }
0x1fc: {  	[tilespmem:s19+$0xA0D0] =	vst v22  }
0x1fd: {  	[tilespmem:s19+$0xA0F0] =	vst v12;
	v25 =	vld [tilespmem:s18+$0xC0D0];
	v20 =	vmul.f32 $2.500000000e-01, v20;
	v22 =	vadd.f32 v31, v21  }
0x1fe: {  	s3 =	rddreg [dreg:$0x6];
	[tilespmem:s17+$0xE080] =	vst v29  }
0x1ff: {  	v26 =	vld [tilespmem:s18+$0xC0E0];
	[tilespmem:s3+$0x0] =	vst v20;
	v20 =	vsub.f32 v22, v28  }
0x200: {  	[tilespmem:s17+$0xE090] =	vst v19;
	v24 =	vadd.f32 v24, v23  }
0x201: {  	[tilespmem:s17+$0xE0A0] =	vst v21;
	v21 =	vld [tilespmem:s18+$0xC0F0];
	v20 =	vmul.f32 $2.500000000e-01, v20  }
0x202: {  	[tilespmem:s17+$0xE0B0] =	vst v22;
	v19 =	vadd.f32 v25, v24  }
0x203: {  	[tilespmem:s10+$0x0] =	vst v20;
	v20 =	vld [tilespmem:s19+$0xC080]  }
0x204: {  	v27 =	vld [tilespmem:s19+$0xC090];
	v26 =	vadd.f32 v26, v19  }
0x205: {  	v25 =	vld [tilespmem:s17+$0xE0C0]  }
0x206: {  	v30 =	vld [tilespmem:s19+$0xC0A0];
	v21 =	vadd.f32 v21, v26  }
0x207: {  	v29 =	vld [tilespmem:s17+$0xE0D0]  }
0x208: {  	[tilespmem:s18+$0xC0D0] =	vst v19;
	v31 =	vld [tilespmem:s17+$0xE0E0];
	v19 =	vsub.f32 v21, v23;
	v20 =	vadd.f32 v20, v21  }
0x209: {  	[tilespmem:s18+$0xC0C0] =	vst v24;
	v23 =	vld [tilespmem:s19+$0xC0B0]  }
0x20a: {  	[tilespmem:s18+$0xC0E0] =	vst v26;
	v24 =	vadd.f32 v25, v22;
	v19 =	vmul.f32 $2.500000000e-01, v19;
	v25 =	vadd.f32 v27, v20  }
0x20b: {  	v26 =	vld [tilespmem:s17+$0xE0F0];
	[tilespmem:s18+$0xC0F0] =	vst v21  }
0x20c: {  	[tilespmem:s28+$0x0] =	vst v19;
	v19 =	vadd.f32 v29, v24;
	v27 =	vadd.f32 v30, v25  }
0x20d: {  	v29 =	vld [tilespmem:s18+$0xE080]  }
0x20e: {  	v30 =	vadd.f32 v31, v19;
	v23 =	vadd.f32 v23, v27  }
0x20f: {  	[tilespmem:s19+$0xC080] =	vst v20;
	v31 =	vld [tilespmem:s18+$0xE090]  }
0x210: {  	[tilespmem:s19+$0xC090] =	vst v25;
	v26 =	vadd.f32 v26, v30;
	v20 =	vsub.f32 v23, v21  }
0x211: {  	[tilespmem:s19+$0xC0A0] =	vst v27;
	v21 =	vld [tilespmem:s18+$0xE0A0]  }
0x212: {  	[tilespmem:s19+$0xC0B0] =	vst v23;
	v27 =	vadd.f32 v29, v26;
	v20 =	vmul.f32 $2.500000000e-01, v20  }
0x213: {  	v29 =	vld [tilespmem:s18+$0xE0B0];
	s3 =	rddreg [dreg:$0x4]  }
0x214: {  	[tilespmem:s3+$0x0] =	vst v20;
	v20 =	vadd.f32 v31, v27  }
0x215: {  	v25 =	vld [tilespmem:s19+$0xC0C0]  }
0x216: {  	v21 =	vadd.f32 v21, v20  }
0x217: {  	v31 =	vld [tilespmem:s19+$0xC0D0]  }
0x218: {  	v29 =	vadd.f32 v29, v21  }
0x219: {  	v32 =	vld [tilespmem:s19+$0xC0E0]  }
0x21a: {  	[tilespmem:s18+$0xE080] =	vst v27;
	v27 =	vsub.f32 v29, v26;
	v25 =	vadd.f32 v25, v23  }
0x21b: {  	v33 =	vld [tilespmem:s19+$0xC0F0];
	[tilespmem:s18+$0xE090] =	vst v20  }
0x21c: {  	[tilespmem:s18+$0xE0A0] =	vst v21;
	v21 =	vmul.f32 $2.500000000e-01, v27;
	v27 =	vadd.f32 v31, v25  }
0x21d: {  	[tilespmem:s18+$0xE0B0] =	vst v29  }
0x21e: {  	[tilespmem:s1+$0x0] =	vst v21;
	v20 =	vadd.f32 v32, v27  }
0x21f: {  	v21 =	vld [tilespmem:s18+$0xE0C0]  }
0x220: {  	v31 =	vadd.f32 v33, v20  }
0x221: {  	v51 =	vld [tilespmem:s18+$0xE0D0]  }
0x222: {  	[tilespmem:s19+$0xC0C0] =	vst v25;
	v23 =	vsub.f32 v31, v23  }
0x223: {  	[tilespmem:s19+$0xC0D0] =	vst v27;
	v27 =	vld [tilespmem:s18+$0xE0E0]  }
0x224: {  	[tilespmem:s19+$0xC0E0] =	vst v20;
	v21 =	vadd.f32 v21, v29;
	v20 =	vmul.f32 $2.500000000e-01, v23  }
0x225: {  	[tilespmem:s19+$0xC0F0] =	vst v31;
	v23 =	vld [tilespmem:s18+$0xE0F0]  }
0x226: {  	[tilespmem:s8+$0x0] =	vst v20;
	v20 =	vadd.f32 v51, v21  }
0x227: {  	v25 =	vld [tilespmem:s19+$0xE080]  }
0x228: {  	v27 =	vadd.f32 v27, v20  }
0x229: {  	v52 =	vld [tilespmem:s19+$0xE090]  }
0x22a: {  	v23 =	vadd.f32 v23, v27  }
0x22b: {  	v53 =	vld [tilespmem:s19+$0xE0A0]  }
0x22c: {  	v25 =	vadd.f32 v25, v23  }
0x22d: {  	v34 =	vld [tilespmem:s19+$0xE0B0]  }
0x22e: {  	v32 =	vadd.f32 v52, v25;
	_ =	sdelay $0x1  }
0x22f: {  	v33 =	vadd.f32 v53, v32;
	_ =	sdelay $0x1  }
0x230: {  	[tilespmem:s16+$0xE0C0] =	vst v13;
	v34 =	vadd.f32 v34, v33  }
0x231: {  	[tilespmem:s16+$0xE0D0] =	vst v17  }
0x232: {  	[tilespmem:s19+$0xE080] =	vst v25;
	v25 =	vsub.f32 v34, v23  }
0x233: {  	[tilespmem:s19+$0xE090] =	vst v32  }
0x234: {  	[tilespmem:s19+$0xE0A0] =	vst v33;
	v25 =	vmul.f32 $2.500000000e-01, v25  }
0x235: {  	v13 =	vsub.f32 v28, v15;
	[tilespmem:s19+$0xE0B0] =	vst v34  }
0x236: {  	[tilespmem:s0+$0x0] =	vst v25  }
0x237: {  	[tilespmem:s16+$0xE0F0] =	vst v28;
	v13 =	vmul.f32 $2.500000000e-01, v13;
	v15 =	vld [tilespmem:s19+$0xE0C0]  }
0x238: {  	[tilespmem:s16+$0xE0E0] =	vst v18  }
0x239: {  	[tilespmem:s2+$0x0] =	vst v13;
	v13 =	vld [tilespmem:s19+$0xE0D0]  }
0x23a: {  	[tilespmem:s17+$0xE0C0] =	vst v24;
	v17 =	vsub.f32 v26, v22  }
0x23b: {  	[tilespmem:s17+$0xE0D0] =	vst v19;
	v18 =	vld [tilespmem:s19+$0xE0E0]  }
0x23c: {  	[tilespmem:s17+$0xE0F0] =	vst v26;
	v17 =	vmul.f32 $2.500000000e-01, v17;
	v15 =	vadd.f32 v15, v34  }
0x23d: {  	[tilespmem:s17+$0xE0E0] =	vst v30;
	v19 =	vld [tilespmem:s19+$0xE0F0]  }
0x23e: {  	[tilespmem:s14+$0x0] =	vst v17;
	v13 =	vadd.f32 v13, v15  }
0x23f: {  	[tilespmem:s18+$0xE0C0] =	vst v21;
	v17 =	vsub.f32 v23, v29  }
0x240: {  	[tilespmem:s18+$0xE0D0] =	vst v20;
	v18 =	vadd.f32 v18, v13  }
0x241: {  	[tilespmem:s18+$0xE0E0] =	vst v27;
	v17 =	vmul.f32 $2.500000000e-01, v17  }
0x242: {  	[tilespmem:s18+$0xE0F0] =	vst v23;
	v19 =	vadd.f32 v19, v18  }
0x243: {  	[tilespmem:s5+$0x0] =	vst v17  }
0x244: {  	[tilespmem:s19+$0xE0C0] =	vst v15;
	v15 =	vsub.f32 v19, v34  }
0x245: {  	v10 =	vadd.f32 v10, v9;
	[tilespmem:s19+$0xE0D0] =	vst v13  }
0x246: {  	[tilespmem:s19+$0xE0E0] =	vst v18;
	v13 =	vmul.f32 $2.500000000e-01, v15  }
0x247: {  	v14 =	vadd.f32 v14, v10;
	[tilespmem:s19+$0xE0F0] =	vst v19  }
0x248: {  	[tilespmem:s7+$0x0] =	vst v13  }
0x249: {  	v13 =	vadd.f32 v16, v14;
	[tilespmem:$0x1A080] =	vst v0  }
0x24a: {  	s25 =	simm.s32 $0x0;
	[tilespmem:$0x1A090] =	vst v0  }
0x24b: {  	s26 =	sand.u32 $0x3F0, s25;
	[tilespmem:$0x1A0A0] =	vst v9;
	v9 =	vadd.f32 v11, v13  }
0x24c: {  	[tilespmem:$0x1A0B0] =	vst v10;
	v10 =	vor.u32 s26, v1  }
0x24d: {  	[tilespmem:$0x1A0C0] =	vst v14;
	v11 =	vadd.f32 v12, v9;
	v12 =	vshll.u32 v10, $0x3  }
0x24e: {  	[tilespmem:$0x1A0D0] =	vst v13;
	v13 =	vor.u32 $0x1, v12  }
0x24f: {  	[tilespmem:$0x1A0E0] =	vst v9;
	v9 =	vadd.f32 v31, v11  }
0x250: {  	[tilespmem:$0x1A0F0] =	vst v11  }
0x251: {  	s8 =	simm.s32 $0x18080;
	[tilespmem:$0x1A100] =	vst v9  }
0x252: {  	v9 =	vld.idx.msk [tilespmem:v12+s8+$0x0], $0xffff  }
0x253: {  	v15 =	vld.idx.msk [tilespmem:v13+s8+$0x0], $0xffff  }
0x254: {  	s16 =	sand.u32 $0x8, s25  }
0x255: {  	v11 =	vadd.s32 s16, v1  }
0x256: {  	v21 =	vand.u32 $0x7, v1;
	v11 =	vand.u32 $0x8, v11  }
0x257: {  	v16 =	vor.u32 v21, v11;
	v12 =	vshll.u32 v9, $0x4;
	v13 =	vadd.s32 $0x1FF, v9  }
0x258: {  	v11 =	vadd.s32 $0x70, v12;
	v12 =	vshll.u32 v15, $0x4;
	v14 =	vshra.s32 v13, $0x5  }
0x259: {  	v17 =	vshra.s32 v15, $0x5;
	v18 =	vor.u32 v11, v16;
	v13 =	vadd.s32 $0x80, v12  }
0x25a: {  	v12 =	vand.u32 $0xFFFFFFF0, v14;
	v14 =	vand.u32 $0xFFFFFFF0, v17;
	v17 =	vor.u32 v13, v16  }
0x25b: {  	v14 =	vadd.s32 $0x10, v14;
	v19 =	vor.u32 v12, v16  }
0x25c: {  	v20 =	vor.u32 v14, v16  }
0x25d: {  	s3 =	simm.s32 $0x0;
	v9 =	vsub.s32 v15, v9  }
0x25e: {  	v9 =	vadd.s32 $0x1, v9;
	v15 =	vld.idx.msk [tilespmem:v18+s3+$0x0], $0xffff  }
0x25f: {  	s5 =	simm.s32 $0x1A080;
	v9 =	vcvt.s32.f32 v9;
	v17 =	vld.idx.msk [tilespmem:v17+s3+$0x0], $0xffff  }
0x260: {  	v18 =	vld.idx.msk [tilespmem:v19+s5+$0x0], $0xffff  }
0x261: {  	(erf) = vrcp.f32 v9;
	v9 =	vld.idx.msk [tilespmem:v20+s5+$0x0], $0xffff;
	_ =	sdelay $0x3  }
0x262: {  	v23 =	vadd.s32 $0x1, v1;
	v10 =	vshll.u32 v10, $0x5;
	v19 =	vand.u32 $0x3, v1  }
0x263: {  	v15 =	vsub.f32 v17, v15;
	v17 =	vsub.f32 v9, v18;
	v18 =	vadd.s32 s16, v23  }
0x264: {  	v22 =	vmul.u32 $0x20, v19;
	v9 =	vand.u32 $0x7F80, v10;
	v10 =	vand.u32 $0x8, v18;
	_ =	sdelay $0x1  }
0x265: {  	v9 =	vor.u32 v22, v9;
	v15 =	vadd.f32 v17, v15  }
0x266: {  	v16 =	vor.u32 v9, v16;
	v17 =	vor.u32 v2, v10;
	v10 =	vpop (erf)  }
0x267: {  	v18 =	vor.u32 v11, v17;
	v15 =	vmul.f32 v15, v10  }
0x268: {  	v19 =	vor.u32 v13, v17  }
0x269: {  	v20 =	vor.u32 v12, v17;
	v15 =	vadd.f32 $6.000000050e-03, v15  }
0x26a: {  	s6 =	simm.s32 $0x10080;
	v24 =	vor.u32 v14, v17  }
0x26b: {  	[tilespmem:v16+s6+$0x0] =	vst.idx.msk $0xffff, v15  }
0x26c: {  	v15 =	vld.idx.msk [tilespmem:v18+s3+$0x0], $0xffff  }
0x26d: {  	v16 =	vld.idx.msk [tilespmem:v19+s3+$0x0], $0xffff  }
0x26e: {  	v18 =	vld.idx.msk [tilespmem:v20+s5+$0x0], $0xffff  }
0x26f: {  	v19 =	vld.idx.msk [tilespmem:v24+s5+$0x0], $0xffff;
	_ =	sdelay $0x2  }
0x270: {  	s28 =	simm.s32 $0x8  }
0x271: {  	s29 =	sand.u32 $0x3F0, s28;
	v26 =	vadd.s32 $0x2, v1  }
0x272: {  	v24 =	vor.u32 s29, v1;
	v15 =	vsub.f32 v16, v15;
	v16 =	vsub.f32 v19, v18  }
0x273: {  	v18 =	vadd.s32 s16, v26;
	v19 =	vshll.u32 v24, $0x3  }
0x274: {  	v18 =	vand.u32 $0x8, v18;
	v15 =	vadd.f32 v16, v15  }
0x275: {  	v17 =	vor.u32 v9, v17;
	v16 =	vor.u32 $0x1, v19;
	v18 =	vor.u32 v3, v18  }
0x276: {  	v20 =	vor.u32 v11, v18;
	v15 =	vmul.f32 v15, v10  }
0x277: {  	v25 =	vor.u32 v13, v18  }
0x278: {  	v28 =	vor.u32 v14, v18;
	v27 =	vld.idx.msk [tilespmem:v19+s8+$0x0], $0xffff;
	v15 =	vadd.f32 $6.000000050e-03, v15  }
0x279: {  	v19 =	vor.u32 v12, v18  }
0x27a: {  	v29 =	vld.idx.msk [tilespmem:v16+s8+$0x0], $0xffff;
	[tilespmem:v17+s6+$0x0] =	vst.idx.msk $0xffff, v15  }
0x27b: {  	s0 =	sand.u32 $0x8, s28;
	v15 =	vld.idx.msk [tilespmem:v20+s3+$0x0], $0xffff  }
0x27c: {  	v16 =	vadd.s32 s0, v1;
	v25 =	vld.idx.msk [tilespmem:v25+s3+$0x0], $0xffff  }
0x27d: {  	v16 =	vand.u32 $0x8, v16;
	v28 =	vld.idx.msk [tilespmem:v28+s5+$0x0], $0xffff;
	v17 =	vshll.u32 v27, $0x4  }
0x27e: {  	v54 =	vor.u32 v21, v16;
	v31 =	vld.idx.msk [tilespmem:v19+s5+$0x0], $0xffff;
	v16 =	vadd.s32 $0x1FF, v27;
	v19 =	vadd.s32 $0x70, v17  }
0x27f: {  	v16 =	vshra.s32 v16, $0x5;
	v17 =	vshll.u32 v29, $0x4;
	v20 =	vshra.s32 v29, $0x5  }
0x280: {  	v55 =	vor.u32 v19, v54;
	v27 =	vsub.s32 v29, v27;
	v17 =	vadd.s32 $0x80, v17  }
0x281: {  	v30 =	vand.u32 $0xFFFFFFF0, v20;
	v20 =	vand.u32 $0xFFFFFFF0, v16;
	v56 =	vor.u32 v17, v54  }
0x282: {  	v16 =	vadd.s32 $0x10, v30;
	v30 =	vadd.s32 $0x3, v1;
	v35 =	vor.u32 v20, v54  }
0x283: {  	v15 =	vsub.f32 v25, v15;
	v36 =	vor.u32 v16, v54;
	v25 =	vsub.f32 v28, v31  }
0x284: {  	v27 =	vadd.s32 $0x1, v27;
	v28 =	vadd.s32 s16, v30  }
0x285: {  	v28 =	vand.u32 $0x8, v28;
	v29 =	vld.idx.msk [tilespmem:v55+s3+$0x0], $0xffff;
	v15 =	vadd.f32 v25, v15;
	v25 =	vcvt.s32.f32 v27  }
0x286: {  	v18 =	vor.u32 v9, v18;
	v28 =	vor.u32 v4, v28;
	v27 =	vld.idx.msk [tilespmem:v56+s3+$0x0], $0xffff  }
0x287: {  	v57 =	vor.u32 v11, v28;
	v31 =	vld.idx.msk [tilespmem:v35+s5+$0x0], $0xffff;
	v15 =	vmul.f32 v15, v10;
	(erf) = vrcp.f32 v25  }
0x288: {  	v58 =	vor.u32 v13, v28;
	v25 =	vld.idx.msk [tilespmem:v36+s5+$0x0], $0xffff  }
0x289: {  	v59 =	vor.u32 v12, v28;
	v15 =	vadd.f32 $6.000000050e-03, v15  }
0x28a: {  	v60 =	vor.u32 v14, v28  }
0x28b: {  	[tilespmem:v18+s6+$0x0] =	vst.idx.msk $0xffff, v15  }
0x28c: {  	v33 =	vld.idx.msk [tilespmem:v57+s3+$0x0], $0xffff;
	v18 =	vsub.f32 v27, v29  }
0x28d: {  	v15 =	vshll.u32 v24, $0x5;
	v24 =	vld.idx.msk [tilespmem:v58+s3+$0x0], $0xffff;
	v25 =	vsub.f32 v25, v31  }
0x28e: {  	v15 =	vand.u32 $0x7F80, v15;
	v29 =	vld.idx.msk [tilespmem:v59+s5+$0x0], $0xffff  }
0x28f: {  	v61 =	vld.idx.msk [tilespmem:v60+s5+$0x0], $0xffff;
	v15 =	vor.u32 v22, v15;
	v25 =	vadd.f32 v25, v18  }
0x290: {  	v27 =	vadd.s32 s0, v23;
	v32 =	vor.u32 v15, v54;
	v18 =	vpop (erf)  }
0x291: {  	v27 =	vand.u32 $0x8, v27;
	v25 =	vmul.f32 v25, v18  }
0x292: {  	v27 =	vor.u32 v2, v27  }
0x293: {  	v31 =	vadd.s32 $0x4, v1;
	v62 =	vor.u32 v19, v27;
	v25 =	vadd.f32 $6.000000050e-03, v25  }
0x294: {  	v63 =	vor.u32 v17, v27;
	v24 =	vsub.f32 v24, v33;
	v29 =	vsub.f32 v61, v29  }
0x295: {  	v37 =	vor.u32 v20, v27;
	[tilespmem:v32+s6+$0x0] =	vst.idx.msk $0xffff, v25;
	v25 =	vadd.s32 s16, v31  }
0x296: {  	v38 =	vor.u32 v16, v27;
	v24 =	vadd.f32 v29, v24;
	v25 =	vand.u32 $0x8, v25  }
0x297: {  	v28 =	vor.u32 v9, v28;
	v25 =	vor.u32 v5, v25  }
0x298: {  	v24 =	vmul.f32 v24, v10;
	v32 =	vld.idx.msk [tilespmem:v62+s3+$0x0], $0xffff;
	v41 =	vor.u32 v11, v25  }
0x299: {  	v29 =	vld.idx.msk [tilespmem:v63+s3+$0x0], $0xffff;
	v43 =	vor.u32 v13, v25  }
0x29a: {  	v40 =	vld.idx.msk [tilespmem:v37+s5+$0x0], $0xffff;
	v24 =	vadd.f32 $6.000000050e-03, v24;
	v44 =	vor.u32 v12, v25  }
0x29b: {  	v42 =	vld.idx.msk [tilespmem:v38+s5+$0x0], $0xffff;
	v45 =	vor.u32 v14, v25  }
0x29c: {  	[tilespmem:v28+s6+$0x0] =	vst.idx.msk $0xffff, v24  }
0x29d: {  	s30 =	simm.s32 $0x10;
	v24 =	vld.idx.msk [tilespmem:v41+s3+$0x0], $0xffff  }
0x29e: {  	s31 =	sand.u32 $0x3F0, s30;
	v28 =	vld.idx.msk [tilespmem:v43+s3+$0x0], $0xffff  }
0x29f: {  	v35 =	vor.u32 s31, v1;
	v47 =	vld.idx.msk [tilespmem:v44+s5+$0x0], $0xffff  }
0x2a0: {  	v49 =	vshll.u32 v35, $0x3;
	v29 =	vsub.f32 v29, v32;
	v46 =	vsub.f32 v42, v40;
	v50 =	vld.idx.msk [tilespmem:v45+s5+$0x0], $0xffff  }
0x2a1: {  	v48 =	vadd.s32 s0, v26  }
0x2a2: {  	v52 =	vand.u32 $0x8, v48;
	v29 =	vadd.f32 v46, v29  }
0x2a3: {  	v51 =	vor.u32 $0x1, v49;
	v27 =	vor.u32 v15, v27;
	v40 =	vor.u32 v3, v52  }
0x2a4: {  	v32 =	vadd.s32 $0x5, v1;
	v39 =	vor.u32 v19, v40;
	v29 =	vmul.f32 v29, v18  }
0x2a5: {  	v55 =	vor.u32 v16, v40;
	v43 =	vld.idx.msk [tilespmem:v49+s8+$0x0], $0xffff;
	v24 =	vsub.f32 v28, v24;
	v28 =	vsub.f32 v50, v47  }
0x2a6: {  	v53 =	vor.u32 v20, v40;
	v54 =	vadd.s32 s16, v32;
	v29 =	vadd.f32 $6.000000050e-03, v29  }
0x2a7: {  	v41 =	vor.u32 v17, v40;
	v33 =	vand.u32 $0x8, v54;
	v24 =	vadd.f32 v28, v24  }
0x2a8: {  	s1 =	sand.u32 $0x8, s30;
	v25 =	vor.u32 v9, v25;
	v44 =	vld.idx.msk [tilespmem:v51+s8+$0x0], $0xffff;
	v34 =	vor.u32 v6, v33;
	[tilespmem:v27+s6+$0x0] =	vst.idx.msk $0xffff, v29  }
0x2a9: {  	v58 =	vor.u32 v13, v34;
	v27 =	vadd.s32 s1, v1;
	v56 =	vld.idx.msk [tilespmem:v39+s3+$0x0], $0xffff;
	v24 =	vmul.f32 v24, v10  }
0x2aa: {  	v29 =	vor.u32 v11, v34;
	v27 =	vand.u32 $0x8, v27;
	v28 =	vshll.u32 v43, $0x4;
	v60 =	vld.idx.msk [tilespmem:v55+s5+$0x0], $0xffff  }
0x2ab: {  	v42 =	vor.u32 v21, v27;
	v27 =	vld.idx.msk [tilespmem:v53+s5+$0x0], $0xffff;
	v61 =	vadd.f32 $6.000000050e-03, v24;
	v24 =	vadd.s32 $0x70, v28  }
0x2ac: {  	v45 =	vor.u32 v12, v34;
	v57 =	vld.idx.msk [tilespmem:v41+s3+$0x0], $0xffff;
	v47 =	vor.u32 v24, v42  }
0x2ad: {  	v46 =	vor.u32 v14, v34;
	v59 =	vadd.s32 $0x1FF, v43;
	v28 =	vshll.u32 v44, $0x4  }
0x2ae: {  	v49 =	vshra.s32 v44, $0x5;
	v36 =	vshra.s32 v59, $0x5;
	v28 =	vadd.s32 $0x80, v28;
	[tilespmem:v25+s6+$0x0] =	vst.idx.msk $0xffff, v61  }
0x2af: {  	v62 =	vand.u32 $0xFFFFFFF0, v49;
	v25 =	vand.u32 $0xFFFFFFF0, v36;
	v48 =	vor.u32 v28, v42;
	v36 =	vld.idx.msk [tilespmem:v29+s3+$0x0], $0xffff  }
0x2b0: {  	v41 =	vsub.f32 v60, v27;
	v27 =	vadd.s32 $0x10, v62;
	v50 =	vor.u32 v25, v42;
	v37 =	vld.idx.msk [tilespmem:v58+s3+$0x0], $0xffff  }
0x2b1: {  	v43 =	vsub.s32 v44, v43;
	v33 =	vsub.f32 v57, v56;
	v44 =	vld.idx.msk [tilespmem:v47+s3+$0x0], $0xffff;
	v47 =	vor.u32 v27, v42  }
0x2b2: {  	v63 =	vadd.s32 s0, v30;
	v38 =	vld.idx.msk [tilespmem:v45+s5+$0x0], $0xffff  }
0x2b3: {  	v43 =	vadd.s32 $0x1, v43;
	v39 =	vld.idx.msk [tilespmem:v46+s5+$0x0], $0xffff;
	v45 =	vand.u32 $0x8, v63;
	v33 =	vadd.f32 v41, v33  }
0x2b4: {  	v40 =	vor.u32 v15, v40;
	v49 =	vcvt.s32.f32 v43;
	v43 =	vor.u32 v4, v45;
	v46 =	vld.idx.msk [tilespmem:v48+s3+$0x0], $0xffff  }
0x2b5: {  	s2 =	simm.s32 $0x18;
	v29 =	vadd.s32 $0x6, v1;
	s4 =	rddreg [dreg:$0x17];
	v41 =	vor.u32 v19, v43;
	v45 =	vmul.f32 v33, v18;
	v48 =	vld.idx.msk [tilespmem:v50+s5+$0x0], $0xffff  }
.LBB2_7:
0x2b6: {  	p0 =	sne.s32 s2, $0x3F8;
	v33 =	vld.idx.msk [tilespmem:v47+s5+$0x0], $0xffff;
	(erf) = vrcp.f32 v49;
	v47 =	vor.u32 v17, v43  }
0x2b7: {  	v49 =	vor.u32 v20, v43;
	v50 =	vadd.s32 s16, v29;
	v45 =	vadd.f32 $6.000000050e-03, v45  }
0x2b8: {  	v51 =	vor.u32 v16, v43;
	v36 =	vsub.f32 v37, v36;
	v37 =	vsub.f32 v39, v38  }
0x2b9: {  	v38 =	vadd.s32 s1, v23;
	v39 =	vand.u32 $0x8, v50;
	[tilespmem:v40+s6+$0x0] =	vst.idx.msk $0xffff, v45  }
0x2ba: {  	v35 =	vshll.u32 v35, $0x5;
	v36 =	vadd.f32 v37, v36;
	v37 =	vor.u32 v7, v39;
	v45 =	vld.idx.msk [tilespmem:v41+s3+$0x0], $0xffff  }
0x2bb: {  	v34 =	vor.u32 v9, v34;
	v35 =	vand.u32 $0x7F80, v35;
	v39 =	vld.idx.msk [tilespmem:v47+s3+$0x0], $0xffff;
	v47 =	vor.u32 v11, v37  }
0x2bc: {  	v50 =	vsub.f32 v46, v44;
	v33 =	vsub.f32 v33, v48;
	v36 =	vmul.f32 v36, v10;
	v44 =	vld.idx.msk [tilespmem:v49+s5+$0x0], $0xffff  }
0x2bd: {  	v40 =	vor.u32 v22, v35;
	v35 =	vand.u32 $0x8, v38;
	v46 =	vor.u32 v13, v37;
	v38 =	vld.idx.msk [tilespmem:v51+s5+$0x0], $0xffff  }
0x2be: {  	v48 =	vor.u32 v12, v37;
	v33 =	vadd.f32 v33, v50;
	v36 =	vadd.f32 $6.000000050e-03, v36  }
0x2bf: {  	v42 =	vor.u32 v40, v42;
	v49 =	vor.u32 v2, v35;
	v35 =	vor.u32 v14, v37;
	v41 =	vpop (erf)  }
0x2c0: {  	v50 =	vor.u32 v24, v49;
	v33 =	vmul.f32 v33, v41;
	[tilespmem:v34+s6+$0x0] =	vst.idx.msk $0xffff, v36  }
0x2c1: {  	v34 =	vor.u32 v28, v49;
	v36 =	vld.idx.msk [tilespmem:v47+s3+$0x0], $0xffff  }
0x2c2: {  	v47 =	vor.u32 v25, v49;
	v33 =	vadd.f32 $6.000000050e-03, v33;
	v46 =	vld.idx.msk [tilespmem:v46+s3+$0x0], $0xffff  }
0x2c3: {  	v51 =	vor.u32 v27, v49;
	v39 =	vsub.f32 v39, v45;
	v38 =	vsub.f32 v38, v44;
	v44 =	vld.idx.msk [tilespmem:v48+s5+$0x0], $0xffff  }
0x2c4: {  	[tilespmem:v42+s6+$0x0] =	vst.idx.msk $0xffff, v33;
	v33 =	vadd.s32 s0, v31;
	v35 =	vld.idx.msk [tilespmem:v35+s5+$0x0], $0xffff  }
0x2c5: {  	v38 =	vadd.f32 v38, v39;
	v42 =	vld.idx.msk [tilespmem:v50+s3+$0x0], $0xffff;
	v39 =	vand.u32 $0x8, v33;
	v33 =	vadd.s32 $0x7, v1  }
0x2c6: {  	v43 =	vor.u32 v15, v43;
	v34 =	vld.idx.msk [tilespmem:v34+s3+$0x0], $0xffff;
	v39 =	vor.u32 v5, v39  }
0x2c7: {  	v38 =	vmul.f32 v38, v18;
	v45 =	vld.idx.msk [tilespmem:v47+s5+$0x0], $0xffff;
	v47 =	vor.u32 v19, v39  }
0x2c8: {  	v50 =	vor.u32 v17, v39;
	v48 =	vld.idx.msk [tilespmem:v51+s5+$0x0], $0xffff  }
0x2c9: {  	v52 =	vadd.s32 s16, v33;
	s16 =	smov.u32 s0;
	s0 =	smov.u32 s1;
	v38 =	vadd.f32 $6.000000050e-03, v38;
	v51 =	vor.u32 v20, v39  }
0x2ca: {  	s1 =	sand.u32 $0x3F0, s2;
	v53 =	vor.u32 v16, v39;
	v36 =	vsub.f32 v46, v36;
	v44 =	vsub.f32 v35, v44  }
0x2cb: {  	v46 =	vadd.s32 s0, v26;
	v35 =	vor.u32 s1, v1;
	[tilespmem:v43+s6+$0x0] =	vst.idx.msk $0xffff, v38;
	v38 =	vand.u32 $0x8, v52  }
0x2cc: {  	v43 =	vshll.u32 v35, $0x3;
	v36 =	vadd.f32 v44, v36;
	v47 =	vld.idx.msk [tilespmem:v47+s3+$0x0], $0xffff;
	v38 =	vor.u32 v8, v38  }
0x2cd: {  	v37 =	vor.u32 v9, v37;
	v44 =	vor.u32 $0x1, v43;
	v50 =	vld.idx.msk [tilespmem:v50+s3+$0x0], $0xffff;
	v52 =	vor.u32 v11, v38;
	v11 =	vmovc v19  }
0x2ce: {  	v34 =	vsub.f32 v34, v42;
	v42 =	vsub.f32 v48, v45;
	v36 =	vmul.f32 v36, v10;
	v45 =	vld.idx.msk [tilespmem:v51+s5+$0x0], $0xffff  }
0x2cf: {  	v46 =	vand.u32 $0x8, v46;
	v19 =	vmovc v24;
	v51 =	vor.u32 v13, v38;
	v13 =	vmov v17;
	v48 =	vld.idx.msk [tilespmem:v53+s5+$0x0], $0xffff  }
0x2d0: {  	v17 =	vmovc v28;
	v24 =	vadd.f32 v42, v34;
	v34 =	vadd.f32 $6.000000050e-03, v36;
	v36 =	vor.u32 v12, v38;
	v12 =	vmovc v20  }
0x2d1: {  	v28 =	vor.u32 v40, v49;
	v53 =	vor.u32 v3, v46;
	v42 =	vor.u32 v14, v38;
	v43 =	vld.idx.msk [tilespmem:v43+s8+$0x0], $0xffff  }
0x2d2: {  	s1 =	sand.u32 $0x8, s2;
	v46 =	vor.u32 v19, v53;
	v24 =	vmul.f32 v24, v41;
	v44 =	vld.idx.msk [tilespmem:v44+s8+$0x0], $0xffff;
	[tilespmem:v37+s6+$0x0] =	vst.idx.msk $0xffff, v34  }
0x2d3: {  	v49 =	vadd.s32 s16, v32;
	v20 =	vmovc v25;
	v14 =	vmovc v16;
	v34 =	vadd.s32 s1, v1;
	v37 =	vor.u32 v17, v53;
	v52 =	vld.idx.msk [tilespmem:v52+s3+$0x0], $0xffff  }
0x2d4: {  	v49 =	vand.u32 $0x8, v49;
	v16 =	vmovc v27;
	v25 =	vor.u32 v20, v53;
	v24 =	vadd.f32 $6.000000050e-03, v24;
	v51 =	vld.idx.msk [tilespmem:v51+s3+$0x0], $0xffff  }
0x2d5: {  	v27 =	vor.u32 v16, v53;
	v47 =	vsub.f32 v50, v47;
	v45 =	vsub.f32 v48, v45;
	v36 =	vld.idx.msk [tilespmem:v36+s5+$0x0], $0xffff  }
0x2d6: {  	v50 =	vadd.s32 s0, v30;
	v48 =	vand.u32 $0x8, v34;
	v34 =	vor.u32 v6, v49;
	[tilespmem:v28+s6+$0x0] =	vst.idx.msk $0xffff, v24;
	v28 =	vld.idx.msk [tilespmem:v42+s5+$0x0], $0xffff  }
0x2d7: {  	v24 =	vshll.u32 v43, $0x4;
	v42 =	vor.u32 v21, v48;
	v45 =	vadd.f32 v45, v47;
	v46 =	vld.idx.msk [tilespmem:v46+s3+$0x0], $0xffff  }
0x2d8: {  	v47 =	vadd.s32 $0x1FF, v43;
	v24 =	vadd.s32 $0x70, v24;
	v48 =	vld.idx.msk [tilespmem:v37+s3+$0x0], $0xffff;
	v37 =	vor.u32 v15, v39  }
0x2d9: {  	v39 =	vshll.u32 v44, $0x4;
	v49 =	vld.idx.msk [tilespmem:v25+s5+$0x0], $0xffff;
	v25 =	vmul.f32 v45, v18;
	v45 =	vor.u32 v11, v34  }
0x2da: {  	v56 =	vor.u32 v13, v34;
	v47 =	vshra.s32 v47, $0x5;
	v54 =	vshra.s32 v44, $0x5;
	v55 =	vld.idx.msk [tilespmem:v27+s5+$0x0], $0xffff  }
0x2db: {  	v58 =	vor.u32 v12, v34;
	v57 =	vor.u32 v24, v42;
	v27 =	vadd.f32 $6.000000050e-03, v25  }
0x2dc: {  	v59 =	vor.u32 v14, v34;
	v51 =	vsub.f32 v51, v52;
	v52 =	vsub.f32 v28, v36  }
0x2dd: {  	v28 =	vadd.s32 $0x80, v39;
	v25 =	vand.u32 $0xFFFFFFF0, v47;
	v36 =	vand.u32 $0xFFFFFFF0, v54;
	[tilespmem:v37+s6+$0x0] =	vst.idx.msk $0xffff, v27  }
0x2de: {  	v54 =	vor.u32 v28, v42;
	v27 =	vadd.s32 $0x10, v36;
	v39 =	vadd.f32 v52, v51;
	v36 =	vld.idx.msk [tilespmem:v45+s3+$0x0], $0xffff  }
0x2df: {  	v51 =	vor.u32 v9, v38;
	v45 =	vor.u32 v25, v42;
	v47 =	vor.u32 v27, v42;
	v37 =	vld.idx.msk [tilespmem:v56+s3+$0x0], $0xffff  }
.Ltmp2:
0x2e0: {  	v46 =	vsub.f32 v48, v46;
	v48 =	vsub.f32 v55, v49;
	v49 =	vmul.f32 v39, v10;
	v38 =	vld.idx.msk [tilespmem:v58+s5+$0x0], $0xffff;
	(pc) =	sbr.rel @p0 .LBB2_7-.Ltmp2, $4  }
0x2e1: {  	v50 =	vand.u32 $0x8, v50;
	v43 =	vsub.s32 v44, v43;
	v9 =	vmovc v15;
	v15 =	vmov v40;
	v39 =	vld.idx.msk [tilespmem:v59+s5+$0x0], $0xffff  }
0x2e2: {  	v40 =	vadd.s32 $0x1, v43;
	v10 =	vmovc v18;
	v18 =	vmovc v41;
	v52 =	vadd.f32 v48, v46;
	v55 =	vadd.f32 $6.000000050e-03, v49;
	v44 =	vld.idx.msk [tilespmem:v57+s3+$0x0], $0xffff  }
0x2e3: {  	v43 =	vor.u32 v4, v50;
	v49 =	vcvt.s32.f32 v40;
	v40 =	vor.u32 v15, v53;
	v46 =	vld.idx.msk [tilespmem:v54+s3+$0x0], $0xffff  }
0x2e4: {  	s2 =	sadd.s32 $0x8, s2;
	v41 =	vor.u32 v19, v43;
	v48 =	vld.idx.msk [tilespmem:v45+s5+$0x0], $0xffff;
	v45 =	vmul.f32 v52, v18;
	[tilespmem:v51+s6+$0x0] =	vst.idx.msk $0xffff, v55  }
0x2e5: {  	_ =	sdelay $0x2  }
0x2e6: {  	(erf) = vrcp.f32 v49  }
0x2e7: {  	v21 =	vld.idx.msk [tilespmem:v47+s5+$0x0], $0xffff;
	_ =	sdelay $0x4  }
0x2e8: {  	v35 =	vshll.u32 v35, $0x5;
	v44 =	vsub.f32 v46, v44;
	v53 =	vsub.f32 v21, v48  }
0x2e9: {  	v23 =	vadd.s32 s1, v23;
	v54 =	vand.u32 $0x7F80, v35  }
0x2ea: {  	v55 =	vand.u32 $0x8, v23;
	v21 =	vor.u32 v22, v54;
	v56 =	vadd.f32 v53, v44  }
0x2eb: {  	v58 =	vor.u32 v2, v55;
	v57 =	vor.u32 v21, v42;
	v22 =	vpop (erf)  }
0x2ec: {  	v59 =	vor.u32 v24, v58;
	v23 =	vmul.f32 v56, v22  }
0x2ed: {  	v60 =	vor.u32 v28, v58  }
0x2ee: {  	v61 =	vor.u32 v25, v58;
	v23 =	vadd.f32 $6.000000050e-03, v23  }
0x2ef: {  	v62 =	vor.u32 v27, v58  }
0x2f0: {  	[tilespmem:v57+s6+$0x0] =	vst.idx.msk $0xffff, v23  }
0x2f1: {  	v23 =	vld.idx.msk [tilespmem:v59+s3+$0x0], $0xffff  }
0x2f2: {  	v35 =	vld.idx.msk [tilespmem:v60+s3+$0x0], $0xffff  }
0x2f3: {  	v63 =	vld.idx.msk [tilespmem:v61+s5+$0x0], $0xffff  }
0x2f4: {  	v48 =	vld.idx.msk [tilespmem:v62+s5+$0x0], $0xffff;
	_ =	sdelay $0x4  }
0x2f5: {  	v23 =	vsub.f32 v35, v23;
	v49 =	vsub.f32 v48, v63  }
0x2f6: {  	v26 =	vadd.s32 s1, v26  }
0x2f7: {  	v26 =	vand.u32 $0x8, v26;
	v23 =	vadd.f32 v49, v23  }
0x2f8: {  	v26 =	vor.u32 v3, v26;
	v50 =	vor.u32 v21, v58  }
0x2f9: {  	v51 =	vor.u32 v24, v26;
	v23 =	vmul.f32 v23, v22  }
0x2fa: {  	v52 =	vor.u32 v28, v26  }
0x2fb: {  	v53 =	vor.u32 v25, v26;
	v23 =	vadd.f32 $6.000000050e-03, v23  }
0x2fc: {  	v54 =	vor.u32 v27, v26  }
0x2fd: {  	[tilespmem:v50+s6+$0x0] =	vst.idx.msk $0xffff, v23  }
0x2fe: {  	v23 =	vld.idx.msk [tilespmem:v51+s3+$0x0], $0xffff  }
0x2ff: {  	v35 =	vld.idx.msk [tilespmem:v52+s3+$0x0], $0xffff  }
0x300: {  	v55 =	vld.idx.msk [tilespmem:v53+s5+$0x0], $0xffff  }
0x301: {  	v56 =	vld.idx.msk [tilespmem:v54+s5+$0x0], $0xffff;
	_ =	sdelay $0x4  }
0x302: {  	v57 =	vor.u32 v17, v43;
	v23 =	vsub.f32 v35, v23;
	v58 =	vsub.f32 v56, v55  }
0x303: {  	v30 =	vadd.s32 s1, v30;
	v59 =	vadd.f32 $6.000000050e-03, v45;
	v60 =	vor.u32 v20, v43  }
0x304: {  	v30 =	vand.u32 $0x8, v30;
	v61 =	vor.u32 v16, v43;
	v23 =	vadd.f32 v58, v23  }
0x305: {  	v30 =	vor.u32 v4, v30;
	v26 =	vor.u32 v21, v26;
	[tilespmem:v40+s6+$0x0] =	vst.idx.msk $0xffff, v59  }
0x306: {  	v62 =	vld.idx.msk [tilespmem:v41+s3+$0x0], $0xffff;
	v63 =	vor.u32 v24, v30;
	v23 =	vmul.f32 v23, v22  }
0x307: {  	v48 =	vld.idx.msk [tilespmem:v57+s3+$0x0], $0xffff;
	v49 =	vor.u32 v28, v30  }
0x308: {  	v44 =	vld.idx.msk [tilespmem:v60+s5+$0x0], $0xffff;
	v50 =	vor.u32 v25, v30;
	v23 =	vadd.f32 $6.000000050e-03, v23  }
0x309: {  	v45 =	vld.idx.msk [tilespmem:v61+s5+$0x0], $0xffff;
	v51 =	vor.u32 v27, v30  }
0x30a: {  	[tilespmem:v26+s6+$0x0] =	vst.idx.msk $0xffff, v23  }
0x30b: {  	v23 =	vld.idx.msk [tilespmem:v63+s3+$0x0], $0xffff  }
0x30c: {  	v26 =	vld.idx.msk [tilespmem:v49+s3+$0x0], $0xffff  }
0x30d: {  	v52 =	vld.idx.msk [tilespmem:v50+s5+$0x0], $0xffff  }
0x30e: {  	v53 =	vsub.f32 v45, v44;
	v35 =	vsub.f32 v48, v62;
	v54 =	vld.idx.msk [tilespmem:v51+s5+$0x0], $0xffff  }
0x30f: {  	v55 =	vadd.s32 s0, v31  }
0x310: {  	v56 =	vand.u32 $0x8, v55;
	v35 =	vadd.f32 v53, v35  }
0x311: {  	v57 =	vor.u32 v15, v43;
	v41 =	vor.u32 v5, v56  }
0x312: {  	v58 =	vor.u32 v19, v41;
	v35 =	vmul.f32 v35, v18  }
0x313: {  	v59 =	vor.u32 v17, v41;
	v23 =	vsub.f32 v26, v23;
	v60 =	vsub.f32 v54, v52  }
0x314: {  	v62 =	vadd.s32 s1, v31;
	v61 =	vor.u32 v20, v41;
	v35 =	vadd.f32 $6.000000050e-03, v35  }
0x315: {  	v48 =	vand.u32 $0x8, v62;
	v63 =	vor.u32 v16, v41;
	v23 =	vadd.f32 v60, v23  }
0x316: {  	v30 =	vor.u32 v21, v30;
	[tilespmem:v57+s6+$0x0] =	vst.idx.msk $0xffff, v35;
	v26 =	vor.u32 v5, v48  }
0x317: {  	v49 =	vld.idx.msk [tilespmem:v58+s3+$0x0], $0xffff;
	v50 =	vor.u32 v24, v26;
	v23 =	vmul.f32 v23, v22  }
0x318: {  	v43 =	vld.idx.msk [tilespmem:v59+s3+$0x0], $0xffff;
	v51 =	vor.u32 v28, v26  }
0x319: {  	v40 =	vld.idx.msk [tilespmem:v61+s5+$0x0], $0xffff;
	v52 =	vor.u32 v25, v26;
	v23 =	vadd.f32 $6.000000050e-03, v23  }
0x31a: {  	v42 =	vld.idx.msk [tilespmem:v63+s5+$0x0], $0xffff;
	v53 =	vor.u32 v27, v26  }
0x31b: {  	[tilespmem:v30+s6+$0x0] =	vst.idx.msk $0xffff, v23  }
0x31c: {  	v23 =	vld.idx.msk [tilespmem:v50+s3+$0x0], $0xffff  }
0x31d: {  	v30 =	vld.idx.msk [tilespmem:v51+s3+$0x0], $0xffff  }
0x31e: {  	v54 =	vld.idx.msk [tilespmem:v52+s5+$0x0], $0xffff  }
0x31f: {  	v31 =	vsub.f32 v43, v49;
	v40 =	vsub.f32 v42, v40;
	v55 =	vld.idx.msk [tilespmem:v53+s5+$0x0], $0xffff  }
0x320: {  	v56 =	vadd.s32 s0, v32  }
0x321: {  	v43 =	vand.u32 $0x8, v56;
	v31 =	vadd.f32 v40, v31  }
0x322: {  	v41 =	vor.u32 v15, v41;
	v40 =	vor.u32 v6, v43  }
0x323: {  	v43 =	vor.u32 v19, v40;
	v31 =	vmul.f32 v31, v18  }
0x324: {  	v57 =	vor.u32 v17, v40;
	v23 =	vsub.f32 v30, v23;
	v58 =	vsub.f32 v55, v54  }
0x325: {  	v60 =	vadd.s32 s1, v32;
	v59 =	vor.u32 v20, v40;
	v31 =	vadd.f32 $6.000000050e-03, v31  }
0x326: {  	v32 =	vand.u32 $0x8, v60;
	v61 =	vor.u32 v16, v40;
	v23 =	vadd.f32 v58, v23  }
0x327: {  	v26 =	vor.u32 v21, v26;
	[tilespmem:v41+s6+$0x0] =	vst.idx.msk $0xffff, v31;
	v30 =	vor.u32 v6, v32  }
0x328: {  	v31 =	vld.idx.msk [tilespmem:v43+s3+$0x0], $0xffff;
	v32 =	vor.u32 v24, v30;
	v23 =	vmul.f32 v23, v22  }
0x329: {  	v41 =	vld.idx.msk [tilespmem:v57+s3+$0x0], $0xffff;
	v62 =	vor.u32 v28, v30  }
0x32a: {  	v35 =	vld.idx.msk [tilespmem:v59+s5+$0x0], $0xffff;
	v63 =	vor.u32 v25, v30;
	v23 =	vadd.f32 $6.000000050e-03, v23  }
0x32b: {  	v36 =	vsub.f32 v37, v36;
	v45 =	vsub.f32 v39, v38;
	v46 =	vld.idx.msk [tilespmem:v61+s5+$0x0], $0xffff;
	v47 =	vor.u32 v27, v30  }
0x32c: {  	[tilespmem:v26+s6+$0x0] =	vst.idx.msk $0xffff, v23  }
0x32d: {  	v48 =	vadd.s32 s16, v29;
	v50 =	vadd.f32 v45, v36;
	v32 =	vld.idx.msk [tilespmem:v32+s3+$0x0], $0xffff  }
0x32e: {  	v34 =	vor.u32 v9, v34;
	v49 =	vand.u32 $0x8, v48;
	v51 =	vld.idx.msk [tilespmem:v62+s3+$0x0], $0xffff  }
0x32f: {  	v57 =	vadd.s32 s0, v29;
	v23 =	vor.u32 v7, v49;
	v26 =	vmul.f32 v50, v10;
	v53 =	vld.idx.msk [tilespmem:v63+s5+$0x0], $0xffff  }
0x330: {  	v31 =	vsub.f32 v41, v31;
	v35 =	vsub.f32 v46, v35;
	v52 =	vor.u32 v11, v23;
	v55 =	vld.idx.msk [tilespmem:v47+s5+$0x0], $0xffff  }
0x331: {  	v59 =	vor.u32 v15, v40;
	v54 =	vor.u32 v13, v23;
	v26 =	vadd.f32 $6.000000050e-03, v26  }
0x332: {  	v41 =	vand.u32 $0x8, v57;
	v31 =	vadd.f32 v35, v31;
	v56 =	vor.u32 v12, v23  }
0x333: {  	v58 =	vor.u32 v14, v23;
	[tilespmem:v34+s6+$0x0] =	vst.idx.msk $0xffff, v26;
	v26 =	vor.u32 v7, v41  }
0x334: {  	v31 =	vmul.f32 v31, v18;
	v61 =	vor.u32 v19, v26  }
0x335: {  	v41 =	vor.u32 v17, v26;
	v60 =	vld.idx.msk [tilespmem:v52+s3+$0x0], $0xffff;
	v32 =	vsub.f32 v51, v32;
	v63 =	vsub.f32 v55, v53  }
0x336: {  	v47 =	vadd.s32 s1, v29;
	v31 =	vadd.f32 $6.000000050e-03, v31;
	v46 =	vor.u32 v20, v26;
	v62 =	vld.idx.msk [tilespmem:v54+s3+$0x0], $0xffff  }
0x337: {  	v29 =	vand.u32 $0x8, v47;
	v49 =	vor.u32 v16, v26;
	v45 =	vld.idx.msk [tilespmem:v56+s5+$0x0], $0xffff;
	v32 =	vadd.f32 v63, v32  }
0x338: {  	v30 =	vor.u32 v21, v30;
	v29 =	vor.u32 v7, v29;
	[tilespmem:v59+s6+$0x0] =	vst.idx.msk $0xffff, v31;
	v48 =	vld.idx.msk [tilespmem:v58+s5+$0x0], $0xffff  }
0x339: {  	v50 =	vor.u32 v24, v29;
	v31 =	vld.idx.msk [tilespmem:v61+s3+$0x0], $0xffff;
	v32 =	vmul.f32 v32, v22  }
0x33a: {  	v52 =	vor.u32 v28, v29;
	v51 =	vld.idx.msk [tilespmem:v41+s3+$0x0], $0xffff  }
0x33b: {  	v53 =	vor.u32 v25, v29;
	v39 =	vld.idx.msk [tilespmem:v46+s5+$0x0], $0xffff;
	v32 =	vadd.f32 $6.000000050e-03, v32  }
0x33c: {  	v55 =	vor.u32 v27, v29;
	v54 =	vld.idx.msk [tilespmem:v49+s5+$0x0], $0xffff  }
0x33d: {  	v35 =	vsub.f32 v62, v60;
	v38 =	vsub.f32 v48, v45;
	[tilespmem:v30+s6+$0x0] =	vst.idx.msk $0xffff, v32  }
0x33e: {  	v57 =	vadd.s32 s16, v33;
	v32 =	vld.idx.msk [tilespmem:v50+s3+$0x0], $0xffff  }
0x33f: {  	v34 =	vand.u32 $0x8, v57;
	v56 =	vadd.f32 v38, v35;
	v58 =	vld.idx.msk [tilespmem:v52+s3+$0x0], $0xffff  }
0x340: {  	v23 =	vor.u32 v9, v23;
	v34 =	vor.u32 v8, v34;
	v59 =	vld.idx.msk [tilespmem:v53+s5+$0x0], $0xffff  }
0x341: {  	v30 =	vmul.f32 v56, v10;
	v31 =	vsub.f32 v51, v31;
	v60 =	vsub.f32 v54, v39;
	v61 =	vld.idx.msk [tilespmem:v55+s5+$0x0], $0xffff  }
0x342: {  	v26 =	vor.u32 v15, v26;
	v11 =	vor.u32 v11, v34;
	v63 =	vadd.s32 s0, v33  }
0x343: {  	v62 =	vor.u32 v13, v34;
	v30 =	vadd.f32 $6.000000050e-03, v30;
	v31 =	vadd.f32 v60, v31  }
0x344: {  	v42 =	vor.u32 v14, v34;
	v43 =	vand.u32 $0x8, v63;
	v41 =	vor.u32 v12, v34  }
0x345: {  	v49 =	vadd.s32 s1, v33;
	[tilespmem:v23+s6+$0x0] =	vst.idx.msk $0xffff, v30;
	v23 =	vor.u32 v8, v43;
	v44 =	vmul.f32 v31, v18  }
0x346: {  	v45 =	vor.u32 v19, v23;
	v46 =	vsub.f32 v58, v32;
	v47 =	vsub.f32 v61, v59  }
0x347: {  	v33 =	vand.u32 $0x8, v49;
	v11 =	vld.idx.msk [tilespmem:v11+s3+$0x0], $0xffff;
	v48 =	vor.u32 v17, v23  }
0x348: {  	v13 =	vld.idx.msk [tilespmem:v62+s3+$0x0], $0xffff;
	v50 =	vor.u32 v20, v23;
	v30 =	vadd.f32 $6.000000050e-03, v44;
	v31 =	vadd.f32 v47, v46  }
0x349: {  	v29 =	vor.u32 v21, v29;
	v52 =	vor.u32 v8, v33;
	v12 =	vld.idx.msk [tilespmem:v41+s5+$0x0], $0xffff;
	v51 =	vor.u32 v16, v23  }
0x34a: {  	v53 =	vor.u32 v24, v52;
	v14 =	vld.idx.msk [tilespmem:v42+s5+$0x0], $0xffff;
	[tilespmem:v26+s6+$0x0] =	vst.idx.msk $0xffff, v30;
	v54 =	vmul.f32 v31, v22  }
0x34b: {  	v55 =	vor.u32 v28, v52;
	v19 =	vld.idx.msk [tilespmem:v45+s3+$0x0], $0xffff  }
0x34c: {  	v56 =	vor.u32 v25, v52;
	v17 =	vld.idx.msk [tilespmem:v48+s3+$0x0], $0xffff;
	v26 =	vadd.f32 $6.000000050e-03, v54  }
0x34d: {  	v57 =	vor.u32 v27, v52;
	v20 =	vld.idx.msk [tilespmem:v50+s5+$0x0], $0xffff  }
0x34e: {  	v16 =	vld.idx.msk [tilespmem:v51+s5+$0x0], $0xffff;
	[tilespmem:v29+s6+$0x0] =	vst.idx.msk $0xffff, v26  }
0x34f: {  	v24 =	vld.idx.msk [tilespmem:v53+s3+$0x0], $0xffff  }
0x350: {  	v26 =	vld.idx.msk [tilespmem:v55+s3+$0x0], $0xffff  }
0x351: {  	v25 =	vld.idx.msk [tilespmem:v56+s5+$0x0], $0xffff  }
0x352: {  	v27 =	vld.idx.msk [tilespmem:v57+s5+$0x0], $0xffff  }
0x353: {  	v11 =	vsub.f32 v13, v11;
	v12 =	vsub.f32 v14, v12;
	_ =	sdelay $0x1  }
0x354: {  	v11 =	vadd.f32 v12, v11  }
0x355: {  	v58 =	vsub.f32 v17, v19;
	v59 =	vsub.f32 v16, v20  }
0x356: {  	v60 =	vsub.f32 v26, v24;
	v61 =	vsub.f32 v27, v25  }
0x357: {  	v9 =	vor.u32 v9, v34;
	v12 =	vadd.f32 v59, v58  }
0x358: {  	v10 =	vmul.f32 v11, v10;
	v11 =	vor.u32 v15, v23;
	v62 =	vadd.f32 v61, v60  }
0x359: {  	v63 =	vor.u32 v21, v52;
	s9 =	rddreg [dreg:$0x19];
	v12 =	vmul.f32 v12, v18  }
0x35a: {  	s30 =	sshll.u32 s9, $0x14;
	v10 =	vadd.f32 $6.000000050e-03, v10;
	v13 =	vmul.f32 v62, v22  }
0x35b: {  	s0 =	sor.u32 s4, s30;
	v12 =	vadd.f32 $6.000000050e-03, v12  }
0x35c: {  	s31 =	rddreg [dreg:$0x2];
	s2 =	simm.s32 $0x10080;
	s0 =	sshrl.u32 s0, $0x3;
	[tilespmem:v9+s6+$0x0] =	vst.idx.msk $0xffff, v10;
	v9 =	vadd.f32 $6.000000050e-03, v13  }
0x35d: {  	s7 =	simm.s32 $0x1;
	s1 =	simm.s32 $0x200;
	s0 =	sadd.s32 s31, s0;
	[tilespmem:v11+s6+$0x0] =	vst.idx.msk $0xffff, v12  }
0x35e: {  	s5 =	simm.s32 $0x10;
	s3 =	sadd.s32 $0x0, s0;
	[tilespmem:v63+s6+$0x0] =	vst.idx.msk $0xffff, v9;
	s6 =	simm.s32 $0x80  }
.LBB2_9:
0x35f: {  	[hbm4b:s3+s5] =	stream.strided.scatter [tilespmem:s2], [sflag:$0x1], $0x80, s6, s5, $0x38;
	[tilespmem:$0x1A110] =	vst v63  }
0x360: {  	s3 =	smov.u32 s1;
	p0 =	sne.s32 s1, $0x1FE00  }
.Ltmp3:
0x361: {  	s1 =	sadd.s32 $0x200, s1;
	(pc) =	sbr.rel @p0 .LBB2_9-.Ltmp3, $3  }
0x362: {  	_ =	sdelay $0x1  }
0x363: {  	s2 =	sshra.s32 s3, $0x2  }
0x364: {  	s3 =	sadd.s32 s3, s0;
	s2 =	sadd.s32 $0x10080, s2  }
0x365: {  	s9 =	sadd.s32 $0x1, s9  }
0x366: {  	p0 =	sne.s32 s9, $0x8  }
.Ltmp4:
0x367: {  	_ = 	snop;
	(pc) =	sbr.rel @p0 .LBB2_2-.Ltmp4, $4  }
0x368: {  	[hbm4b:s3+s5] =	stream.strided.scatter [tilespmem:s2], [sflag:$0x1], $0x80, s6, s5, $0x38;
	[tilespmem:$0x1A110] =	vst v63  }
0x369: {  	_ =	swait.ge [sflag:s7], $0x8000  }
0x36a: {  	[sflag:s7] =	ssyncset.done $0x0  }
0x36b: {  	[sflag:s7] =	ssyncadd.s32 $0xFFFF8000  }
0x36c: {  	s1 =	rddreg [dreg:$0x18]  }
0x36d: {  	s0 =	rddreg [dreg:$0x16];
	s1 =	sadd.s32 $0x1, s1  }
0x36e: {  	p0 =	sne.s32 s1, s0  }
.Ltmp5:
0x36f: {  	_ = 	snop;
	(pc) =	sbr.rel @p0 .LBB2_1-.Ltmp5, $1  }
0x370: {  	_ =	sdelay $0x3  }
0x371: {  	_ =	sfence.sel $0x180000  }
0x372: {  	[bflag:$0x0] =	sbarrier.arrive $0xFFFF  }
0x373: {  	_ =	strace $0x90000047  }
0x374: {  	s0 =	stileid.u32;
	[bflag:$0x2] =	sbarrier.arrive $0xFFFF  }
0x375: {  	p0 =	sne.s32 s0, $0x0;
	s0 =	rddreg [dreg:$0x3]  }
0x376: {  	s0 =	sadd.s32 @!p0 $0x100000, s0  }
0x377: {  	[sflag:s0] =	ssyncadd.tile.s32 @!p0 $0x1;
	_ =	shalt  }
.Lfunc_end2:
_tile_overlayer_lowered:
.L_overlay_start_2:
0x378: {  	(tag) =	ssettag $0x2  }
0x379: {  	s0 =	rddreg [dreg:$0x0];
	s2 =	stileid.u32  }
0x37a: {  	s1 =	rddreg [dreg:$0x1];
	p0 =	sne.s32 s2, $0x0  }
0x37b: {  	s3 =	rddreg [dreg:$0x2];
	[bflag:$0x3] =	sbarrier.arrive $0xFFFF;
	s2 =	simm.s32 @!p0 $0x1C01  }
0x37c: {  	[timem:s3], [sflag:s2] =	dma.local @!p0 [hbm:s0], s1  }
0x37d: {  	s0 =	simm.s32 @!p0 $0x1  }
0x37e: {  	_ =	swait.ge @!p0 [sflag:s0], s1  }
0x37f: {  	s1 =	ssub.s32 @!p0 $0x0, s1;
	[sflag:s0] =	ssyncset.done @!p0 $0x0  }
0x380: {  	[sflag:s0] =	ssyncadd.s32 @!p0 s1  }
0x381: {  	[bflag:$0x3] =	sbarrier.arrive $0xFFFF  }
0x382: {  	_ =	shalt  }

</sc_bundles>
